<compile_context>
chip_gen: v7x
topology: tpu7x:2x2x1
jax: 0.10.2.dev20260603
libtpu: 0.0.44.dev20260713+nightly
codegen_flags: <defaults>
</compile_context>

<pallas_src>
import functools

import jax
import jax.numpy as jnp
from jax import lax
from jax.experimental import pallas as pl
from jax.experimental.pallas import tpu as pltpu
from jax.experimental.pallas import tpu_sc as plsc

D = H = W = 128
N_PAD = 10240
CHUNK = 160
NUM_CHUNKS = N_PAD // CHUNK
NUM_WORKERS = 32
SLAB_D = D // NUM_WORKERS
SLAB_WORDS = SLAB_D * H * W


def _prep_body(pos_ref, scl_ref, rot_ref, den_ref, rec_ref):
    px, py, pz = pos_ref[0:1, :], pos_ref[1:2, :], pos_ref[2:3, :]
    sx, sy, sz = scl_ref[0:1, :], scl_ref[1:2, :], scl_ref[2:3, :]
    qw, qx, qy, qz = (rot_ref[0:1, :], rot_ref[1:2, :],
                      rot_ref[2:3, :], rot_ref[3:4, :])
    den = den_ref[0:1, :]

    qn = 1.0 / (jnp.sqrt(qw * qw + qx * qx + qy * qy + qz * qz) + 1e-8)
    qw, qx, qy, qz = qw * qn, qx * qn, qy * qn, qz * qn
    r00 = 1.0 - 2.0 * (qy * qy + qz * qz)
    r01 = 2.0 * (qx * qy - qw * qz)
    r02 = 2.0 * (qx * qz + qw * qy)
    r10 = 2.0 * (qx * qy + qw * qz)
    r11 = 1.0 - 2.0 * (qx * qx + qz * qz)
    r12 = 2.0 * (qy * qz - qw * qx)
    r20 = 2.0 * (qx * qz - qw * qy)
    r21 = 2.0 * (qy * qz + qw * qx)
    r22 = 1.0 - 2.0 * (qx * qx + qy * qy)
    i0 = 1.0 / (sx * sx + 1e-8)
    i1 = 1.0 / (sy * sy + 1e-8)
    i2 = 1.0 / (sz * sz + 1e-8)
    a00 = r00 * r00 * i0 + r01 * r01 * i1 + r02 * r02 * i2
    a01 = r00 * r10 * i0 + r01 * r11 * i1 + r02 * r12 * i2
    a02 = r00 * r20 * i0 + r01 * r21 * i1 + r02 * r22 * i2
    a11 = r10 * r10 * i0 + r11 * r11 * i1 + r12 * r12 * i2
    a12 = r10 * r20 * i0 + r11 * r21 * i1 + r12 * r22 * i2
    a22 = r20 * r20 * i0 + r21 * r21 * i1 + r22 * r22 * i2
    c = -0.5 / 4096.0
    half = 64.0
    pvx = (px + 1.0) * half - 0.5
    pvy = (py + 1.0) * half - 0.5
    pvz = (pz + 1.0) * half - 0.5
    rad = jnp.maximum(sx, jnp.maximum(sy, sz)) * half * 3.0
    hi = jnp.float32(D - 1)
    mnd = jnp.clip(jnp.floor(pvx - rad), 0.0, hi).astype(jnp.int32)
    mnh = jnp.clip(jnp.floor(pvy - rad), 0.0, hi).astype(jnp.int32)
    mnw = jnp.clip(jnp.floor(pvz - rad), 0.0, hi).astype(jnp.int32)
    exd = (jnp.clip(jnp.ceil(pvx + rad), 0.0, hi) + 1.0).astype(jnp.int32) - mnd
    exh = (jnp.clip(jnp.ceil(pvy + rad), 0.0, hi) + 1.0).astype(jnp.int32) - mnh
    exw = (jnp.clip(jnp.ceil(pvz + rad), 0.0, hi) + 1.0).astype(jnp.int32) - mnw

    bits = lambda x: lax.bitcast_convert_type(x, jnp.int32)
    rec_ref[0:1, :] = mnd + mnh * 256 + mnw * 65536
    rec_ref[1:2, :] = exd + exh * 256 + exw * 65536
    rec_ref[2:3, :] = bits(pvx)
    rec_ref[3:4, :] = bits(pvy)
    rec_ref[4:5, :] = bits(pvz)
    rec_ref[5:6, :] = bits(c * a00)
    rec_ref[6:7, :] = bits(c * a11)
    rec_ref[7:8, :] = bits(c * a22)
    rec_ref[8:9, :] = bits(2.0 * c * a01)
    rec_ref[9:10, :] = bits(2.0 * c * a02)
    rec_ref[10:11, :] = bits(2.0 * c * a12)
    rec_ref[11:12, :] = bits(den)
    zero_i = jnp.zeros_like(mnd)
    for r in range(12, 16):
        rec_ref[r:r + 1, :] = zero_i


def _sc_body(rec_hbm, out_hbm, rec_a, rec_b, wl_v, slab_v, sem_a, sem_b):
    wid = lax.axis_index("s") * 2 + lax.axis_index("c")
    sbeg = wid * SLAB_D
    send = sbeg + SLAB_D
    lanes = lax.iota(jnp.int32, 16)
    zeros16 = jnp.zeros((16,), jnp.float32)
    zlanes = jnp.zeros((16,), jnp.int32)
    ones16 = zlanes + 1

    def zero_body(i):
        slab_v[pl.ds(i * 16, 16)] = zeros16

    plsc.parallel_loop(0, SLAB_WORDS // 16, unroll=8)(zero_body)

    def copy_in(ci, buf, sem):
        return pltpu.make_async_copy(
            rec_hbm.at[pl.ds(ci * CHUNK, CHUNK), :], buf, sem)

    def process(rec_v, ci):
        def scan_body(grp, wp):
            g16 = grp * 16 + lanes
            w0v = plsc.load_gather(rec_v, [g16, zlanes])
            w1v = plsc.load_gather(rec_v, [g16, ones16])
            d0v = jnp.bitwise_and(w0v, 255)
            edv = jnp.bitwise_and(w1v, 255)
            hit = jnp.logical_and(d0v < send, d0v + edv > sbeg)
            cnt = plsc.all_reduce_population_count(hit)[0]

            @pl.when(cnt > 0)
            def _():
                plsc.store_compressed(wl_v.at[pl.ds(wp, 16)], g16, mask=hit)

            return wp + cnt

        nhits = lax.fori_loop(0, CHUNK // 16, scan_body, 0)

        def g_body(i):
            g = plsc.load_gather(wl_v, [jnp.broadcast_to(i, (16,))])[0]
            vi = rec_v[g, :]
            w0w = vi[0]
            w1w = vi[1]
            d0 = jnp.bitwise_and(w0w, 255)
            h0 = jnp.bitwise_and(lax.shift_right_logical(w0w, 8), 255)
            w0 = lax.shift_right_logical(w0w, 16)
            ed = jnp.bitwise_and(w1w, 255)
            eh = jnp.bitwise_and(lax.shift_right_logical(w1w, 8), 255)
            ew = lax.shift_right_logical(w1w, 16)
            vf = plsc.bitcast(vi, jnp.float32)
            pvx = vf[2]
            pvy = vf[3]
            pvz = vf[4]
            s00 = vf[5]
            s11 = vf[6]
            s22 = vf[7]
            s01 = vf[8]
            s02 = vf[9]
            s12 = vf[10]
            den = vf[11]
            dlo = jnp.maximum(d0, sbeg)
            dhi = jnp.minimum(d0 + ed, send)
            nrow = (dhi - dlo) * eh
            wlan = w0 + lanes
            fz = wlan.astype(jnp.float32) - pvz
            czz = s22 * fz * fz
            cz1 = s02 * fz
            cz2 = s12 * fz
            kmask = lanes < ew
            rowb0 = h0 * W + wlan - sbeg * (H * W)

            def row_body(rowi):
                t = lax.div(rowi, eh)
                j = rowi - t * eh
                dd = dlo + t
                fxv = jnp.broadcast_to(dd, (16,)).astype(jnp.float32) - pvx
                fyv = jnp.broadcast_to(h0 + j, (16,)).astype(jnp.float32) - pvy
                arg = (fxv * (s00 * fxv + s01 * fyv + cz1)
                       + fyv * (s11 * fyv + cz2) + czz)
                wt = jnp.exp(arg) * den
                idx = rowb0 + dd * (H * W) + j * W
                plsc.addupdate_scatter(slab_v, [idx], wt, mask=kmask)

            plsc.parallel_loop(0, nrow, unroll=4)(row_body)

        plsc.parallel_loop(0, nhits, unroll=2)(g_body)

    copy_in(0, rec_a, sem_a).start()

    def outer_body(k, carry):
        ci = k * 2
        copy_in(ci, rec_a, sem_a).wait()
        copy_in(ci + 1, rec_b, sem_b).start()
        process(rec_a, ci)
        copy_in(ci + 1, rec_b, sem_b).wait()

        @pl.when(ci + 2 < NUM_CHUNKS)
        def _():
            copy_in(ci + 2, rec_a, sem_a).start()

        process(rec_b, ci + 1)
        return carry

    lax.fori_loop(0, NUM_CHUNKS // 2, outer_body, 0)
    pltpu.sync_copy(slab_v, out_hbm.at[pl.ds(wid * SLAB_WORDS, SLAB_WORDS)])


def kernel(positions, scales, rotations, density):
    n = positions.shape[0]
    pad = N_PAD - n
    pos_t = jnp.pad(positions, ((0, pad), (0, 0))).T
    scl_t = jnp.pad(scales, ((0, pad), (0, 0))).T
    rot_t = jnp.pad(rotations, ((0, pad), (0, 0))).T
    den_t = jnp.pad(density, (0, pad)).reshape(1, N_PAD)

    rec_t = pl.pallas_call(
        _prep_body,
        out_shape=jax.ShapeDtypeStruct((16, N_PAD), jnp.int32),
    )(pos_t, scl_t, rot_t, den_t)
    rec = rec_t.T

    mesh = plsc.VectorSubcoreMesh(core_axis_name="c", subcore_axis_name="s")
    sc_fn = functools.partial(
        pl.kernel,
        mesh=mesh,
        compiler_params=pltpu.CompilerParams(needs_layout_passes=False),
        out_type=jax.ShapeDtypeStruct((D * H * W,), jnp.float32),
        scratch_types=[
            pltpu.VMEM((CHUNK, 16), jnp.int32),
            pltpu.VMEM((CHUNK, 16), jnp.int32),
            pltpu.VMEM((CHUNK + 16,), jnp.int32),
            pltpu.VMEM((SLAB_WORDS,), jnp.float32),
            pltpu.SemaphoreType.DMA,
            pltpu.SemaphoreType.DMA,
        ],
    )(_sc_body)
    volume = sc_fn(rec)
    return volume.reshape(D, H, W).astype(jnp.complex64)

# --- scband reference (transcript-rebuilt; emitter-appended) ---
"""Pipeline reference for scband-voxelizer-69020124446919 (READ-ONLY COPY).

The authoritative reference and input builder live on the scoring server;
editing this copy changes nothing except your own understanding.
"""

import jax, jax.numpy as jnp
import numpy as np

D, H, W = 128, 128, 128
N = 10000


def quaternion_to_rotation_matrix(q):
    q = q / (jnp.linalg.norm(q, axis=-1, keepdims=True) + 1e-8)
    w, x, y, z = q[..., 0], q[..., 1], q[..., 2], q[..., 3]
    r0 = jnp.stack([1 - 2 * (y * y + z * z), 2 * (x * y - w * z), 2 * (x * z + w * y)], axis=-1)
    r1 = jnp.stack([2 * (x * y + w * z), 1 - 2 * (x * x + z * z), 2 * (y * z - w * x)], axis=-1)
    r2 = jnp.stack([2 * (x * z - w * y), 2 * (y * z + w * x), 1 - 2 * (x * x + y * y)], axis=-1)
    return jnp.stack([r0, r1, r2], axis=-2)


def setup_inputs(seed: int = 0) -> dict:
    key = jax.random.key(seed)
    k1, k2, k3, k4 = jax.random.split(key, 4)
    positions = jax.random.uniform(k1, (N, 3), jnp.float32, -1.0, 1.0) * 0.95
    scales = 0.004 + 0.012 * jax.random.uniform(k2, (N, 3), jnp.float32)
    rotations = jax.random.normal(k3, (N, 4), jnp.float32)
    density = jax.random.uniform(k4, (N,), jnp.float32)
    return {"positions": positions, "scales": scales, "rotations": rotations, "density": density}


def reference(positions, scales, rotations, density):
    half = jnp.array([D / 2, H / 2, W / 2], dtype=jnp.float32)
    dims = jnp.array([D, H, W], dtype=jnp.int32)
    cutoff = 3.0
    # --- integer bounding boxes (non-differentiable, identical to torch loop) ---
    pos_vox = (positions + 1.0) * half - 0.5
    radius_vox = (scales * half).max(axis=-1) * cutoff
    min_idx = jnp.clip(jnp.floor(pos_vox - radius_vox[:, None]), 0, (dims - 1).astype(jnp.float32)).astype(jnp.int32)
    max_idx = jnp.clip(jnp.ceil(pos_vox + radius_vox[:, None]), 0, (dims - 1).astype(jnp.float32)).astype(jnp.int32) + 1
    extent = max_idx - min_idx  # always >= 1 here given clamping and positions in [-1,1]
    Kd = Kh = Kw = 10
    offs = jnp.stack(jnp.meshgrid(jnp.arange(Kd), jnp.arange(Kh), jnp.arange(Kw), indexing='ij'), axis=-1)  # [Kd,Kh,Kw,3]
    grid_pts = (min_idx[:, None, None, None, :] + offs[None]).astype(jnp.int32)  # [N,Kd,Kh,Kw,3]
    mask = jnp.all(offs[None] < extent[:, None, None, None, :], axis=-1)  # [N,Kd,Kh,Kw]
    grid_cl = jnp.minimum(grid_pts, (dims - 1).astype(jnp.int32))
    flat_idx = (grid_cl[..., 0].astype(jnp.int32) * H + grid_cl[..., 1]) * W + grid_cl[..., 2]
    grid_norm = (grid_pts.astype(jnp.float32) + 0.5) / half - 1.0  # [N,Kd,Kh,Kw,3]
    # --- differentiable math, identical to torch inner loop, vectorized over gaussians and voxels ---
    R = quaternion_to_rotation_matrix(rotations)
    inv_s_sq = 1.0 / (scales ** 2 + 1e-8)
    cov_inv = jnp.einsum('nij,nj,nkj->nik', R, inv_s_sq, R)
    diff = grid_norm - positions[:, None, None, None, :]
    mahal = jnp.einsum('nabci,nij,nabcj->nabc', diff, cov_inv, diff)
    weights = jnp.exp(-0.5 * mahal) * density[:, None, None, None] * mask.astype(jnp.float32)
    volume = jnp.zeros((D * H * W,), jnp.float32).at[flat_idx.ravel()].add(weights.ravel())
    return volume.reshape(D, H, W).astype(jnp.complex64)

if __name__ == "__main__":
    import jax
    _d = setup_inputs()
    print(jax.jit(kernel)(*tuple(_d.values())))

</pallas_src>

<mosaic_0001>
#map = affine_map<(d0, d1) -> (0, 0)>
#map1 = affine_map<(d0, d1) -> (0)>
module attributes {stable_mosaic.version = 14 : i64} {
  func.func @_sc_body(%arg0: i32, %arg1: i32, %arg2: memref<10240x16xi32, #tpu.memory_space<hbm>>, %arg3: memref<2097152xf32, #tpu.memory_space<hbm>>, %arg4: memref<160x16xi32, #tpu.memory_space<vmem>>, %arg5: memref<160x16xi32, #tpu.memory_space<vmem>>, %arg6: memref<176xi32, #tpu.memory_space<vmem>>, %arg7: memref<65536xf32, #tpu.memory_space<vmem>>, %arg8: memref<!tpu.dma_semaphore, #tpu.memory_space<semaphore_mem>>, %arg9: memref<!tpu.dma_semaphore, #tpu.memory_space<semaphore_mem>>) attributes {dimension_semantics = [#tpu.dimension_semantics<core_parallel>, #tpu.dimension_semantics<subcore_parallel>], iteration_bounds = array<i64: 2, 16>, scalar_prefetch = 0 : i64, scratch_operands = 6 : i64, tpu.core_type = #tpu.core_type<sc_vector_subcore>, window_params = [{transform_indices = #map}, {transform_indices = #map1}]} {
    %mul3A = arith.constant 2 : i32
    %mul3A_0 = arith.muli %arg1, %mul3A : i32
    %add3A = arith.addi %mul3A_0, %arg0 : i32
    %mul3A_1 = arith.constant 4 : i32
    %mul3A_2 = arith.muli %add3A, %mul3A_1 : i32
    %add3A_3 = arith.constant 4 : i32
    %add3A_4 = arith.addi %mul3A_2, %add3A_3 : i32
    %iota3A = tpu.iota {dimensions = array<i32: 0>} : vector<16xi32>
    %broadcast_in_dim3A = arith.constant 0.000000e+00 : f32
    %broadcast_in_dim3A_5 = vector.broadcast %broadcast_in_dim3A : f32 to vector<16xf32>
    %broadcast_in_dim3A_6 = arith.constant 0 : i32
    %broadcast_in_dim3A_7 = vector.broadcast %broadcast_in_dim3A_6 : i32 to vector<16xi32>
    %add3A_8 = arith.constant 1 : i32
    %add3A_9 = vector.broadcast %add3A_8 : i32 to vector<16xi32>
    %add3A_10 = arith.addi %broadcast_in_dim3A_7, %add3A_9 : vector<16xi32>
    %parallel_loop3A = arith.constant 0 : i32
    %parallel_loop3A_11 = arith.constant 4096 : i32
    %parallel_loop3A_12 = arith.constant 1 : i32
    scf.for %parallel_loop3A_25 = %parallel_loop3A to %parallel_loop3A_11 step %parallel_loop3A_12  : i32 {
      %parallel_loop3A_26 = arith.constant 16 : i32
      %parallel_loop3A_27 = arith.muli %parallel_loop3A_25, %parallel_loop3A_26 : i32
      %parallel_loop3A_28 = arith.index_cast %parallel_loop3A_27 : i32 to index
      %parallel_loop3A_29 = tpu.vector_load %arg7[%parallel_loop3A_28] {strides = array<i32>} : memref<65536xf32, #tpu.memory_space<vmem>>, vector<16xf32>,
      tpu.vector_store %arg7[%parallel_loop3A_28], %broadcast_in_dim3A_5 {strides = array<i32>} : memref<65536xf32, #tpu.memory_space<vmem>>, vector<16xf32>,
    } {sc.loop_unroll_factor = 8 : i64, sc.parallel_access}
    %dma_start3A = arith.constant 0 : i32
    %dma_start3A_13 = arith.constant 0 : i32
    %dma_start3A_14 = tpu.memref_slice %arg2[%dma_start3A, %dma_start3A_13] : memref<10240x16xi32, #tpu.memory_space<hbm>> -> memref<160x16xi32, #tpu.memory_space<hbm>>
    %dma_start3A_15 = arith.constant 0 : i32
    %dma_start3A_16 = arith.constant 0 : i32
    %dma_start3A_17 = tpu.memref_slice %arg2[%dma_start3A_15, %dma_start3A_16] : memref<10240x16xi32, #tpu.memory_space<hbm>> -> memref<160x16xi32, #tpu.memory_space<hbm>>
    tpu.enqueue_dma source(%dma_start3A_17 : memref<160x16xi32, #tpu.memory_space<hbm>>) target(%arg4 : memref<160x16xi32, #tpu.memory_space<vmem>>) target_semaphore(%arg8 : memref<!tpu.dma_semaphore, #tpu.memory_space<semaphore_mem>>)
    %scan3A = arith.constant 0 : i32
    %scan3A_18 = arith.constant 0 : i32
    %scan3A_19 = arith.constant 32 : i32
    %scan3A_20 = arith.addi %scan3A_18, %scan3A_19 : i32
    %scan3A_21 = arith.constant 1 : i32
    scf.for %scan3A_25 = %scan3A_18 to %scan3A_20 step %scan3A_21  : i32 {
      %mul3A_26 = arith.constant 2 : i32
      %mul3A_27 = arith.muli %scan3A_25, %mul3A_26 : i32
      %mul3A_28 = arith.constant 160 : i32
      %mul3A_29 = arith.muli %mul3A_27, %mul3A_28 : i32
      %dma_wait3A = arith.constant 0 : i32
      %dma_wait3A_30 = tpu.memref_slice %arg2[%mul3A_29, %dma_wait3A] : memref<10240x16xi32, #tpu.memory_space<hbm>> -> memref<160x16xi32, #tpu.memory_space<hbm>>
      %dma_wait3A_31 = arith.constant 0 : i32
      %dma_wait3A_32 = tpu.memref_slice %arg2[%mul3A_29, %dma_wait3A_31] : memref<10240x16xi32, #tpu.memory_space<hbm>> -> memref<160x16xi32, #tpu.memory_space<hbm>>
      tpu.wait_dma2 semaphore(%arg8 : memref<!tpu.dma_semaphore, #tpu.memory_space<semaphore_mem>>) src(%dma_wait3A_32 : memref<160x16xi32, #tpu.memory_space<hbm>>) dst(%arg4 : memref<160x16xi32, #tpu.memory_space<vmem>>)
      %add3A_33 = arith.constant 1 : i32
      %add3A_34 = arith.addi %mul3A_27, %add3A_33 : i32
      %mul3A_35 = arith.constant 160 : i32
      %mul3A_36 = arith.muli %add3A_34, %mul3A_35 : i32
      %dma_start3A_37 = arith.constant 0 : i32
      %dma_start3A_38 = tpu.memref_slice %arg2[%mul3A_36, %dma_start3A_37] : memref<10240x16xi32, #tpu.memory_space<hbm>> -> memref<160x16xi32, #tpu.memory_space<hbm>>
      %dma_start3A_39 = arith.constant 0 : i32
      %dma_start3A_40 = tpu.memref_slice %arg2[%mul3A_36, %dma_start3A_39] : memref<10240x16xi32, #tpu.memory_space<hbm>> -> memref<160x16xi32, #tpu.memory_space<hbm>>
      tpu.enqueue_dma source(%dma_start3A_40 : memref<160x16xi32, #tpu.memory_space<hbm>>) target(%arg5 : memref<160x16xi32, #tpu.memory_space<vmem>>) target_semaphore(%arg9 : memref<!tpu.dma_semaphore, #tpu.memory_space<semaphore_mem>>)
      %scan3A_41 = arith.constant 0 : i32
      %scan3A_42 = arith.constant 0 : i32
      %scan3A_43 = arith.constant 10 : i32
      %scan3A_44 = arith.addi %scan3A_42, %scan3A_43 : i32
      %scan3A_45 = arith.constant 1 : i32
      %scan3A_46 = scf.for %scan3A_73 = %scan3A_42 to %scan3A_44 step %scan3A_45 iter_args(%scan3A_74 = %scan3A_41) -> (i32)  : i32 {
        %mul3A_75 = arith.constant 16 : i32
        %mul3A_76 = arith.muli %scan3A_73, %mul3A_75 : i32
        %add3A_77 = vector.broadcast %mul3A_76 : i32 to vector<16xi32>
        %add3A_78 = arith.addi %add3A_77, %iota3A : vector<16xi32>
        %gather3A = tpu.vector_load_idx %arg4[%add3A_78, %broadcast_in_dim3A_7] : memref<160x16xi32, #tpu.memory_space<vmem>>[vector<16xi32>, vector<16xi32>], vector<16xi32>,
        %gather3A_79 = tpu.vector_load_idx %arg4[%add3A_78, %add3A_10] : memref<160x16xi32, #tpu.memory_space<vmem>>[vector<16xi32>, vector<16xi32>], vector<16xi32>,
        %and3A = arith.constant 255 : i32
        %and3A_80 = vector.broadcast %and3A : i32 to vector<16xi32>
        %and3A_81 = arith.andi %gather3A, %and3A_80 : vector<16xi32>
        %and3A_82 = arith.constant 255 : i32
        %and3A_83 = vector.broadcast %and3A_82 : i32 to vector<16xi32>
        %and3A_84 = arith.andi %gather3A_79, %and3A_83 : vector<16xi32>
        %lt3A_85 = vector.broadcast %add3A_4 : i32 to vector<16xi32>
        %lt3A_86 = arith.cmpi slt, %and3A_81, %lt3A_85 : vector<16xi32>
        %add3A_87 = arith.addi %and3A_81, %and3A_84 : vector<16xi32>
        %gt3A = vector.broadcast %mul3A_2 : i32 to vector<16xi32>
        %gt3A_88 = arith.cmpi sgt, %add3A_87, %gt3A : vector<16xi32>
        %and3A_89 = arith.andi %lt3A_86, %gt3A_88 : vector<16xi1>
        %all_reduce_population_count3A = tpu.all_reduce %and3A_89 {dim = 0 : i64, kind = #tpu.reduction_kind<sum>} : vector<16xi1> -> vector<16xi32>
        %slice3A = vector.extract_strided_slice %all_reduce_population_count3A {offsets = [0], sizes = [1], strides = [1]} : vector<16xi32> to vector<1xi32>
        %squeeze3A = vector.extract %slice3A[0] : i32 from vector<1xi32>
        %gt3A_90 = arith.constant 0 : i32
        %gt3A_91 = arith.cmpi sgt, %squeeze3A, %gt3A_90 : i32
        %convert_element_type3A_92 = arith.extui %gt3A_91 : i1 to i32
        %cond3A_93 = arith.constant 0 : i32
        %cond3A_94 = arith.cmpi ne, %convert_element_type3A_92, %cond3A_93 : i32
        scf.if %cond3A_94 {
          %swap3A = arith.index_cast %scan3A_74 : i32 to index
          %swap3A_96 = tpu.vector_load %arg6[%swap3A] masked %and3A_89 {strides = array<i32>} : memref<176xi32, #tpu.memory_space<vmem>>, vector<16xi32>, vector<16xi1>
          tpu.vector_store %arg6[%swap3A], %add3A_78 masked %and3A_89 {strides = array<i32>} : memref<176xi32, #tpu.memory_space<vmem>>, vector<16xi32>, vector<16xi1>
        } else {
        }
        %add3A_95 = arith.addi %scan3A_74, %squeeze3A : i32
        scf.yield %add3A_95 : i32
      }
      %scan3A_47 = arith.constant 10 : i32
      %parallel_loop3A_48 = arith.constant 0 : i32
      %parallel_loop3A_49 = arith.constant 1 : i32
      scf.for %parallel_loop3A_73 = %parallel_loop3A_48 to %scan3A_46 step %parallel_loop3A_49  : i32 {
        %parallel_loop3A_74 = vector.broadcast %parallel_loop3A_73 : i32 to vector<16xi32>
        %parallel_loop3A_75 = tpu.vector_load_idx %arg6[%parallel_loop3A_74] : memref<176xi32, #tpu.memory_space<vmem>>[vector<16xi32>], vector<16xi32>,
        %parallel_loop3A_76 = vector.extract_strided_slice %parallel_loop3A_75 {offsets = [0], sizes = [1], strides = [1]} : vector<16xi32> to vector<1xi32>
        %parallel_loop3A_77 = vector.extract %parallel_loop3A_76[0] : i32 from vector<1xi32>
        %parallel_loop3A_78 = arith.index_cast %parallel_loop3A_77 : i32 to index
        %parallel_loop3A_79 = arith.constant 0 : index
        %parallel_loop3A_80 = tpu.vector_load %arg4[%parallel_loop3A_78, %parallel_loop3A_79] {strides = array<i32>} : memref<160x16xi32, #tpu.memory_space<vmem>>, vector<16xi32>,
        %parallel_loop3A_81 = vector.extract_strided_slice %parallel_loop3A_80 {offsets = [0], sizes = [1], strides = [1]} : vector<16xi32> to vector<1xi32>
        %parallel_loop3A_82 = vector.extract %parallel_loop3A_81[0] : i32 from vector<1xi32>
        %parallel_loop3A_83 = vector.extract_strided_slice %parallel_loop3A_80 {offsets = [1], sizes = [1], strides = [1]} : vector<16xi32> to vector<1xi32>
        %parallel_loop3A_84 = vector.extract %parallel_loop3A_83[0] : i32 from vector<1xi32>
        %parallel_loop3A_85 = arith.constant 255 : i32
        %parallel_loop3A_86 = arith.andi %parallel_loop3A_82, %parallel_loop3A_85 : i32
        %parallel_loop3A_87 = arith.constant 8 : i32
        %parallel_loop3A_88 = arith.shrui %parallel_loop3A_82, %parallel_loop3A_87 : i32
        %parallel_loop3A_89 = arith.constant 255 : i32
        %parallel_loop3A_90 = arith.andi %parallel_loop3A_88, %parallel_loop3A_89 : i32
        %parallel_loop3A_91 = arith.constant 16 : i32
        %parallel_loop3A_92 = arith.shrui %parallel_loop3A_82, %parallel_loop3A_91 : i32
        %parallel_loop3A_93 = arith.constant 255 : i32
        %parallel_loop3A_94 = arith.andi %parallel_loop3A_84, %parallel_loop3A_93 : i32
        %parallel_loop3A_95 = arith.constant 8 : i32
        %parallel_loop3A_96 = arith.shrui %parallel_loop3A_84, %parallel_loop3A_95 : i32
        %parallel_loop3A_97 = arith.constant 255 : i32
        %parallel_loop3A_98 = arith.andi %parallel_loop3A_96, %parallel_loop3A_97 : i32
        %parallel_loop3A_99 = arith.constant 16 : i32
        %parallel_loop3A_100 = arith.shrui %parallel_loop3A_84, %parallel_loop3A_99 : i32
        %parallel_loop3A_101 = vector.bitcast %parallel_loop3A_80 : vector<16xi32> to vector<16xf32>
        %parallel_loop3A_102 = vector.extract_strided_slice %parallel_loop3A_101 {offsets = [2], sizes = [1], strides = [1]} : vector<16xf32> to vector<1xf32>
        %parallel_loop3A_103 = vector.extract %parallel_loop3A_102[0] : f32 from vector<1xf32>
        %parallel_loop3A_104 = vector.extract_strided_slice %parallel_loop3A_101 {offsets = [3], sizes = [1], strides = [1]} : vector<16xf32> to vector<1xf32>
        %parallel_loop3A_105 = vector.extract %parallel_loop3A_104[0] : f32 from vector<1xf32>
        %parallel_loop3A_106 = vector.extract_strided_slice %parallel_loop3A_101 {offsets = [4], sizes = [1], strides = [1]} : vector<16xf32> to vector<1xf32>
        %parallel_loop3A_107 = vector.extract %parallel_loop3A_106[0] : f32 from vector<1xf32>
        %parallel_loop3A_108 = vector.extract_strided_slice %parallel_loop3A_101 {offsets = [5], sizes = [1], strides = [1]} : vector<16xf32> to vector<1xf32>
        %parallel_loop3A_109 = vector.extract %parallel_loop3A_108[0] : f32 from vector<1xf32>
        %parallel_loop3A_110 = vector.extract_strided_slice %parallel_loop3A_101 {offsets = [6], sizes = [1], strides = [1]} : vector<16xf32> to vector<1xf32>
        %parallel_loop3A_111 = vector.extract %parallel_loop3A_110[0] : f32 from vector<1xf32>
        %parallel_loop3A_112 = vector.extract_strided_slice %parallel_loop3A_101 {offsets = [7], sizes = [1], strides = [1]} : vector<16xf32> to vector<1xf32>
        %parallel_loop3A_113 = vector.extract %parallel_loop3A_112[0] : f32 from vector<1xf32>
        %parallel_loop3A_114 = vector.extract_strided_slice %parallel_loop3A_101 {offsets = [8], sizes = [1], strides = [1]} : vector<16xf32> to vector<1xf32>
        %parallel_loop3A_115 = vector.extract %parallel_loop3A_114[0] : f32 from vector<1xf32>
        %parallel_loop3A_116 = vector.extract_strided_slice %parallel_loop3A_101 {offsets = [9], sizes = [1], strides = [1]} : vector<16xf32> to vector<1xf32>
        %parallel_loop3A_117 = vector.extract %parallel_loop3A_116[0] : f32 from vector<1xf32>
        %parallel_loop3A_118 = vector.extract_strided_slice %parallel_loop3A_101 {offsets = [10], sizes = [1], strides = [1]} : vector<16xf32> to vector<1xf32>
        %parallel_loop3A_119 = vector.extract %parallel_loop3A_118[0] : f32 from vector<1xf32>
        %parallel_loop3A_120 = vector.extract_strided_slice %parallel_loop3A_101 {offsets = [11], sizes = [1], strides = [1]} : vector<16xf32> to vector<1xf32>
        %parallel_loop3A_121 = vector.extract %parallel_loop3A_120[0] : f32 from vector<1xf32>
        %parallel_loop3A_122 = arith.maxsi %parallel_loop3A_86, %mul3A_2 : i32
        %parallel_loop3A_123 = arith.addi %parallel_loop3A_86, %parallel_loop3A_94 : i32
        %parallel_loop3A_124 = arith.minsi %parallel_loop3A_123, %add3A_4 : i32
        %parallel_loop3A_125 = arith.subi %parallel_loop3A_124, %parallel_loop3A_122 : i32
        %parallel_loop3A_126 = arith.muli %parallel_loop3A_125, %parallel_loop3A_98 : i32
        %parallel_loop3A_127 = vector.broadcast %parallel_loop3A_92 : i32 to vector<16xi32>
        %parallel_loop3A_128 = arith.addi %parallel_loop3A_127, %iota3A : vector<16xi32>
        %parallel_loop3A_129 = arith.sitofp %parallel_loop3A_128 : vector<16xi32> to vector<16xf32>
        %parallel_loop3A_130 = vector.broadcast %parallel_loop3A_107 : f32 to vector<16xf32>
        %parallel_loop3A_131 = arith.subf %parallel_loop3A_129, %parallel_loop3A_130 : vector<16xf32>
        %parallel_loop3A_132 = vector.broadcast %parallel_loop3A_113 : f32 to vector<16xf32>
        %parallel_loop3A_133 = arith.mulf %parallel_loop3A_132, %parallel_loop3A_131 : vector<16xf32>
        %parallel_loop3A_134 = arith.mulf %parallel_loop3A_133, %parallel_loop3A_131 : vector<16xf32>
        %parallel_loop3A_135 = vector.broadcast %parallel_loop3A_117 : f32 to vector<16xf32>
        %parallel_loop3A_136 = arith.mulf %parallel_loop3A_135, %parallel_loop3A_131 : vector<16xf32>
        %parallel_loop3A_137 = vector.broadcast %parallel_loop3A_119 : f32 to vector<16xf32>
        %parallel_loop3A_138 = arith.mulf %parallel_loop3A_137, %parallel_loop3A_131 : vector<16xf32>
        %parallel_loop3A_139 = vector.broadcast %parallel_loop3A_100 : i32 to vector<16xi32>
        %parallel_loop3A_140 = arith.cmpi slt, %iota3A, %parallel_loop3A_139 : vector<16xi32>
        %parallel_loop3A_141 = arith.constant 128 : i32
        %parallel_loop3A_142 = arith.muli %parallel_loop3A_90, %parallel_loop3A_141 : i32
        %parallel_loop3A_143 = vector.broadcast %parallel_loop3A_142 : i32 to vector<16xi32>
        %parallel_loop3A_144 = arith.addi %parallel_loop3A_143, %parallel_loop3A_128 : vector<16xi32>
        %parallel_loop3A_145 = arith.constant 16384 : i32
        %parallel_loop3A_146 = arith.muli %mul3A_2, %parallel_loop3A_145 : i32
        %parallel_loop3A_147 = vector.broadcast %parallel_loop3A_146 : i32 to vector<16xi32>
        %parallel_loop3A_148 = arith.subi %parallel_loop3A_144, %parallel_loop3A_147 : vector<16xi32>
        %parallel_loop3A_149 = arith.constant 0 : i32
        %parallel_loop3A_150 = arith.constant 1 : i32
        scf.for %parallel_loop3A_151 = %parallel_loop3A_149 to %parallel_loop3A_126 step %parallel_loop3A_150  : i32 {
          %parallel_loop3A_152 = arith.divsi %parallel_loop3A_151, %parallel_loop3A_98 : i32
          %parallel_loop3A_153 = arith.muli %parallel_loop3A_152, %parallel_loop3A_98 : i32
          %parallel_loop3A_154 = arith.subi %parallel_loop3A_151, %parallel_loop3A_153 : i32
          %parallel_loop3A_155 = arith.addi %parallel_loop3A_122, %parallel_loop3A_152 : i32
          %parallel_loop3A_156 = vector.broadcast %parallel_loop3A_155 : i32 to vector<16xi32>
          %parallel_loop3A_157 = arith.sitofp %parallel_loop3A_156 : vector<16xi32> to vector<16xf32>
          %parallel_loop3A_158 = vector.broadcast %parallel_loop3A_103 : f32 to vector<16xf32>
          %parallel_loop3A_159 = arith.subf %parallel_loop3A_157, %parallel_loop3A_158 : vector<16xf32>
          %parallel_loop3A_160 = arith.addi %parallel_loop3A_90, %parallel_loop3A_154 : i32
          %parallel_loop3A_161 = vector.broadcast %parallel_loop3A_160 : i32 to vector<16xi32>
          %parallel_loop3A_162 = arith.sitofp %parallel_loop3A_161 : vector<16xi32> to vector<16xf32>
          %parallel_loop3A_163 = vector.broadcast %parallel_loop3A_105 : f32 to vector<16xf32>
          %parallel_loop3A_164 = arith.subf %parallel_loop3A_162, %parallel_loop3A_163 : vector<16xf32>
          %parallel_loop3A_165 = vector.broadcast %parallel_loop3A_109 : f32 to vector<16xf32>
          %parallel_loop3A_166 = arith.mulf %parallel_loop3A_165, %parallel_loop3A_159 : vector<16xf32>
          %parallel_loop3A_167 = vector.broadcast %parallel_loop3A_115 : f32 to vector<16xf32>
          %parallel_loop3A_168 = arith.mulf %parallel_loop3A_167, %parallel_loop3A_164 : vector<16xf32>
          %parallel_loop3A_169 = arith.addf %parallel_loop3A_166, %parallel_loop3A_168 : vector<16xf32>
          %parallel_loop3A_170 = arith.addf %parallel_loop3A_169, %parallel_loop3A_136 : vector<16xf32>
          %parallel_loop3A_171 = arith.mulf %parallel_loop3A_159, %parallel_loop3A_170 : vector<16xf32>
          %parallel_loop3A_172 = vector.broadcast %parallel_loop3A_111 : f32 to vector<16xf32>
          %parallel_loop3A_173 = arith.mulf %parallel_loop3A_172, %parallel_loop3A_164 : vector<16xf32>
          %parallel_loop3A_174 = arith.addf %parallel_loop3A_173, %parallel_loop3A_138 : vector<16xf32>
          %parallel_loop3A_175 = arith.mulf %parallel_loop3A_164, %parallel_loop3A_174 : vector<16xf32>
          %parallel_loop3A_176 = arith.addf %parallel_loop3A_171, %parallel_loop3A_175 : vector<16xf32>
          %parallel_loop3A_177 = arith.addf %parallel_loop3A_176, %parallel_loop3A_134 : vector<16xf32>
          %parallel_loop3A_178 = math.exp %parallel_loop3A_177 : vector<16xf32>
          %parallel_loop3A_179 = vector.broadcast %parallel_loop3A_121 : f32 to vector<16xf32>
          %parallel_loop3A_180 = arith.mulf %parallel_loop3A_178, %parallel_loop3A_179 : vector<16xf32>
          %parallel_loop3A_181 = arith.constant 16384 : i32
          %parallel_loop3A_182 = arith.muli %parallel_loop3A_155, %parallel_loop3A_181 : i32
          %parallel_loop3A_183 = vector.broadcast %parallel_loop3A_182 : i32 to vector<16xi32>
          %parallel_loop3A_184 = arith.addi %parallel_loop3A_148, %parallel_loop3A_183 : vector<16xi32>
          %parallel_loop3A_185 = arith.constant 128 : i32
          %parallel_loop3A_186 = arith.muli %parallel_loop3A_154, %parallel_loop3A_185 : i32
          %parallel_loop3A_187 = vector.broadcast %parallel_loop3A_186 : i32 to vector<16xi32>
          %parallel_loop3A_188 = arith.addi %parallel_loop3A_184, %parallel_loop3A_187 : vector<16xi32>
          tpu.vector_store_idx %arg7[%parallel_loop3A_188], %parallel_loop3A_180 masked %parallel_loop3A_140 {add = true} : memref<65536xf32, #tpu.memory_space<vmem>>[vector<16xi32>], vector<16xf32>, vector<16xi1>
        } {sc.loop_unroll_factor = 4 : i64, sc.parallel_access}
      } {sc.loop_unroll_factor = 2 : i64, sc.parallel_access}
      %add3A_50 = arith.constant 1 : i32
      %add3A_51 = arith.addi %mul3A_27, %add3A_50 : i32
      %mul3A_52 = arith.constant 160 : i32
      %mul3A_53 = arith.muli %add3A_51, %mul3A_52 : i32
      %dma_wait3A_54 = arith.constant 0 : i32
      %dma_wait3A_55 = tpu.memref_slice %arg2[%mul3A_53, %dma_wait3A_54] : memref<10240x16xi32, #tpu.memory_space<hbm>> -> memref<160x16xi32, #tpu.memory_space<hbm>>
      %dma_wait3A_56 = arith.constant 0 : i32
      %dma_wait3A_57 = tpu.memref_slice %arg2[%mul3A_53, %dma_wait3A_56] : memref<10240x16xi32, #tpu.memory_space<hbm>> -> memref<160x16xi32, #tpu.memory_space<hbm>>
      tpu.wait_dma2 semaphore(%arg9 : memref<!tpu.dma_semaphore, #tpu.memory_space<semaphore_mem>>) src(%dma_wait3A_57 : memref<160x16xi32, #tpu.memory_space<hbm>>) dst(%arg5 : memref<160x16xi32, #tpu.memory_space<vmem>>)
      %add3A_58 = arith.constant 2 : i32
      %add3A_59 = arith.addi %mul3A_27, %add3A_58 : i32
      %lt3A = arith.constant 64 : i32
      %lt3A_60 = arith.cmpi slt, %add3A_59, %lt3A : i32
      %convert_element_type3A = arith.extui %lt3A_60 : i1 to i32
      %cond3A = arith.constant 0 : i32
      %cond3A_61 = arith.cmpi ne, %convert_element_type3A, %cond3A : i32
      scf.if %cond3A_61 {
        %add3A_73 = arith.constant 2 : i32
        %add3A_74 = arith.addi %mul3A_27, %add3A_73 : i32
        %mul3A_75 = arith.constant 160 : i32
        %mul3A_76 = arith.muli %add3A_74, %mul3A_75 : i32
        %dma_start3A_77 = arith.constant 0 : i32
        %dma_start3A_78 = tpu.memref_slice %arg2[%mul3A_76, %dma_start3A_77] : memref<10240x16xi32, #tpu.memory_space<hbm>> -> memref<160x16xi32, #tpu.memory_space<hbm>>
        %dma_start3A_79 = arith.constant 0 : i32
        %dma_start3A_80 = tpu.memref_slice %arg2[%mul3A_76, %dma_start3A_79] : memref<10240x16xi32, #tpu.memory_space<hbm>> -> memref<160x16xi32, #tpu.memory_space<hbm>>
        tpu.enqueue_dma source(%dma_start3A_80 : memref<160x16xi32, #tpu.memory_space<hbm>>) target(%arg4 : memref<160x16xi32, #tpu.memory_space<vmem>>) target_semaphore(%arg8 : memref<!tpu.dma_semaphore, #tpu.memory_space<semaphore_mem>>)
      } else {
      }
      %add3A_62 = arith.constant 1 : i32
      %add3A_63 = arith.addi %mul3A_27, %add3A_62 : i32
      %scan3A_64 = arith.constant 0 : i32
      %scan3A_65 = arith.constant 0 : i32
      %scan3A_66 = arith.constant 10 : i32
      %scan3A_67 = arith.addi %scan3A_65, %scan3A_66 : i32
      %scan3A_68 = arith.constant 1 : i32
      %scan3A_69 = scf.for %scan3A_73 = %scan3A_65 to %scan3A_67 step %scan3A_68 iter_args(%scan3A_74 = %scan3A_64) -> (i32)  : i32 {
        %mul3A_75 = arith.constant 16 : i32
        %mul3A_76 = arith.muli %scan3A_73, %mul3A_75 : i32
        %add3A_77 = vector.broadcast %mul3A_76 : i32 to vector<16xi32>
        %add3A_78 = arith.addi %add3A_77, %iota3A : vector<16xi32>
        %gather3A = tpu.vector_load_idx %arg5[%add3A_78, %broadcast_in_dim3A_7] : memref<160x16xi32, #tpu.memory_space<vmem>>[vector<16xi32>, vector<16xi32>], vector<16xi32>,
        %gather3A_79 = tpu.vector_load_idx %arg5[%add3A_78, %add3A_10] : memref<160x16xi32, #tpu.memory_space<vmem>>[vector<16xi32>, vector<16xi32>], vector<16xi32>,
        %and3A = arith.constant 255 : i32
        %and3A_80 = vector.broadcast %and3A : i32 to vector<16xi32>
        %and3A_81 = arith.andi %gather3A, %and3A_80 : vector<16xi32>
        %and3A_82 = arith.constant 255 : i32
        %and3A_83 = vector.broadcast %and3A_82 : i32 to vector<16xi32>
        %and3A_84 = arith.andi %gather3A_79, %and3A_83 : vector<16xi32>
        %lt3A_85 = vector.broadcast %add3A_4 : i32 to vector<16xi32>
        %lt3A_86 = arith.cmpi slt, %and3A_81, %lt3A_85 : vector<16xi32>
        %add3A_87 = arith.addi %and3A_81, %and3A_84 : vector<16xi32>
        %gt3A = vector.broadcast %mul3A_2 : i32 to vector<16xi32>
        %gt3A_88 = arith.cmpi sgt, %add3A_87, %gt3A : vector<16xi32>
        %and3A_89 = arith.andi %lt3A_86, %gt3A_88 : vector<16xi1>
        %all_reduce_population_count3A = tpu.all_reduce %and3A_89 {dim = 0 : i64, kind = #tpu.reduction_kind<sum>} : vector<16xi1> -> vector<16xi32>
        %slice3A = vector.extract_strided_slice %all_reduce_population_count3A {offsets = [0], sizes = [1], strides = [1]} : vector<16xi32> to vector<1xi32>
        %squeeze3A = vector.extract %slice3A[0] : i32 from vector<1xi32>
        %gt3A_90 = arith.constant 0 : i32
        %gt3A_91 = arith.cmpi sgt, %squeeze3A, %gt3A_90 : i32
        %convert_element_type3A_92 = arith.extui %gt3A_91 : i1 to i32
        %cond3A_93 = arith.constant 0 : i32
        %cond3A_94 = arith.cmpi ne, %convert_element_type3A_92, %cond3A_93 : i32
        scf.if %cond3A_94 {
          %swap3A = arith.index_cast %scan3A_74 : i32 to index
          %swap3A_96 = tpu.vector_load %arg6[%swap3A] masked %and3A_89 {strides = array<i32>} : memref<176xi32, #tpu.memory_space<vmem>>, vector<16xi32>, vector<16xi1>
          tpu.vector_store %arg6[%swap3A], %add3A_78 masked %and3A_89 {strides = array<i32>} : memref<176xi32, #tpu.memory_space<vmem>>, vector<16xi32>, vector<16xi1>
        } else {
        }
        %add3A_95 = arith.addi %scan3A_74, %squeeze3A : i32
        scf.yield %add3A_95 : i32
      }
      %scan3A_70 = arith.constant 10 : i32
      %parallel_loop3A_71 = arith.constant 0 : i32
      %parallel_loop3A_72 = arith.constant 1 : i32
      scf.for %parallel_loop3A_73 = %parallel_loop3A_71 to %scan3A_69 step %parallel_loop3A_72  : i32 {
        %parallel_loop3A_74 = vector.broadcast %parallel_loop3A_73 : i32 to vector<16xi32>
        %parallel_loop3A_75 = tpu.vector_load_idx %arg6[%parallel_loop3A_74] : memref<176xi32, #tpu.memory_space<vmem>>[vector<16xi32>], vector<16xi32>,
        %parallel_loop3A_76 = vector.extract_strided_slice %parallel_loop3A_75 {offsets = [0], sizes = [1], strides = [1]} : vector<16xi32> to vector<1xi32>
        %parallel_loop3A_77 = vector.extract %parallel_loop3A_76[0] : i32 from vector<1xi32>
        %parallel_loop3A_78 = arith.index_cast %parallel_loop3A_77 : i32 to index
        %parallel_loop3A_79 = arith.constant 0 : index
        %parallel_loop3A_80 = tpu.vector_load %arg5[%parallel_loop3A_78, %parallel_loop3A_79] {strides = array<i32>} : memref<160x16xi32, #tpu.memory_space<vmem>>, vector<16xi32>,
        %parallel_loop3A_81 = vector.extract_strided_slice %parallel_loop3A_80 {offsets = [0], sizes = [1], strides = [1]} : vector<16xi32> to vector<1xi32>
        %parallel_loop3A_82 = vector.extract %parallel_loop3A_81[0] : i32 from vector<1xi32>
        %parallel_loop3A_83 = vector.extract_strided_slice %parallel_loop3A_80 {offsets = [1], sizes = [1], strides = [1]} : vector<16xi32> to vector<1xi32>
        %parallel_loop3A_84 = vector.extract %parallel_loop3A_83[0] : i32 from vector<1xi32>
        %parallel_loop3A_85 = arith.constant 255 : i32
        %parallel_loop3A_86 = arith.andi %parallel_loop3A_82, %parallel_loop3A_85 : i32
        %parallel_loop3A_87 = arith.constant 8 : i32
        %parallel_loop3A_88 = arith.shrui %parallel_loop3A_82, %parallel_loop3A_87 : i32
        %parallel_loop3A_89 = arith.constant 255 : i32
        %parallel_loop3A_90 = arith.andi %parallel_loop3A_88, %parallel_loop3A_89 : i32
        %parallel_loop3A_91 = arith.constant 16 : i32
        %parallel_loop3A_92 = arith.shrui %parallel_loop3A_82, %parallel_loop3A_91 : i32
        %parallel_loop3A_93 = arith.constant 255 : i32
        %parallel_loop3A_94 = arith.andi %parallel_loop3A_84, %parallel_loop3A_93 : i32
        %parallel_loop3A_95 = arith.constant 8 : i32
        %parallel_loop3A_96 = arith.shrui %parallel_loop3A_84, %parallel_loop3A_95 : i32
        %parallel_loop3A_97 = arith.constant 255 : i32
        %parallel_loop3A_98 = arith.andi %parallel_loop3A_96, %parallel_loop3A_97 : i32
        %parallel_loop3A_99 = arith.constant 16 : i32
        %parallel_loop3A_100 = arith.shrui %parallel_loop3A_84, %parallel_loop3A_99 : i32
        %parallel_loop3A_101 = vector.bitcast %parallel_loop3A_80 : vector<16xi32> to vector<16xf32>
        %parallel_loop3A_102 = vector.extract_strided_slice %parallel_loop3A_101 {offsets = [2], sizes = [1], strides = [1]} : vector<16xf32> to vector<1xf32>
        %parallel_loop3A_103 = vector.extract %parallel_loop3A_102[0] : f32 from vector<1xf32>
        %parallel_loop3A_104 = vector.extract_strided_slice %parallel_loop3A_101 {offsets = [3], sizes = [1], strides = [1]} : vector<16xf32> to vector<1xf32>
        %parallel_loop3A_105 = vector.extract %parallel_loop3A_104[0] : f32 from vector<1xf32>
        %parallel_loop3A_106 = vector.extract_strided_slice %parallel_loop3A_101 {offsets = [4], sizes = [1], strides = [1]} : vector<16xf32> to vector<1xf32>
        %parallel_loop3A_107 = vector.extract %parallel_loop3A_106[0] : f32 from vector<1xf32>
        %parallel_loop3A_108 = vector.extract_strided_slice %parallel_loop3A_101 {offsets = [5], sizes = [1], strides = [1]} : vector<16xf32> to vector<1xf32>
        %parallel_loop3A_109 = vector.extract %parallel_loop3A_108[0] : f32 from vector<1xf32>
        %parallel_loop3A_110 = vector.extract_strided_slice %parallel_loop3A_101 {offsets = [6], sizes = [1], strides = [1]} : vector<16xf32> to vector<1xf32>
        %parallel_loop3A_111 = vector.extract %parallel_loop3A_110[0] : f32 from vector<1xf32>
        %parallel_loop3A_112 = vector.extract_strided_slice %parallel_loop3A_101 {offsets = [7], sizes = [1], strides = [1]} : vector<16xf32> to vector<1xf32>
        %parallel_loop3A_113 = vector.extract %parallel_loop3A_112[0] : f32 from vector<1xf32>
        %parallel_loop3A_114 = vector.extract_strided_slice %parallel_loop3A_101 {offsets = [8], sizes = [1], strides = [1]} : vector<16xf32> to vector<1xf32>
        %parallel_loop3A_115 = vector.extract %parallel_loop3A_114[0] : f32 from vector<1xf32>
        %parallel_loop3A_116 = vector.extract_strided_slice %parallel_loop3A_101 {offsets = [9], sizes = [1], strides = [1]} : vector<16xf32> to vector<1xf32>
        %parallel_loop3A_117 = vector.extract %parallel_loop3A_116[0] : f32 from vector<1xf32>
        %parallel_loop3A_118 = vector.extract_strided_slice %parallel_loop3A_101 {offsets = [10], sizes = [1], strides = [1]} : vector<16xf32> to vector<1xf32>
        %parallel_loop3A_119 = vector.extract %parallel_loop3A_118[0] : f32 from vector<1xf32>
        %parallel_loop3A_120 = vector.extract_strided_slice %parallel_loop3A_101 {offsets = [11], sizes = [1], strides = [1]} : vector<16xf32> to vector<1xf32>
        %parallel_loop3A_121 = vector.extract %parallel_loop3A_120[0] : f32 from vector<1xf32>
        %parallel_loop3A_122 = arith.maxsi %parallel_loop3A_86, %mul3A_2 : i32
        %parallel_loop3A_123 = arith.addi %parallel_loop3A_86, %parallel_loop3A_94 : i32
        %parallel_loop3A_124 = arith.minsi %parallel_loop3A_123, %add3A_4 : i32
        %parallel_loop3A_125 = arith.subi %parallel_loop3A_124, %parallel_loop3A_122 : i32
        %parallel_loop3A_126 = arith.muli %parallel_loop3A_125, %parallel_loop3A_98 : i32
        %parallel_loop3A_127 = vector.broadcast %parallel_loop3A_92 : i32 to vector<16xi32>
        %parallel_loop3A_128 = arith.addi %parallel_loop3A_127, %iota3A : vector<16xi32>
        %parallel_loop3A_129 = arith.sitofp %parallel_loop3A_128 : vector<16xi32> to vector<16xf32>
        %parallel_loop3A_130 = vector.broadcast %parallel_loop3A_107 : f32 to vector<16xf32>
        %parallel_loop3A_131 = arith.subf %parallel_loop3A_129, %parallel_loop3A_130 : vector<16xf32>
        %parallel_loop3A_132 = vector.broadcast %parallel_loop3A_113 : f32 to vector<16xf32>
        %parallel_loop3A_133 = arith.mulf %parallel_loop3A_132, %parallel_loop3A_131 : vector<16xf32>
        %parallel_loop3A_134 = arith.mulf %parallel_loop3A_133, %parallel_loop3A_131 : vector<16xf32>
        %parallel_loop3A_135 = vector.broadcast %parallel_loop3A_117 : f32 to vector<16xf32>
        %parallel_loop3A_136 = arith.mulf %parallel_loop3A_135, %parallel_loop3A_131 : vector<16xf32>
        %parallel_loop3A_137 = vector.broadcast %parallel_loop3A_119 : f32 to vector<16xf32>
        %parallel_loop3A_138 = arith.mulf %parallel_loop3A_137, %parallel_loop3A_131 : vector<16xf32>
        %parallel_loop3A_139 = vector.broadcast %parallel_loop3A_100 : i32 to vector<16xi32>
        %parallel_loop3A_140 = arith.cmpi slt, %iota3A, %parallel_loop3A_139 : vector<16xi32>
        %parallel_loop3A_141 = arith.constant 128 : i32
        %parallel_loop3A_142 = arith.muli %parallel_loop3A_90, %parallel_loop3A_141 : i32
        %parallel_loop3A_143 = vector.broadcast %parallel_loop3A_142 : i32 to vector<16xi32>
        %parallel_loop3A_144 = arith.addi %parallel_loop3A_143, %parallel_loop3A_128 : vector<16xi32>
        %parallel_loop3A_145 = arith.constant 16384 : i32
        %parallel_loop3A_146 = arith.muli %mul3A_2, %parallel_loop3A_145 : i32
        %parallel_loop3A_147 = vector.broadcast %parallel_loop3A_146 : i32 to vector<16xi32>
        %parallel_loop3A_148 = arith.subi %parallel_loop3A_144, %parallel_loop3A_147 : vector<16xi32>
        %parallel_loop3A_149 = arith.constant 0 : i32
        %parallel_loop3A_150 = arith.constant 1 : i32
        scf.for %parallel_loop3A_151 = %parallel_loop3A_149 to %parallel_loop3A_126 step %parallel_loop3A_150  : i32 {
          %parallel_loop3A_152 = arith.divsi %parallel_loop3A_151, %parallel_loop3A_98 : i32
          %parallel_loop3A_153 = arith.muli %parallel_loop3A_152, %parallel_loop3A_98 : i32
          %parallel_loop3A_154 = arith.subi %parallel_loop3A_151, %parallel_loop3A_153 : i32
          %parallel_loop3A_155 = arith.addi %parallel_loop3A_122, %parallel_loop3A_152 : i32
          %parallel_loop3A_156 = vector.broadcast %parallel_loop3A_155 : i32 to vector<16xi32>
          %parallel_loop3A_157 = arith.sitofp %parallel_loop3A_156 : vector<16xi32> to vector<16xf32>
          %parallel_loop3A_158 = vector.broadcast %parallel_loop3A_103 : f32 to vector<16xf32>
          %parallel_loop3A_159 = arith.subf %parallel_loop3A_157, %parallel_loop3A_158 : vector<16xf32>
          %parallel_loop3A_160 = arith.addi %parallel_loop3A_90, %parallel_loop3A_154 : i32
          %parallel_loop3A_161 = vector.broadcast %parallel_loop3A_160 : i32 to vector<16xi32>
          %parallel_loop3A_162 = arith.sitofp %parallel_loop3A_161 : vector<16xi32> to vector<16xf32>
          %parallel_loop3A_163 = vector.broadcast %parallel_loop3A_105 : f32 to vector<16xf32>
          %parallel_loop3A_164 = arith.subf %parallel_loop3A_162, %parallel_loop3A_163 : vector<16xf32>
          %parallel_loop3A_165 = vector.broadcast %parallel_loop3A_109 : f32 to vector<16xf32>
          %parallel_loop3A_166 = arith.mulf %parallel_loop3A_165, %parallel_loop3A_159 : vector<16xf32>
          %parallel_loop3A_167 = vector.broadcast %parallel_loop3A_115 : f32 to vector<16xf32>
          %parallel_loop3A_168 = arith.mulf %parallel_loop3A_167, %parallel_loop3A_164 : vector<16xf32>
          %parallel_loop3A_169 = arith.addf %parallel_loop3A_166, %parallel_loop3A_168 : vector<16xf32>
          %parallel_loop3A_170 = arith.addf %parallel_loop3A_169, %parallel_loop3A_136 : vector<16xf32>
          %parallel_loop3A_171 = arith.mulf %parallel_loop3A_159, %parallel_loop3A_170 : vector<16xf32>
          %parallel_loop3A_172 = vector.broadcast %parallel_loop3A_111 : f32 to vector<16xf32>
          %parallel_loop3A_173 = arith.mulf %parallel_loop3A_172, %parallel_loop3A_164 : vector<16xf32>
          %parallel_loop3A_174 = arith.addf %parallel_loop3A_173, %parallel_loop3A_138 : vector<16xf32>
          %parallel_loop3A_175 = arith.mulf %parallel_loop3A_164, %parallel_loop3A_174 : vector<16xf32>
          %parallel_loop3A_176 = arith.addf %parallel_loop3A_171, %parallel_loop3A_175 : vector<16xf32>
          %parallel_loop3A_177 = arith.addf %parallel_loop3A_176, %parallel_loop3A_134 : vector<16xf32>
          %parallel_loop3A_178 = math.exp %parallel_loop3A_177 : vector<16xf32>
          %parallel_loop3A_179 = vector.broadcast %parallel_loop3A_121 : f32 to vector<16xf32>
          %parallel_loop3A_180 = arith.mulf %parallel_loop3A_178, %parallel_loop3A_179 : vector<16xf32>
          %parallel_loop3A_181 = arith.constant 16384 : i32
          %parallel_loop3A_182 = arith.muli %parallel_loop3A_155, %parallel_loop3A_181 : i32
          %parallel_loop3A_183 = vector.broadcast %parallel_loop3A_182 : i32 to vector<16xi32>
          %parallel_loop3A_184 = arith.addi %parallel_loop3A_148, %parallel_loop3A_183 : vector<16xi32>
          %parallel_loop3A_185 = arith.constant 128 : i32
          %parallel_loop3A_186 = arith.muli %parallel_loop3A_154, %parallel_loop3A_185 : i32
          %parallel_loop3A_187 = vector.broadcast %parallel_loop3A_186 : i32 to vector<16xi32>
          %parallel_loop3A_188 = arith.addi %parallel_loop3A_184, %parallel_loop3A_187 : vector<16xi32>
          tpu.vector_store_idx %arg7[%parallel_loop3A_188], %parallel_loop3A_180 masked %parallel_loop3A_140 {add = true} : memref<65536xf32, #tpu.memory_space<vmem>>[vector<16xi32>], vector<16xf32>, vector<16xi1>
        } {sc.loop_unroll_factor = 4 : i64, sc.parallel_access}
      } {sc.loop_unroll_factor = 2 : i64, sc.parallel_access}
    }
    %scan3A_22 = arith.constant 32 : i32
    %mul3A_23 = arith.constant 65536 : i32
    %mul3A_24 = arith.muli %add3A, %mul3A_23 : i32
    "tpu.region"() ({
      %run_scoped3A = tpu.sem_alloc : memref<!tpu.dma_semaphore, #tpu.memory_space<semaphore_mem>>
      %dma_start3A_25 = tpu.memref_slice %arg3[%mul3A_24] : memref<2097152xf32, #tpu.memory_space<hbm>> -> memref<65536xf32, #tpu.memory_space<hbm>>
      %dma_start3A_26 = tpu.memref_slice %arg3[%mul3A_24] : memref<2097152xf32, #tpu.memory_space<hbm>> -> memref<65536xf32, #tpu.memory_space<hbm>>
      tpu.enqueue_dma source(%arg7 : memref<65536xf32, #tpu.memory_space<vmem>>) target(%dma_start3A_26 : memref<65536xf32, #tpu.memory_space<hbm>>) target_semaphore(%run_scoped3A : memref<!tpu.dma_semaphore, #tpu.memory_space<semaphore_mem>>)
      %dma_wait3A = tpu.memref_slice %arg3[%mul3A_24] : memref<2097152xf32, #tpu.memory_space<hbm>> -> memref<65536xf32, #tpu.memory_space<hbm>>
      %dma_wait3A_27 = tpu.memref_slice %arg3[%mul3A_24] : memref<2097152xf32, #tpu.memory_space<hbm>> -> memref<65536xf32, #tpu.memory_space<hbm>>
      tpu.wait_dma2 semaphore(%run_scoped3A : memref<!tpu.dma_semaphore, #tpu.memory_space<semaphore_mem>>) src(%arg7 : memref<65536xf32, #tpu.memory_space<vmem>>) dst(%dma_wait3A_27 : memref<65536xf32, #tpu.memory_space<hbm>>)
      tpu.yield
    }) : () -> ()
    return
  }
}

module attributes {stable_mosaic.version = 14 : i64} {
  func.func @_prep_body(%arg0: memref<3x10240xf32, #tpu.memory_space<vmem>>, %arg1: memref<3x10240xf32, #tpu.memory_space<vmem>>, %arg2: memref<4x10240xf32, #tpu.memory_space<vmem>>, %arg3: memref<1x10240xf32, #tpu.memory_space<vmem>>, %arg4: memref<16x10240xi32, #tpu.memory_space<vmem>>) attributes {dimension_semantics = [], scalar_prefetch = 0 : i64, scratch_operands = 0 : i64, tpu.core_type = #tpu.core_type<tc>} {
    %get3A = arith.constant 0 : index
    %get3A_0 = arith.constant 0 : index
    %get3A_1 = vector.load %arg0[%get3A, %get3A_0] : memref<3x10240xf32, #tpu.memory_space<vmem>>, vector<1x10240xf32>
    %get3A_2 = arith.constant 1 : index
    %get3A_3 = arith.constant 0 : index
    %get3A_4 = vector.load %arg0[%get3A_2, %get3A_3] : memref<3x10240xf32, #tpu.memory_space<vmem>>, vector<1x10240xf32>
    %get3A_5 = arith.constant 2 : index
    %get3A_6 = arith.constant 0 : index
    %get3A_7 = vector.load %arg0[%get3A_5, %get3A_6] : memref<3x10240xf32, #tpu.memory_space<vmem>>, vector<1x10240xf32>
    %get3A_8 = arith.constant 0 : index
    %get3A_9 = arith.constant 0 : index
    %get3A_10 = vector.load %arg1[%get3A_8, %get3A_9] : memref<3x10240xf32, #tpu.memory_space<vmem>>, vector<1x10240xf32>
    %get3A_11 = arith.constant 1 : index
    %get3A_12 = arith.constant 0 : index
    %get3A_13 = vector.load %arg1[%get3A_11, %get3A_12] : memref<3x10240xf32, #tpu.memory_space<vmem>>, vector<1x10240xf32>
    %get3A_14 = arith.constant 2 : index
    %get3A_15 = arith.constant 0 : index
    %get3A_16 = vector.load %arg1[%get3A_14, %get3A_15] : memref<3x10240xf32, #tpu.memory_space<vmem>>, vector<1x10240xf32>
    %get3A_17 = arith.constant 0 : index
    %get3A_18 = arith.constant 0 : index
    %get3A_19 = vector.load %arg2[%get3A_17, %get3A_18] : memref<4x10240xf32, #tpu.memory_space<vmem>>, vector<1x10240xf32>
    %get3A_20 = arith.constant 1 : index
    %get3A_21 = arith.constant 0 : index
    %get3A_22 = vector.load %arg2[%get3A_20, %get3A_21] : memref<4x10240xf32, #tpu.memory_space<vmem>>, vector<1x10240xf32>
    %get3A_23 = arith.constant 2 : index
    %get3A_24 = arith.constant 0 : index
    %get3A_25 = vector.load %arg2[%get3A_23, %get3A_24] : memref<4x10240xf32, #tpu.memory_space<vmem>>, vector<1x10240xf32>
    %get3A_26 = arith.constant 3 : index
    %get3A_27 = arith.constant 0 : index
    %get3A_28 = vector.load %arg2[%get3A_26, %get3A_27] : memref<4x10240xf32, #tpu.memory_space<vmem>>, vector<1x10240xf32>
    %get3A_29 = arith.constant 0 : index
    %get3A_30 = arith.constant 0 : index
    %get3A_31 = vector.load %arg3[%get3A_29, %get3A_30] : memref<1x10240xf32, #tpu.memory_space<vmem>>, vector<1x10240xf32>
    %mul3A = arith.mulf %get3A_19, %get3A_19 : vector<1x10240xf32>
    %mul3A_32 = arith.mulf %get3A_22, %get3A_22 : vector<1x10240xf32>
    %add3A = arith.addf %mul3A, %mul3A_32 : vector<1x10240xf32>
    %mul3A_33 = arith.mulf %get3A_25, %get3A_25 : vector<1x10240xf32>
    %add3A_34 = arith.addf %add3A, %mul3A_33 : vector<1x10240xf32>
    %mul3A_35 = arith.mulf %get3A_28, %get3A_28 : vector<1x10240xf32>
    %add3A_36 = arith.addf %add3A_34, %mul3A_35 : vector<1x10240xf32>
    %sqrt3A = math.sqrt %add3A_36 : vector<1x10240xf32>
    %add3A_37 = arith.constant 9.99999993E-9 : f32
    %add3A_38 = vector.broadcast %add3A_37 : f32 to vector<1x10240xf32>
    %add3A_39 = arith.addf %sqrt3A, %add3A_38 : vector<1x10240xf32>
    %div3A = arith.constant 1.000000e+00 : f32
    %div3A_40 = vector.broadcast %div3A : f32 to vector<1x10240xf32>
    %div3A_41 = arith.divf %div3A_40, %add3A_39 : vector<1x10240xf32>
    %mul3A_42 = arith.mulf %get3A_19, %div3A_41 : vector<1x10240xf32>
    %mul3A_43 = arith.mulf %get3A_22, %div3A_41 : vector<1x10240xf32>
    %mul3A_44 = arith.mulf %get3A_25, %div3A_41 : vector<1x10240xf32>
    %mul3A_45 = arith.mulf %get3A_28, %div3A_41 : vector<1x10240xf32>
    %mul3A_46 = arith.mulf %mul3A_44, %mul3A_44 : vector<1x10240xf32>
    %mul3A_47 = arith.mulf %mul3A_45, %mul3A_45 : vector<1x10240xf32>
    %add3A_48 = arith.addf %mul3A_46, %mul3A_47 : vector<1x10240xf32>
    %mul3A_49 = arith.constant 2.000000e+00 : f32
    %mul3A_50 = vector.broadcast %mul3A_49 : f32 to vector<1x10240xf32>
    %mul3A_51 = arith.mulf %mul3A_50, %add3A_48 : vector<1x10240xf32>
    %sub3A = arith.constant 1.000000e+00 : f32
    %sub3A_52 = vector.broadcast %sub3A : f32 to vector<1x10240xf32>
    %sub3A_53 = arith.subf %sub3A_52, %mul3A_51 : vector<1x10240xf32>
    %mul3A_54 = arith.mulf %mul3A_43, %mul3A_44 : vector<1x10240xf32>
    %mul3A_55 = arith.mulf %mul3A_42, %mul3A_45 : vector<1x10240xf32>
    %sub3A_56 = arith.subf %mul3A_54, %mul3A_55 : vector<1x10240xf32>
    %mul3A_57 = arith.constant 2.000000e+00 : f32
    %mul3A_58 = vector.broadcast %mul3A_57 : f32 to vector<1x10240xf32>
    %mul3A_59 = arith.mulf %mul3A_58, %sub3A_56 : vector<1x10240xf32>
    %mul3A_60 = arith.mulf %mul3A_43, %mul3A_45 : vector<1x10240xf32>
    %mul3A_61 = arith.mulf %mul3A_42, %mul3A_44 : vector<1x10240xf32>
    %add3A_62 = arith.addf %mul3A_60, %mul3A_61 : vector<1x10240xf32>
    %mul3A_63 = arith.constant 2.000000e+00 : f32
    %mul3A_64 = vector.broadcast %mul3A_63 : f32 to vector<1x10240xf32>
    %mul3A_65 = arith.mulf %mul3A_64, %add3A_62 : vector<1x10240xf32>
    %mul3A_66 = arith.mulf %mul3A_43, %mul3A_44 : vector<1x10240xf32>
    %mul3A_67 = arith.mulf %mul3A_42, %mul3A_45 : vector<1x10240xf32>
    %add3A_68 = arith.addf %mul3A_66, %mul3A_67 : vector<1x10240xf32>
    %mul3A_69 = arith.constant 2.000000e+00 : f32
    %mul3A_70 = vector.broadcast %mul3A_69 : f32 to vector<1x10240xf32>
    %mul3A_71 = arith.mulf %mul3A_70, %add3A_68 : vector<1x10240xf32>
    %mul3A_72 = arith.mulf %mul3A_43, %mul3A_43 : vector<1x10240xf32>
    %mul3A_73 = arith.mulf %mul3A_45, %mul3A_45 : vector<1x10240xf32>
    %add3A_74 = arith.addf %mul3A_72, %mul3A_73 : vector<1x10240xf32>
    %mul3A_75 = arith.constant 2.000000e+00 : f32
    %mul3A_76 = vector.broadcast %mul3A_75 : f32 to vector<1x10240xf32>
    %mul3A_77 = arith.mulf %mul3A_76, %add3A_74 : vector<1x10240xf32>
    %sub3A_78 = arith.constant 1.000000e+00 : f32
    %sub3A_79 = vector.broadcast %sub3A_78 : f32 to vector<1x10240xf32>
    %sub3A_80 = arith.subf %sub3A_79, %mul3A_77 : vector<1x10240xf32>
    %mul3A_81 = arith.mulf %mul3A_44, %mul3A_45 : vector<1x10240xf32>
    %mul3A_82 = arith.mulf %mul3A_42, %mul3A_43 : vector<1x10240xf32>
    %sub3A_83 = arith.subf %mul3A_81, %mul3A_82 : vector<1x10240xf32>
    %mul3A_84 = arith.constant 2.000000e+00 : f32
    %mul3A_85 = vector.broadcast %mul3A_84 : f32 to vector<1x10240xf32>
    %mul3A_86 = arith.mulf %mul3A_85, %sub3A_83 : vector<1x10240xf32>
    %mul3A_87 = arith.mulf %mul3A_43, %mul3A_45 : vector<1x10240xf32>
    %mul3A_88 = arith.mulf %mul3A_42, %mul3A_44 : vector<1x10240xf32>
    %sub3A_89 = arith.subf %mul3A_87, %mul3A_88 : vector<1x10240xf32>
    %mul3A_90 = arith.constant 2.000000e+00 : f32
    %mul3A_91 = vector.broadcast %mul3A_90 : f32 to vector<1x10240xf32>
    %mul3A_92 = arith.mulf %mul3A_91, %sub3A_89 : vector<1x10240xf32>
    %mul3A_93 = arith.mulf %mul3A_44, %mul3A_45 : vector<1x10240xf32>
    %mul3A_94 = arith.mulf %mul3A_42, %mul3A_43 : vector<1x10240xf32>
    %add3A_95 = arith.addf %mul3A_93, %mul3A_94 : vector<1x10240xf32>
    %mul3A_96 = arith.constant 2.000000e+00 : f32
    %mul3A_97 = vector.broadcast %mul3A_96 : f32 to vector<1x10240xf32>
    %mul3A_98 = arith.mulf %mul3A_97, %add3A_95 : vector<1x10240xf32>
    %mul3A_99 = arith.mulf %mul3A_43, %mul3A_43 : vector<1x10240xf32>
    %mul3A_100 = arith.mulf %mul3A_44, %mul3A_44 : vector<1x10240xf32>
    %add3A_101 = arith.addf %mul3A_99, %mul3A_100 : vector<1x10240xf32>
    %mul3A_102 = arith.constant 2.000000e+00 : f32
    %mul3A_103 = vector.broadcast %mul3A_102 : f32 to vector<1x10240xf32>
    %mul3A_104 = arith.mulf %mul3A_103, %add3A_101 : vector<1x10240xf32>
    %sub3A_105 = arith.constant 1.000000e+00 : f32
    %sub3A_106 = vector.broadcast %sub3A_105 : f32 to vector<1x10240xf32>
    %sub3A_107 = arith.subf %sub3A_106, %mul3A_104 : vector<1x10240xf32>
    %mul3A_108 = arith.mulf %get3A_10, %get3A_10 : vector<1x10240xf32>
    %add3A_109 = arith.constant 9.99999993E-9 : f32
    %add3A_110 = vector.broadcast %add3A_109 : f32 to vector<1x10240xf32>
    %add3A_111 = arith.addf %mul3A_108, %add3A_110 : vector<1x10240xf32>
    %div3A_112 = arith.constant 1.000000e+00 : f32
    %div3A_113 = vector.broadcast %div3A_112 : f32 to vector<1x10240xf32>
    %div3A_114 = arith.divf %div3A_113, %add3A_111 : vector<1x10240xf32>
    %mul3A_115 = arith.mulf %get3A_13, %get3A_13 : vector<1x10240xf32>
    %add3A_116 = arith.constant 9.99999993E-9 : f32
    %add3A_117 = vector.broadcast %add3A_116 : f32 to vector<1x10240xf32>
    %add3A_118 = arith.addf %mul3A_115, %add3A_117 : vector<1x10240xf32>
    %div3A_119 = arith.constant 1.000000e+00 : f32
    %div3A_120 = vector.broadcast %div3A_119 : f32 to vector<1x10240xf32>
    %div3A_121 = arith.divf %div3A_120, %add3A_118 : vector<1x10240xf32>
    %mul3A_122 = arith.mulf %get3A_16, %get3A_16 : vector<1x10240xf32>
    %add3A_123 = arith.constant 9.99999993E-9 : f32
    %add3A_124 = vector.broadcast %add3A_123 : f32 to vector<1x10240xf32>
    %add3A_125 = arith.addf %mul3A_122, %add3A_124 : vector<1x10240xf32>
    %div3A_126 = arith.constant 1.000000e+00 : f32
    %div3A_127 = vector.broadcast %div3A_126 : f32 to vector<1x10240xf32>
    %div3A_128 = arith.divf %div3A_127, %add3A_125 : vector<1x10240xf32>
    %mul3A_129 = arith.mulf %sub3A_53, %sub3A_53 : vector<1x10240xf32>
    %mul3A_130 = arith.mulf %mul3A_129, %div3A_114 : vector<1x10240xf32>
    %mul3A_131 = arith.mulf %mul3A_59, %mul3A_59 : vector<1x10240xf32>
    %mul3A_132 = arith.mulf %mul3A_131, %div3A_121 : vector<1x10240xf32>
    %add3A_133 = arith.addf %mul3A_130, %mul3A_132 : vector<1x10240xf32>
    %mul3A_134 = arith.mulf %mul3A_65, %mul3A_65 : vector<1x10240xf32>
    %mul3A_135 = arith.mulf %mul3A_134, %div3A_128 : vector<1x10240xf32>
    %add3A_136 = arith.addf %add3A_133, %mul3A_135 : vector<1x10240xf32>
    %mul3A_137 = arith.mulf %sub3A_53, %mul3A_71 : vector<1x10240xf32>
    %mul3A_138 = arith.mulf %mul3A_137, %div3A_114 : vector<1x10240xf32>
    %mul3A_139 = arith.mulf %mul3A_59, %sub3A_80 : vector<1x10240xf32>
    %mul3A_140 = arith.mulf %mul3A_139, %div3A_121 : vector<1x10240xf32>
    %add3A_141 = arith.addf %mul3A_138, %mul3A_140 : vector<1x10240xf32>
    %mul3A_142 = arith.mulf %mul3A_65, %mul3A_86 : vector<1x10240xf32>
    %mul3A_143 = arith.mulf %mul3A_142, %div3A_128 : vector<1x10240xf32>
    %add3A_144 = arith.addf %add3A_141, %mul3A_143 : vector<1x10240xf32>
    %mul3A_145 = arith.mulf %sub3A_53, %mul3A_92 : vector<1x10240xf32>
    %mul3A_146 = arith.mulf %mul3A_145, %div3A_114 : vector<1x10240xf32>
    %mul3A_147 = arith.mulf %mul3A_59, %mul3A_98 : vector<1x10240xf32>
    %mul3A_148 = arith.mulf %mul3A_147, %div3A_121 : vector<1x10240xf32>
    %add3A_149 = arith.addf %mul3A_146, %mul3A_148 : vector<1x10240xf32>
    %mul3A_150 = arith.mulf %mul3A_65, %sub3A_107 : vector<1x10240xf32>
    %mul3A_151 = arith.mulf %mul3A_150, %div3A_128 : vector<1x10240xf32>
    %add3A_152 = arith.addf %add3A_149, %mul3A_151 : vector<1x10240xf32>
    %mul3A_153 = arith.mulf %mul3A_71, %mul3A_71 : vector<1x10240xf32>
    %mul3A_154 = arith.mulf %mul3A_153, %div3A_114 : vector<1x10240xf32>
    %mul3A_155 = arith.mulf %sub3A_80, %sub3A_80 : vector<1x10240xf32>
    %mul3A_156 = arith.mulf %mul3A_155, %div3A_121 : vector<1x10240xf32>
    %add3A_157 = arith.addf %mul3A_154, %mul3A_156 : vector<1x10240xf32>
    %mul3A_158 = arith.mulf %mul3A_86, %mul3A_86 : vector<1x10240xf32>
    %mul3A_159 = arith.mulf %mul3A_158, %div3A_128 : vector<1x10240xf32>
    %add3A_160 = arith.addf %add3A_157, %mul3A_159 : vector<1x10240xf32>
    %mul3A_161 = arith.mulf %mul3A_71, %mul3A_92 : vector<1x10240xf32>
    %mul3A_162 = arith.mulf %mul3A_161, %div3A_114 : vector<1x10240xf32>
    %mul3A_163 = arith.mulf %sub3A_80, %mul3A_98 : vector<1x10240xf32>
    %mul3A_164 = arith.mulf %mul3A_163, %div3A_121 : vector<1x10240xf32>
    %add3A_165 = arith.addf %mul3A_162, %mul3A_164 : vector<1x10240xf32>
    %mul3A_166 = arith.mulf %mul3A_86, %sub3A_107 : vector<1x10240xf32>
    %mul3A_167 = arith.mulf %mul3A_166, %div3A_128 : vector<1x10240xf32>
    %add3A_168 = arith.addf %add3A_165, %mul3A_167 : vector<1x10240xf32>
    %mul3A_169 = arith.mulf %mul3A_92, %mul3A_92 : vector<1x10240xf32>
    %mul3A_170 = arith.mulf %mul3A_169, %div3A_114 : vector<1x10240xf32>
    %mul3A_171 = arith.mulf %mul3A_98, %mul3A_98 : vector<1x10240xf32>
    %mul3A_172 = arith.mulf %mul3A_171, %div3A_121 : vector<1x10240xf32>
    %add3A_173 = arith.addf %mul3A_170, %mul3A_172 : vector<1x10240xf32>
    %mul3A_174 = arith.mulf %sub3A_107, %sub3A_107 : vector<1x10240xf32>
    %mul3A_175 = arith.mulf %mul3A_174, %div3A_128 : vector<1x10240xf32>
    %add3A_176 = arith.addf %add3A_173, %mul3A_175 : vector<1x10240xf32>
    %add3A_177 = arith.constant 1.000000e+00 : f32
    %add3A_178 = vector.broadcast %add3A_177 : f32 to vector<1x10240xf32>
    %add3A_179 = arith.addf %get3A_1, %add3A_178 : vector<1x10240xf32>
    %mul3A_180 = arith.constant 6.400000e+01 : f32
    %mul3A_181 = vector.broadcast %mul3A_180 : f32 to vector<1x10240xf32>
    %mul3A_182 = arith.mulf %add3A_179, %mul3A_181 : vector<1x10240xf32>
    %sub3A_183 = arith.constant 5.000000e-01 : f32
    %sub3A_184 = vector.broadcast %sub3A_183 : f32 to vector<1x10240xf32>
    %sub3A_185 = arith.subf %mul3A_182, %sub3A_184 : vector<1x10240xf32>
    %add3A_186 = arith.constant 1.000000e+00 : f32
    %add3A_187 = vector.broadcast %add3A_186 : f32 to vector<1x10240xf32>
    %add3A_188 = arith.addf %get3A_4, %add3A_187 : vector<1x10240xf32>
    %mul3A_189 = arith.constant 6.400000e+01 : f32
    %mul3A_190 = vector.broadcast %mul3A_189 : f32 to vector<1x10240xf32>
    %mul3A_191 = arith.mulf %add3A_188, %mul3A_190 : vector<1x10240xf32>
    %sub3A_192 = arith.constant 5.000000e-01 : f32
    %sub3A_193 = vector.broadcast %sub3A_192 : f32 to vector<1x10240xf32>
    %sub3A_194 = arith.subf %mul3A_191, %sub3A_193 : vector<1x10240xf32>
    %add3A_195 = arith.constant 1.000000e+00 : f32
    %add3A_196 = vector.broadcast %add3A_195 : f32 to vector<1x10240xf32>
    %add3A_197 = arith.addf %get3A_7, %add3A_196 : vector<1x10240xf32>
    %mul3A_198 = arith.constant 6.400000e+01 : f32
    %mul3A_199 = vector.broadcast %mul3A_198 : f32 to vector<1x10240xf32>
    %mul3A_200 = arith.mulf %add3A_197, %mul3A_199 : vector<1x10240xf32>
    %sub3A_201 = arith.constant 5.000000e-01 : f32
    %sub3A_202 = vector.broadcast %sub3A_201 : f32 to vector<1x10240xf32>
    %sub3A_203 = arith.subf %mul3A_200, %sub3A_202 : vector<1x10240xf32>
    %max3A = arith.maximumf %get3A_13, %get3A_16 : vector<1x10240xf32>
    %max3A_204 = arith.maximumf %get3A_10, %max3A : vector<1x10240xf32>
    %mul3A_205 = arith.constant 6.400000e+01 : f32
    %mul3A_206 = vector.broadcast %mul3A_205 : f32 to vector<1x10240xf32>
    %mul3A_207 = arith.mulf %max3A_204, %mul3A_206 : vector<1x10240xf32>
    %mul3A_208 = arith.constant 3.000000e+00 : f32
    %mul3A_209 = vector.broadcast %mul3A_208 : f32 to vector<1x10240xf32>
    %mul3A_210 = arith.mulf %mul3A_207, %mul3A_209 : vector<1x10240xf32>
    %sub3A_211 = arith.subf %sub3A_185, %mul3A_210 : vector<1x10240xf32>
    %floor3A = math.floor %sub3A_211 : vector<1x10240xf32>
    %jit3A = arith.constant 0.000000e+00 : f32
    %jit3A_212 = arith.constant 1.270000e+02 : f32
    %max3A_213 = vector.broadcast %jit3A : f32 to vector<1x10240xf32>
    %max3A_214 = arith.maximumf %max3A_213, %floor3A : vector<1x10240xf32>
    %min3A = vector.broadcast %jit3A_212 : f32 to vector<1x10240xf32>
    %min3A_215 = arith.minimumf %min3A, %max3A_214 : vector<1x10240xf32>
    %convert_element_type3A = arith.fptosi %min3A_215 : vector<1x10240xf32> to vector<1x10240xi32>
    %sub3A_216 = arith.subf %sub3A_194, %mul3A_210 : vector<1x10240xf32>
    %floor3A_217 = math.floor %sub3A_216 : vector<1x10240xf32>
    %jit3A_218 = arith.constant 0.000000e+00 : f32
    %jit3A_219 = arith.constant 1.270000e+02 : f32
    %max3A_220 = vector.broadcast %jit3A_218 : f32 to vector<1x10240xf32>
    %max3A_221 = arith.maximumf %max3A_220, %floor3A_217 : vector<1x10240xf32>
    %min3A_222 = vector.broadcast %jit3A_219 : f32 to vector<1x10240xf32>
    %min3A_223 = arith.minimumf %min3A_222, %max3A_221 : vector<1x10240xf32>
    %convert_element_type3A_224 = arith.fptosi %min3A_223 : vector<1x10240xf32> to vector<1x10240xi32>
    %sub3A_225 = arith.subf %sub3A_203, %mul3A_210 : vector<1x10240xf32>
    %floor3A_226 = math.floor %sub3A_225 : vector<1x10240xf32>
    %jit3A_227 = arith.constant 0.000000e+00 : f32
    %jit3A_228 = arith.constant 1.270000e+02 : f32
    %max3A_229 = vector.broadcast %jit3A_227 : f32 to vector<1x10240xf32>
    %max3A_230 = arith.maximumf %max3A_229, %floor3A_226 : vector<1x10240xf32>
    %min3A_231 = vector.broadcast %jit3A_228 : f32 to vector<1x10240xf32>
    %min3A_232 = arith.minimumf %min3A_231, %max3A_230 : vector<1x10240xf32>
    %convert_element_type3A_233 = arith.fptosi %min3A_232 : vector<1x10240xf32> to vector<1x10240xi32>
    %add3A_234 = arith.addf %sub3A_185, %mul3A_210 : vector<1x10240xf32>
    %ceil3A = math.ceil %add3A_234 : vector<1x10240xf32>
    %jit3A_235 = arith.constant 0.000000e+00 : f32
    %jit3A_236 = arith.constant 1.270000e+02 : f32
    %max3A_237 = vector.broadcast %jit3A_235 : f32 to vector<1x10240xf32>
    %max3A_238 = arith.maximumf %max3A_237, %ceil3A : vector<1x10240xf32>
    %min3A_239 = vector.broadcast %jit3A_236 : f32 to vector<1x10240xf32>
    %min3A_240 = arith.minimumf %min3A_239, %max3A_238 : vector<1x10240xf32>
    %add3A_241 = arith.constant 1.000000e+00 : f32
    %add3A_242 = vector.broadcast %add3A_241 : f32 to vector<1x10240xf32>
    %add3A_243 = arith.addf %min3A_240, %add3A_242 : vector<1x10240xf32>
    %convert_element_type3A_244 = arith.fptosi %add3A_243 : vector<1x10240xf32> to vector<1x10240xi32>
    %sub3A_245 = arith.subi %convert_element_type3A_244, %convert_element_type3A : vector<1x10240xi32>
    %add3A_246 = arith.addf %sub3A_194, %mul3A_210 : vector<1x10240xf32>
    %ceil3A_247 = math.ceil %add3A_246 : vector<1x10240xf32>
    %jit3A_248 = arith.constant 0.000000e+00 : f32
    %jit3A_249 = arith.constant 1.270000e+02 : f32
    %max3A_250 = vector.broadcast %jit3A_248 : f32 to vector<1x10240xf32>
    %max3A_251 = arith.maximumf %max3A_250, %ceil3A_247 : vector<1x10240xf32>
    %min3A_252 = vector.broadcast %jit3A_249 : f32 to vector<1x10240xf32>
    %min3A_253 = arith.minimumf %min3A_252, %max3A_251 : vector<1x10240xf32>
    %add3A_254 = arith.constant 1.000000e+00 : f32
    %add3A_255 = vector.broadcast %add3A_254 : f32 to vector<1x10240xf32>
    %add3A_256 = arith.addf %min3A_253, %add3A_255 : vector<1x10240xf32>
    %convert_element_type3A_257 = arith.fptosi %add3A_256 : vector<1x10240xf32> to vector<1x10240xi32>
    %sub3A_258 = arith.subi %convert_element_type3A_257, %convert_element_type3A_224 : vector<1x10240xi32>
    %add3A_259 = arith.addf %sub3A_203, %mul3A_210 : vector<1x10240xf32>
    %ceil3A_260 = math.ceil %add3A_259 : vector<1x10240xf32>
    %jit3A_261 = arith.constant 0.000000e+00 : f32
    %jit3A_262 = arith.constant 1.270000e+02 : f32
    %max3A_263 = vector.broadcast %jit3A_261 : f32 to vector<1x10240xf32>
    %max3A_264 = arith.maximumf %max3A_263, %ceil3A_260 : vector<1x10240xf32>
    %min3A_265 = vector.broadcast %jit3A_262 : f32 to vector<1x10240xf32>
    %min3A_266 = arith.minimumf %min3A_265, %max3A_264 : vector<1x10240xf32>
    %add3A_267 = arith.constant 1.000000e+00 : f32
    %add3A_268 = vector.broadcast %add3A_267 : f32 to vector<1x10240xf32>
    %add3A_269 = arith.addf %min3A_266, %add3A_268 : vector<1x10240xf32>
    %convert_element_type3A_270 = arith.fptosi %add3A_269 : vector<1x10240xf32> to vector<1x10240xi32>
    %sub3A_271 = arith.subi %convert_element_type3A_270, %convert_element_type3A_233 : vector<1x10240xi32>
    %mul3A_272 = arith.constant 256 : i32
    %mul3A_273 = vector.broadcast %mul3A_272 : i32 to vector<1x10240xi32>
    %mul3A_274 = arith.muli %convert_element_type3A_224, %mul3A_273 : vector<1x10240xi32>
    %add3A_275 = arith.addi %convert_element_type3A, %mul3A_274 : vector<1x10240xi32>
    %mul3A_276 = arith.constant 65536 : i32
    %mul3A_277 = vector.broadcast %mul3A_276 : i32 to vector<1x10240xi32>
    %mul3A_278 = arith.muli %convert_element_type3A_233, %mul3A_277 : vector<1x10240xi32>
    %add3A_279 = arith.addi %add3A_275, %mul3A_278 : vector<1x10240xi32>
    %swap3A = arith.constant 0 : index
    %swap3A_280 = arith.constant 0 : index
    %swap3A_281 = vector.load %arg4[%swap3A, %swap3A_280] : memref<16x10240xi32, #tpu.memory_space<vmem>>, vector<1x10240xi32>
    tpu.vector_store %arg4[%swap3A, %swap3A_280], %add3A_279 {strides = array<i32>} : memref<16x10240xi32, #tpu.memory_space<vmem>>, vector<1x10240xi32>,
    %mul3A_282 = arith.constant 256 : i32
    %mul3A_283 = vector.broadcast %mul3A_282 : i32 to vector<1x10240xi32>
    %mul3A_284 = arith.muli %sub3A_258, %mul3A_283 : vector<1x10240xi32>
    %add3A_285 = arith.addi %sub3A_245, %mul3A_284 : vector<1x10240xi32>
    %mul3A_286 = arith.constant 65536 : i32
    %mul3A_287 = vector.broadcast %mul3A_286 : i32 to vector<1x10240xi32>
    %mul3A_288 = arith.muli %sub3A_271, %mul3A_287 : vector<1x10240xi32>
    %add3A_289 = arith.addi %add3A_285, %mul3A_288 : vector<1x10240xi32>
    %swap3A_290 = arith.constant 1 : index
    %swap3A_291 = arith.constant 0 : index
    %swap3A_292 = vector.load %arg4[%swap3A_290, %swap3A_291] : memref<16x10240xi32, #tpu.memory_space<vmem>>, vector<1x10240xi32>
    tpu.vector_store %arg4[%swap3A_290, %swap3A_291], %add3A_289 {strides = array<i32>} : memref<16x10240xi32, #tpu.memory_space<vmem>>, vector<1x10240xi32>,
    %bitcast_convert_type3A = tpu.bitcast %sub3A_185 : vector<1x10240xf32> -> vector<1x10240xi32>
    %swap3A_293 = arith.constant 2 : index
    %swap3A_294 = arith.constant 0 : index
    %swap3A_295 = vector.load %arg4[%swap3A_293, %swap3A_294] : memref<16x10240xi32, #tpu.memory_space<vmem>>, vector<1x10240xi32>
    tpu.vector_store %arg4[%swap3A_293, %swap3A_294], %bitcast_convert_type3A {strides = array<i32>} : memref<16x10240xi32, #tpu.memory_space<vmem>>, vector<1x10240xi32>,
    %bitcast_convert_type3A_296 = tpu.bitcast %sub3A_194 : vector<1x10240xf32> -> vector<1x10240xi32>
    %swap3A_297 = arith.constant 3 : index
    %swap3A_298 = arith.constant 0 : index
    %swap3A_299 = vector.load %arg4[%swap3A_297, %swap3A_298] : memref<16x10240xi32, #tpu.memory_space<vmem>>, vector<1x10240xi32>
    tpu.vector_store %arg4[%swap3A_297, %swap3A_298], %bitcast_convert_type3A_296 {strides = array<i32>} : memref<16x10240xi32, #tpu.memory_space<vmem>>, vector<1x10240xi32>,
    %bitcast_convert_type3A_300 = tpu.bitcast %sub3A_203 : vector<1x10240xf32> -> vector<1x10240xi32>
    %swap3A_301 = arith.constant 4 : index
    %swap3A_302 = arith.constant 0 : index
    %swap3A_303 = vector.load %arg4[%swap3A_301, %swap3A_302] : memref<16x10240xi32, #tpu.memory_space<vmem>>, vector<1x10240xi32>
    tpu.vector_store %arg4[%swap3A_301, %swap3A_302], %bitcast_convert_type3A_300 {strides = array<i32>} : memref<16x10240xi32, #tpu.memory_space<vmem>>, vector<1x10240xi32>,
    %mul3A_304 = arith.constant -1.22070313E-4 : f32
    %mul3A_305 = vector.broadcast %mul3A_304 : f32 to vector<1x10240xf32>
    %mul3A_306 = arith.mulf %mul3A_305, %add3A_136 : vector<1x10240xf32>
    %bitcast_convert_type3A_307 = tpu.bitcast %mul3A_306 : vector<1x10240xf32> -> vector<1x10240xi32>
    %swap3A_308 = arith.constant 5 : index
    %swap3A_309 = arith.constant 0 : index
    %swap3A_310 = vector.load %arg4[%swap3A_308, %swap3A_309] : memref<16x10240xi32, #tpu.memory_space<vmem>>, vector<1x10240xi32>
    tpu.vector_store %arg4[%swap3A_308, %swap3A_309], %bitcast_convert_type3A_307 {strides = array<i32>} : memref<16x10240xi32, #tpu.memory_space<vmem>>, vector<1x10240xi32>,
    %mul3A_311 = arith.constant -1.22070313E-4 : f32
    %mul3A_312 = vector.broadcast %mul3A_311 : f32 to vector<1x10240xf32>
    %mul3A_313 = arith.mulf %mul3A_312, %add3A_160 : vector<1x10240xf32>
    %bitcast_convert_type3A_314 = tpu.bitcast %mul3A_313 : vector<1x10240xf32> -> vector<1x10240xi32>
    %swap3A_315 = arith.constant 6 : index
    %swap3A_316 = arith.constant 0 : index
    %swap3A_317 = vector.load %arg4[%swap3A_315, %swap3A_316] : memref<16x10240xi32, #tpu.memory_space<vmem>>, vector<1x10240xi32>
    tpu.vector_store %arg4[%swap3A_315, %swap3A_316], %bitcast_convert_type3A_314 {strides = array<i32>} : memref<16x10240xi32, #tpu.memory_space<vmem>>, vector<1x10240xi32>,
    %mul3A_318 = arith.constant -1.22070313E-4 : f32
    %mul3A_319 = vector.broadcast %mul3A_318 : f32 to vector<1x10240xf32>
    %mul3A_320 = arith.mulf %mul3A_319, %add3A_176 : vector<1x10240xf32>
    %bitcast_convert_type3A_321 = tpu.bitcast %mul3A_320 : vector<1x10240xf32> -> vector<1x10240xi32>
    %swap3A_322 = arith.constant 7 : index
    %swap3A_323 = arith.constant 0 : index
    %swap3A_324 = vector.load %arg4[%swap3A_322, %swap3A_323] : memref<16x10240xi32, #tpu.memory_space<vmem>>, vector<1x10240xi32>
    tpu.vector_store %arg4[%swap3A_322, %swap3A_323], %bitcast_convert_type3A_321 {strides = array<i32>} : memref<16x10240xi32, #tpu.memory_space<vmem>>, vector<1x10240xi32>,
    %mul3A_325 = arith.constant -2.44140625E-4 : f32
    %mul3A_326 = vector.broadcast %mul3A_325 : f32 to vector<1x10240xf32>
    %mul3A_327 = arith.mulf %mul3A_326, %add3A_144 : vector<1x10240xf32>
    %bitcast_convert_type3A_328 = tpu.bitcast %mul3A_327 : vector<1x10240xf32> -> vector<1x10240xi32>
    %swap3A_329 = arith.constant 8 : index
    %swap3A_330 = arith.constant 0 : index
    %swap3A_331 = vector.load %arg4[%swap3A_329, %swap3A_330] : memref<16x10240xi32, #tpu.memory_space<vmem>>, vector<1x10240xi32>
    tpu.vector_store %arg4[%swap3A_329, %swap3A_330], %bitcast_convert_type3A_328 {strides = array<i32>} : memref<16x10240xi32, #tpu.memory_space<vmem>>, vector<1x10240xi32>,
    %mul3A_332 = arith.constant -2.44140625E-4 : f32
    %mul3A_333 = vector.broadcast %mul3A_332 : f32 to vector<1x10240xf32>
    %mul3A_334 = arith.mulf %mul3A_333, %add3A_152 : vector<1x10240xf32>
    %bitcast_convert_type3A_335 = tpu.bitcast %mul3A_334 : vector<1x10240xf32> -> vector<1x10240xi32>
    %swap3A_336 = arith.constant 9 : index
    %swap3A_337 = arith.constant 0 : index
    %swap3A_338 = vector.load %arg4[%swap3A_336, %swap3A_337] : memref<16x10240xi32, #tpu.memory_space<vmem>>, vector<1x10240xi32>
    tpu.vector_store %arg4[%swap3A_336, %swap3A_337], %bitcast_convert_type3A_335 {strides = array<i32>} : memref<16x10240xi32, #tpu.memory_space<vmem>>, vector<1x10240xi32>,
    %mul3A_339 = arith.constant -2.44140625E-4 : f32
    %mul3A_340 = vector.broadcast %mul3A_339 : f32 to vector<1x10240xf32>
    %mul3A_341 = arith.mulf %mul3A_340, %add3A_168 : vector<1x10240xf32>
    %bitcast_convert_type3A_342 = tpu.bitcast %mul3A_341 : vector<1x10240xf32> -> vector<1x10240xi32>
    %swap3A_343 = arith.constant 10 : index
    %swap3A_344 = arith.constant 0 : index
    %swap3A_345 = vector.load %arg4[%swap3A_343, %swap3A_344] : memref<16x10240xi32, #tpu.memory_space<vmem>>, vector<1x10240xi32>
    tpu.vector_store %arg4[%swap3A_343, %swap3A_344], %bitcast_convert_type3A_342 {strides = array<i32>} : memref<16x10240xi32, #tpu.memory_space<vmem>>, vector<1x10240xi32>,
    %bitcast_convert_type3A_346 = tpu.bitcast %get3A_31 : vector<1x10240xf32> -> vector<1x10240xi32>
    %swap3A_347 = arith.constant 11 : index
    %swap3A_348 = arith.constant 0 : index
    %swap3A_349 = vector.load %arg4[%swap3A_347, %swap3A_348] : memref<16x10240xi32, #tpu.memory_space<vmem>>, vector<1x10240xi32>
    tpu.vector_store %arg4[%swap3A_347, %swap3A_348], %bitcast_convert_type3A_346 {strides = array<i32>} : memref<16x10240xi32, #tpu.memory_space<vmem>>, vector<1x10240xi32>,
    %broadcast_in_dim3A = arith.constant 0 : i32
    %broadcast_in_dim3A_350 = vector.broadcast %broadcast_in_dim3A : i32 to vector<1x10240xi32>
    %swap3A_351 = arith.constant 12 : index
    %swap3A_352 = arith.constant 0 : index
    %swap3A_353 = vector.load %arg4[%swap3A_351, %swap3A_352] : memref<16x10240xi32, #tpu.memory_space<vmem>>, vector<1x10240xi32>
    tpu.vector_store %arg4[%swap3A_351, %swap3A_352], %broadcast_in_dim3A_350 {strides = array<i32>} : memref<16x10240xi32, #tpu.memory_space<vmem>>, vector<1x10240xi32>,
    %swap3A_354 = arith.constant 13 : index
    %swap3A_355 = arith.constant 0 : index
    %swap3A_356 = vector.load %arg4[%swap3A_354, %swap3A_355] : memref<16x10240xi32, #tpu.memory_space<vmem>>, vector<1x10240xi32>
    tpu.vector_store %arg4[%swap3A_354, %swap3A_355], %broadcast_in_dim3A_350 {strides = array<i32>} : memref<16x10240xi32, #tpu.memory_space<vmem>>, vector<1x10240xi32>,
    %swap3A_357 = arith.constant 14 : index
    %swap3A_358 = arith.constant 0 : index
    %swap3A_359 = vector.load %arg4[%swap3A_357, %swap3A_358] : memref<16x10240xi32, #tpu.memory_space<vmem>>, vector<1x10240xi32>
    tpu.vector_store %arg4[%swap3A_357, %swap3A_358], %broadcast_in_dim3A_350 {strides = array<i32>} : memref<16x10240xi32, #tpu.memory_space<vmem>>, vector<1x10240xi32>,
    %swap3A_360 = arith.constant 15 : index
    %swap3A_361 = arith.constant 0 : index
    %swap3A_362 = vector.load %arg4[%swap3A_360, %swap3A_361] : memref<16x10240xi32, #tpu.memory_space<vmem>>, vector<1x10240xi32>
    tpu.vector_store %arg4[%swap3A_360, %swap3A_361], %broadcast_in_dim3A_350 {strides = array<i32>} : memref<16x10240xi32, #tpu.memory_space<vmem>>, vector<1x10240xi32>,
    return
  }
}

</mosaic_0001>

<sc_bundles>
// kernel: kernel.4.cloned.1.call-start
scs
__scs_entry_jumppad:
0x0: {  	(pc) =	sbr.rel $0x88, $3  }
0x1: {  	(tag) =	ssettag $0x0;
	lr =	simm.s32 $0x1  }
0x2: {  	[smem:$0x3F9D] =	sst lr;
	_ =	strace $0xD0000000  }
0x3: {  	_ = 	snop  }
0x4: {  	_ = 	snop  }
0x5: {  	_ = 	snop  }
0x6: {  	_ = 	snop  }
0x7: {  	_ = 	snop  }
__scs_overlays_trampoline_lowered:
0x8: {  	[smem:$0x3FAC] =	sst s0  }
0x9: {  	[smem:$0x3FAD] =	sst s1  }
0xa: {  	[smem:$0x3FAE] =	sst s2  }
0xb: {  	[smem:$0x3FAF] =	sst s3  }
0xc: {  	[smem:$0x3FB0] =	sst s4  }
0xd: {  	[smem:$0x3FB1] =	sst s5  }
0xe: {  	[smem:$0x3FB2] =	sst s6  }
0xf: {  	[smem:$0x3FB3] =	sst s7  }
0x10: {  	[smem:$0x3FB4] =	sst s8  }
0x11: {  	[smem:$0x3FB5] =	sst s9;
	s0 =	simm.s32 @!p0 $0x0  }
0x12: {  	s1 =	sld [smem:$0x3F9B];
	s0 =	simm.s32 @p0 $0x1  }
0x13: {  	[smem:$0x3FB6] =	sst s0;
	s0 =	simm.s32 @!p1 $0x0  }
0x14: {  	s2 =	sld [smem:$0x3F9A];
	s0 =	simm.s32 @p1 $0x1  }
0x15: {  	[smem:$0x3FB7] =	sst s0;
	s0 =	simm.s32 @!p2 $0x0  }
0x16: {  	s3 =	sld [smem:$0x3FDB];
	s0 =	simm.s32 @p2 $0x1  }
0x17: {  	s4 =	simm.s32 $0x1BF5;
	[smem:$0x3FB9] =	sst s0  }
0x18: {  	s0 =	sld [smem:$0x3F9C];
	_ =	swait.ge [sflag:s4], $0x0  }
0x19: {  	s7 =	sld [smem:$0x3F9D]  }
0x1a: {  	s8 =	sadd.s32 $0xFFFFE003, lr  }
0x1b: {  	s9 =	sadd.s32 $0xFFFFFEF7, lr;
	s5 =	simm.s32 $0xFFFFFFFF;
	p2 =	slt.u32 s8, $0xFFFFF086  }
0x1c: {  	p1 =	slt.u32 s9, $0xF7A;
	s5 =	simm.s32 @!p2 $0x0  }
0x1d: {  	s5 =	simm.s32 @p1 $0x1;
	p0 =	seq.s32 s7, s2  }
0x1e: {  	s7 =	smul.u32 @!p0 $0xF7A, s2;
	p2 =	seq.s32 @!p0 s5, $0x0  }
0x1f: {  	s9 =	smul.u32 $0xF7A, s1;
	s8 =	simm.s32 @!p0 $0x1BF5;
	p2 =	por !p2, p0  }
0x20: {  	[sflag:s8] =	ssyncset.s32 @!p0 $0xFFFFF086;
	s6 =	sadd.s32 @!p0 s3, s7;
	s7 =	simm.s32 @!p0 $0x108  }
0x21: {  	s3 =	sadd.s32 s3, s9;
	s6 =	sadd.s32 @!p0 $0x88, s6;
	s7 =	simm.s32 @p2 $0x1082  }
0x22: {  	[simem:s7], [sflag:s8] =	dma.local @!p0 [hbm:s6], $0xF7A  }
0x23: {  	s9 =	sor.u32 $0xD0000000, s2;
	s6 =	simm.s32 $0x108;
	_ =	swait.ge @!p0 [sflag:s8], $0x0  }
0x24: {  	s3 =	sadd.s32 $0x88, s3;
	s6 =	simm.s32 @!p1 $0x1082;
	[sflag:s4] =	ssyncset.s32 $0xFFFFF086  }
0x25: {  	[simem:s6], [sflag:s4] =	dma.local [hbm:s3], $0xF7A  }
0x26: {  	[smem:$0x3F9D] =	sst s1;
	(tag) =	ssettag s2;
	_ =	strace s9  }
0x27: {  	s1 =	sld [smem:$0x3FAD]  }
0x28: {  	s2 =	sld [smem:$0x3FAE]  }
0x29: {  	s4 =	sld [smem:$0x3FB0]  }
0x2a: {  	p0 =	seq.s32 s5, $0x0;
	s5 =	sld [smem:$0x3FB1]  }
0x2b: {  	s6 =	sld [smem:$0x3FB2]  }
0x2c: {  	s7 =	sld [smem:$0x3FB3]  }
0x2d: {  	s3 =	simm.s32 $0x108;
	s8 =	sld [smem:$0x3FB4]  }
0x2e: {  	s3 =	simm.s32 @!p0 $0x1082;
	s9 =	sld [smem:$0x3FB5]  }
0x2f: {  	lr =	sadd.s32 s0, s3;
	s0 =	sld [smem:$0x3FAC]  }
0x30: {  	s3 =	sld [smem:$0x3FAF]  }
0x31: {  	[smem:$0x3FB8] =	sst s10  }
0x32: {  	s10 =	sld [smem:$0x3FB6];
	_ =	sdelay $0x3  }
0x33: {  	p0 =	seq.s32 s10, $0x1;
	s10 =	sld [smem:$0x3FB8];
	_ =	sdelay $0x3  }
0x34: {  	[smem:$0x3FB8] =	sst s10  }
0x35: {  	s10 =	sld [smem:$0x3FB7];
	_ =	sdelay $0x3  }
0x36: {  	p1 =	seq.s32 s10, $0x1;
	s10 =	sld [smem:$0x3FB8];
	_ =	sdelay $0x3  }
0x37: {  	[smem:$0x3FB8] =	sst s10  }
0x38: {  	s10 =	sld [smem:$0x3FB9]  }
0x39: {  	_ = 	snop;
	(pc) =	sbr.ind lr, $3  }
0x3a: {  	_ = 	snop  }
0x3b: {  	_ = 	snop  }
0x3c: {  	p2 =	seq.s32 s10, $0x1;
	s10 =	sld [smem:$0x3FB8]  }
0x3d: {  	_ =	shalt  }
0x3e: {  	_ =	shalt  }
0x3f: {  	_ =	shalt  }
0x40: {  	_ =	shalt  }
0x41: {  	_ =	shalt  }
0x42: {  	_ =	shalt  }
0x43: {  	_ =	shalt  }
0x44: {  	_ =	shalt  }
0x45: {  	_ =	shalt  }
0x46: {  	_ =	shalt  }
0x47: {  	_ =	shalt  }
0x48: {  	_ =	shalt  }
0x49: {  	_ =	shalt  }
0x4a: {  	_ =	shalt  }
0x4b: {  	_ =	shalt  }
0x4c: {  	_ =	shalt  }
0x4d: {  	_ =	shalt  }
0x4e: {  	_ =	shalt  }
0x4f: {  	_ =	shalt  }
0x50: {  	_ =	shalt  }
0x51: {  	_ =	shalt  }
0x52: {  	_ =	shalt  }
0x53: {  	_ =	shalt  }
0x54: {  	_ =	shalt  }
0x55: {  	_ =	shalt  }
0x56: {  	_ =	shalt  }
0x57: {  	_ =	shalt  }
0x58: {  	_ =	shalt  }
0x59: {  	_ =	shalt  }
0x5a: {  	_ =	shalt  }
0x5b: {  	_ =	shalt  }
0x5c: {  	_ =	shalt  }
0x5d: {  	_ =	shalt  }
0x5e: {  	_ =	shalt  }
0x5f: {  	_ =	shalt  }
0x60: {  	_ =	shalt  }
0x61: {  	_ =	shalt  }
0x62: {  	_ =	shalt  }
0x63: {  	_ =	shalt  }
0x64: {  	_ =	shalt  }
0x65: {  	_ =	shalt  }
0x66: {  	_ =	shalt  }
0x67: {  	_ =	shalt  }
0x68: {  	_ =	shalt  }
0x69: {  	_ =	shalt  }
0x6a: {  	_ =	shalt  }
0x6b: {  	_ =	shalt  }
0x6c: {  	_ =	shalt  }
0x6d: {  	_ =	shalt  }
0x6e: {  	_ =	shalt  }
0x6f: {  	_ =	shalt  }
0x70: {  	_ =	shalt  }
0x71: {  	_ =	shalt  }
0x72: {  	_ =	shalt  }
0x73: {  	_ =	shalt  }
0x74: {  	_ =	shalt  }
0x75: {  	_ =	shalt  }
0x76: {  	_ =	shalt  }
0x77: {  	_ =	shalt  }
0x78: {  	_ =	shalt  }
0x79: {  	_ =	shalt  }
0x7a: {  	_ =	shalt  }
0x7b: {  	_ =	shalt  }
0x7c: {  	_ =	shalt  }
0x7d: {  	_ =	shalt  }
0x7e: {  	_ =	shalt  }
0x7f: {  	_ =	shalt  }
0x80: {  	_ =	shalt  }
0x81: {  	_ =	shalt  }
0x82: {  	_ =	shalt  }
0x83: {  	_ =	shalt  }
0x84: {  	_ =	shalt  }
0x85: {  	_ =	shalt  }
0x86: {  	_ =	shalt  }
0x87: {  	_ =	shalt  }
.Lfunc_end0:
.L_simem_size_0:
called_computation_lowered:
.L_overlay_start_0:
0x88: {  	s2 =	sld [smem:$0x3FD9]  }
0x89: {  	s3 =	sld [smem:$0x3FFE];
	_ =	sdelay $0x1  }
0x8a: {  	s1 =	srdreg.scid  }
0x8b: {  	s0 =	sand.u32 $0x1, s1  }
0x8c: {  	s17 =	sshll.u32 s0, $0xA;
	s2 =	sadd.s32 s3, s2  }
0x8d: {  	s2 =	sadd.s32 s2, s17  }
0x8e: {  	[smem:$0x3FC4] =	sst s2  }
0x8f: {  	_ = 	snop  }
0x90: {  	s2 =	sld [smem:$0x3FD0];
	(tm) =	ssettm $0x1  }
0x91: {  	s18 =	sld [smem:$0x3FFB];
	_ =	sdelay $0x3  }
0x92: {  	_ =	strace s18  }
0x93: {  	s3 =	sld [smem:$0x3FFC];
	_ =	sdelay $0x3  }
0x94: {  	_ =	strace s3  }
0x95: {  	s3 =	sld [smem:$0x3FFD];
	_ =	sdelay $0x3  }
0x96: {  	_ =	strace s3  }
0x97: {  	_ =	strace $0x8FFFFFFF  }
0x98: {  	s19 =	sld [smem:$0x3FDB];
	_ =	sdelay $0x1  }
0x99: {  	s4 =	simm.s32 $_scs_section_size  }
0x9a: {  	s5 =	simm.s32 $_size__tile_overlayer_lowered;
	s6 =	simm.s32 $_tile_overlayer_lowered  }
0x9b: {  	s22 =	simm.s32 $0x1BFF;
	s21 =	sshll.u32 s6, $0x1;
	s3 =	sadd.s32 s4, s19  }
0x9c: {  	s7 =	simm.s32 $0x0;
	s20 =	sshll.u32 s5, $0x1;
	s5 =	sadd.s32 s21, s3  }
0x9d: {  	[timem:s7], [sflag:s22] =	dma.local [hbm:s5], s20  }
0x9e: {  	_ =	swait.ge [sflag:s22], s20  }
0x9f: {  	s4 =	ssub.s32 $0x0, s20;
	[sflag:s22] =	ssyncset.done $0x0  }
0xa0: {  	[sflag:s22] =	ssyncadd.s32 s4;
	_ =	sdelay $0x1  }
0xa1: {  	s23 =	simm.s32 $0x1B8B  }
0xa2: {  	_ =	swait.ge [sflag:s23], $0x1  }
0xa3: {  	[sflag:s23] =	ssyncset.done $0x0  }
0xa4: {  	s25 =	simm.s32 $0x1B8E;
	s24 =	sld [smem:$0x3FFE];
	[sflag:s23] =	ssyncadd.s32 $0xFFFFFFFF  }
0xa5: {  	s26 =	simm.s32 $execute0_lowered;
	[smem:$0x3FD2] =	sst s25  }
0xa6: {  	s5 =	sshll.u32 s26, $0x1;
	_ =	strace $0x80000046;
	[dreg:$0x1] =	wrdreg $0xFFFFFFFF  }
0xa7: {  	s28 =	simm.s32 $_size_execute0_lowered;
	s3 =	sadd.s32 s3, s5;
	[dreg:$0x0] =	wrdreg $0x0  }
0xa8: {  	s5 =	sshll.u32 s28, $0x1;
	[dreg:$0x2] =	wrdreg s3  }
0xa9: {  	[dreg:$0x3] =	wrdreg s5  }
0xaa: {  	[dreg:$0x4] =	wrdreg $0xC0  }
0xab: {  	_ =	task [dreg:s7], $0x5FFFF  }
0xac: {  	[dreg:$0x1] =	wrdreg $0xFFFFFFFF  }
0xad: {  	[dreg:$0x0] =	wrdreg $0x60  }
0xae: {  	[dreg:$0x2] =	wrdreg s2  }
0xaf: {  	[dreg:$0x3] =	wrdreg s24  }
0xb0: {  	[dreg:$0x4] =	wrdreg $0x9  }
0xb1: {  	_ =	task.clear_ibuf [dreg:s7], $0x5FFFF;
	_ =	strace $0x90000046  }
0xb2: {  	s29 =	simm.s32 $0x9;
	_ =	strace $0x80000048  }
0xb3: {  	_ =	swait.ge [sflag:s29], $0x1  }
0xb4: {  	[sflag:s29] =	ssyncadd.s32 $0xFFFFFFFF  }
0xb5: {  	_ =	strace $0x90000048  }
0xb6: {  	_ =	sfence  }
0xb7: {  	s30 =	sld [smem:$0x0];
	_ =	sdelay $0x2  }
0xb8: {  	s31 =	sshll.u32 s1, $0xD;
	s1 =	sshrl.u32 s1, $0x2  }
0xb9: {  	s3 =	sand.u32 $0x4000, s31;
	s1 =	sadd.s32 s1, s30  }
0xba: {  	s0 =	sor.u32 s3, s0;
	s1 =	sshll.u32 s1, $0x11  }
0xbb: {  	s0 =	sor.u32 s1, s0  }
0xbc: {  	s0 =	sadd.s32 $0x8F2B, s0  }
0xbd: {  	[sflag:s0] =	ssyncadd.remote.s32 $0x1  }
0xbe: {  	_ =	sfence.sel $0xFFFF  }
0xbf: {  	[dreg:$0x0] =	wrdreg $0xFFFFFFFF;
	(pc) =	sbr.abs _section_cstart, $3  }
0xc0: {  	[dreg:$0x1] =	wrdreg $0xFFFFFFFF  }
0xc1: {  	_ =	task.clear_ibuf [dreg:s7], $0x2FFFF;
	_ =	strace $0x9FFFFFFF  }
0xc2: {  	(tm) =	ssettm $0x7FFFFFFF  }
0xc3: {  	_ =	shalt  }
tec
execute0_lowered:
.L_overlay_start_1:
0x0: {  	(tag) =	ssettag $0x1  }
0x1: {  	s2 =	rddreg [dreg:$0x0]  }
0x2: {  	s1 =	srdreg.scid;
	s0 =	stileid.u32  }
0x3: {  	s4 =	rddreg [dreg:$0x1];
	s3 =	simm.s32 $0x0;
	s9 =	simm.s32 $0x1  }
0x4: {  	s10 =	simm.s32 $0x5000;
	s11 =	simm.s32 $0xA000;
	s12 =	simm.s32 $0xA100  }
0x5: {  	s5 =	sand.u32 $0x1, s1;
	s6 =	sshll.u32 s0, $0x1;
	[smem:$0x7FF] =	sst s3  }
0x6: {  	s13 =	simm.s32 $0x2;
	s6 =	sor.u32 s5, s6;
	_ =	strace $0x80000047  }
.Ltmp0:
0x7: {  	s5 =	ssub.s32 $0x2, s5;
	s7 =	sshll.u32 s6, $0xD;
	(pc) =	sbr.rel .LBB2_1-.Ltmp0, $4  }
0x8: {  	s8 =	sshrl.u32 s5, $0x1;
	s7 =	sadd.s32 s7, s4;
	s4 =	sshll.u32 s6, $0x2  }
0x9: {  	s6 =	sshll.u32 s6, $0x10;
	s8 =	ssub.s32 s5, s8;
	s30 =	sadd.s32 $0x600, s7  }
0xa: {  	v2 =	vimm.f32 $0.0e+00;
	s5 =	sadd.s32 $0x4, s4;
	s31 =	smax.u32 s8, $0x1;
	[dreg:$0x3] =	wrdreg s30  }
0xb: {  	v3 =	vlaneseq.u32;
	s15 =	simm.s32 $0x0;
	s6 =	ssub.s32 $0x0, s6;
	v1 =	vmov s4;
	[dreg:$0x4] =	wrdreg s31;
	v0 =	vmov s5  }
.LBB2_70:
0xc: {  	s0 =	rddreg [dreg:$0x3];
	s1 =	simm.s32 $0x3  }
0xd: {  	[hbm4b:s0+s3] =	stream.linear.scatter [tilespmem:s12], [sflag:$0x3], $0x10000, $0x38;
	[tilespmem:$0x1A100] =	vst v63  }
0xe: {  	_ =	swait.ge [sflag:s1], $0x10000  }
0xf: {  	s15 =	sadd.s32 $0x1, s15;
	s31 =	rddreg [dreg:$0x4]  }
0x10: {  	p0 =	sne.s32 s15, s31  }
.Ltmp1:
0x11: {  	_ = 	snop;
	(pc) =	sbr.rel @!p0 .LBB2_71-.Ltmp1, $3  }
0x12: {  	_ =	sdelay $0x1  }
0x13: {  	[sflag:s1] =	ssyncset.done $0x0  }
0x14: {  	[sflag:s1] =	ssyncadd.s32 $0xFFFF0000  }
.LBB2_1:
0x15: {  	s16 =	simm.s32 $0xA140  }
0x16: {  	[tilespmem:s16+$0xFFFFFFC0] =	vst v2  }
0x17: {  	[tilespmem:s16+$0x30] =	vst v2  }
0x18: {  	[tilespmem:s16+$0x20] =	vst v2  }
0x19: {  	[tilespmem:s16+$0x10] =	vst v2  }
0x1a: {  	[tilespmem:s16+$0x0] =	vst v2  }
0x1b: {  	[tilespmem:s16+$0xFFFFFFF0] =	vst v2  }
0x1c: {  	s17 =	simm.s32 $0x0;
	[tilespmem:s16+$0xFFFFFFE0] =	vst v2  }
.LBB2_2:
0x1d: {  	s17 =	sadd.s32 $0x8, s17;
	[tilespmem:s16+$0xFFFFFFD0] =	vst v2;
	s16 =	sadd.s32 $0x80, s16  }
0x1e: {  	[tilespmem:s16+$0xFFFFFFC0] =	vst v2;
	p0 =	slt.u32 s17, $0xFF8  }
0x1f: {  	[tilespmem:s16+$0x30] =	vst v2  }
.Ltmp2:
0x20: {  	[tilespmem:s16+$0x20] =	vst v2;
	(pc) =	sbr.rel @p0 .LBB2_2-.Ltmp2, $4  }
0x21: {  	[tilespmem:s16+$0x10] =	vst v2  }
0x22: {  	[tilespmem:s16+$0x0] =	vst v2  }
0x23: {  	[tilespmem:s16+$0xFFFFFFF0] =	vst v2  }
0x24: {  	[tilespmem:s16+$0xFFFFFFE0] =	vst v2  }
.Ltmp3:
0x25: {  	(pc) =	sbr.rel .LBB2_4-.Ltmp3, $3  }
0x26: {  	_ =	sdelay $0x1  }
0x27: {  	[tilespmem:s16+$0xFFFFFFD0] =	vst v2;
	s16 =	simm.s32 $0x0;
	s17 =	simm.s32 $0x0  }
0x28: {  	[tilespmem:s16], [sflag:$0x1] =	stream.linear.gather [hbm4b:s2+s16], $0x5000, $0x38;
	[tilespmem:$0x1A100] =	vst v63  }
.LBB2_69:
0x29: {  	s17 =	sadd.s32 $0x1, s17  }
0x2a: {  	p0 =	sne.s32 s17, $0x20  }
.Ltmp4:
0x2b: {  	_ = 	snop;
	(pc) =	sbr.rel @!p0 .LBB2_70-.Ltmp4, $1  }
0x2c: {  	_ =	sdelay $0x3  }
.LBB2_4:
0x2d: {  	v4 =	vor.u32 s16, v3;
	s18 =	smul.u32 $0xA000, s17  }
0x2e: {  	v5 =	vshll.u32 v4, $0x7  }
0x2f: {  	_ =	swait.ge [sflag:s9], $0x5000;
	v6 =	vor.u32 $0x1, v5;
	s19 =	sshrl.u32 s18, $0x3  }
0x30: {  	[sflag:s9] =	ssyncset.done $0x0;
	s19 =	sadd.s32 s2, s19  }
0x31: {  	[sflag:s9] =	ssyncadd.s32 $0xFFFFB000;
	s19 =	sadd.s32 $0xA00, s19  }
0x32: {  	[tilespmem:s10], [sflag:$0x2] =	stream.linear.gather [hbm4b:s19+s16], $0x5000, $0x38;
	[tilespmem:$0x1A100] =	vst v63  }
0x33: {  	v5 =	vld.idx.msk [tilespmem:v5+s3+$0x0], $0xffff  }
0x34: {  	v6 =	vld.idx.msk [tilespmem:v6+s3+$0x0], $0xffff;
	_ =	sdelay $0x4  }
0x35: {  	v5 =	vand.u32 $0xFF, v5;
	v6 =	vand.u32 $0xFF, v6  }
0x36: {  	v6 =	vadd.s32 v5, v6  }
0x37: {  	vm0 =	vlt.u32 v5, v0;
	vm1 =	vgt.u32 v6, v1  }
0x38: {  	vm0 =	vmand vm0, vm1  }
0x39: {  	v5 =	vmpcnt.ones.xlane vm0;
	_ =	sdelay $0x1  }
0x3a: {  	s20 =	simm.s32 $0x10;
	s21 =	simm.s32 $0x0;
	s19 =	simm.s32 $0x0;
	(v2sf) =	vpush v5, $0x0  }
.LBB2_5:
0x3b: {  	_ =	sdelay $0x9  }
0x3c: {  	v5 =	vor.u32 s20, v3  }
0x3d: {  	s20 =	sadd.s32 $0x10, s20;
	v6 =	vshll.u32 v5, $0x7  }
0x3e: {  	p0 =	sne.s32 s20, $0xA0;
	v7 =	vor.u32 $0x1, v6;
	_ =	sdelay $0x1  }
0x3f: {  	s22 =	spop (v2sf)  }
0x40: {  	p1 =	slt.s32 s22, $0x1;
	s19 =	sadd.s32 s19, s22  }
0x41: {  	[tilespmem:s21+$0xA000] =	vst.msk @!p1 vm0, v4;
	v4 =	vmov v5;
	s21 =	smov.u32 s19  }
0x42: {  	v5 =	vld.idx.msk [tilespmem:v7+s3+$0x0], $0xffff  }
0x43: {  	v6 =	vld.idx.msk [tilespmem:v6+s3+$0x0], $0xffff;
	_ =	sdelay $0x5  }
0x44: {  	v5 =	vand.u32 $0xFF, v5;
	v6 =	vand.u32 $0xFF, v6  }
0x45: {  	v5 =	vadd.s32 v6, v5  }
.Ltmp5:
0x46: {  	vm0 =	vlt.u32 v6, v0;
	vm1 =	vgt.u32 v5, v1;
	(pc) =	sbr.rel @p0 .LBB2_5-.Ltmp5, $3  }
0x47: {  	vm0 =	vmand vm0, vm1  }
0x48: {  	v5 =	vmpcnt.ones.xlane vm0;
	_ =	sdelay $0x1  }
0x49: {  	(v2sf) =	vpush v5, $0x0  }
0x4a: {  	_ =	sdelay $0xd  }
0x4b: {  	s22 =	spop (v2sf)  }
0x4c: {  	s19 =	sadd.s32 s19, s22  }
0x4d: {  	s20 =	sshrl.u32 s19, $0x1F  }
0x4e: {  	s20 =	sadd.s32 s20, s19  }
0x4f: {  	s20 =	sand.u32 $0xFFFFFFFE, s20  }
0x50: {  	p1 =	slt.s32 s20, $0x1  }
.Ltmp6:
0x51: {  	_ = 	snop;
	(pc) =	sbr.rel @p1 .LBB2_24-.Ltmp6, $3  }
0x52: {  	_ =	sdelay $0x1  }
0x53: {  	p0 =	slt.s32 s22, $0x1  }
0x54: {  	[tilespmem:s21+$0xA000] =	vst.msk @!p0 vm0, v4  }
.Ltmp7:
0x55: {  	(pc) =	sbr.rel .LBB2_8-.Ltmp7, $2  }
0x56: {  	_ =	sdelay $0x2  }
0x57: {  	s21 =	simm.s32 $0x0  }
.LBB2_23:
0x58: {  	s21 =	sadd.s32 $0x2, s21  }
0x59: {  	p0 =	slt.s32 s21, s20  }
.Ltmp8:
0x5a: {  	_ = 	snop;
	(pc) =	sbr.rel @!p0 .LBB2_24-.Ltmp8, $1  }
0x5b: {  	_ =	sdelay $0x3  }
.LBB2_8:
0x5c: {  	v4 =	vmov s21  }
0x5d: {  	v4 =	vand.u32 $0xFFFFFFFE, v4  }
0x5e: {  	v4 =	vbroadcast v4, $0x0;
	_ =	sdelay $0x5  }
0x5f: {  	v4 =	vld.idx.msk [tilespmem:v4+s11+$0x0], $0xffff;
	_ =	sdelay $0x4  }
0x60: {  	(v2sf) =	vpush v4, $0x0;
	_ =	sdelay $0xe  }
0x61: {  	s22 =	spop (v2sf)  }
0x62: {  	s22 =	sshll.u32 s22, $0x9  }
0x63: {  	s22 =	sshra.s32 s22, $0x2  }
0x64: {  	v13 =	vld [tilespmem:s22+$0x0];
	_ =	sdelay $0x4  }
0x65: {  	(v2sf) =	vpush v13, $0x0  }
0x66: {  	(v2sf) =	vpush v13, $0x1;
	_ =	sdelay $0xd  }
0x67: {  	s25 =	spop (v2sf)  }
0x68: {  	s26 =	spop (v2sf)  }
0x69: {  	s23 =	sand.u32 $0xFF, s25;
	s24 =	sand.u32 $0xFF, s26  }
0x6a: {  	s24 =	sadd.s32 s24, s23  }
0x6b: {  	s28 =	sshrl.u32 s26, $0x8;
	s22 =	smax.u32 s23, s4;
	s24 =	smin.u32 s24, s5  }
0x6c: {  	s23 =	sand.u32 $0xFF, s28;
	s24 =	ssub.s32 s24, s22  }
0x6d: {  	s24 =	smul.u32 s23, s24;
	_ =	sdelay $0x1  }
0x6e: {  	s30 =	sshrl.u32 s25, $0x10;
	s31 =	sshra.s32 s24, $0x1F  }
0x6f: {  	v14 =	vadd.s32 s30, v3;
	s28 =	sshrl.u32 s31, $0x1E  }
0x70: {  	v5 =	vbroadcast v13, $0x4;
	s26 =	sshrl.u32 s26, $0x10;
	v4 =	vcvt.s32.f32 v14;
	s28 =	sadd.s32 s28, s24  }
0x71: {  	v7 =	vbroadcast v13, $0xA;
	v15 =	vmov s26;
	s26 =	sand.u32 $0xFFFFFFFC, s28  }
0x72: {  	v8 =	vbroadcast v13, $0x3;
	s25 =	sshrl.u32 s25, $0x8;
	v6 =	vsub.f32 v4, v5;
	v4 =	vbroadcast v13, $0x7;
	p0 =	slt.s32 s26, $0x1  }
.Ltmp9:
0x73: {  	v10 =	vbroadcast v13, $0x5;
	s25 =	sand.u32 $0xFF, s25;
	v5 =	vbroadcast v13, $0x9;
	(pc) =	sbr.rel @p0 .LBB2_11-.Ltmp9, $4  }
0x74: {  	v11 =	vbroadcast v13, $0x8;
	s29 =	sshll.u32 s25, $0x7;
	v4 =	vmul.f32 v6, v4  }
0x75: {  	v12 =	vbroadcast v13, $0x6;
	s29 =	sadd.s32 s6, s29;
	v5 =	vmul.f32 v6, v5  }
0x76: {  	v9 =	vadd.s32 s29, v14;
	v4 =	vmul.f32 v4, v6;
	v6 =	vmul.f32 v6, v7  }
0x77: {  	v14 =	vand.u32 $0x7F, v14;
	v7 =	vbroadcast v13, $0x2;
	v13 =	vbroadcast v13, $0xB  }
0x78: {  	s28 =	simm.s32 $0x0  }
0x79: {  	(drf) =	sdivrem.u32 s28, s23  }
0x7a: {  	s28 =	simm.s32 $0x1  }
0x7b: {  	(drf) =	sdivrem.u32 s28, s23;
	_ =	sdelay $0x1  }
0x7c: {  	s28 =	simm.s32 $0x2  }
0x7d: {  	(drf) =	sdivrem.u32 s28, s23  }
0x7e: {  	s28 =	simm.s32 $0x3  }
0x7f: {  	(drf) =	sdivrem.u32 s28, s23;
	_ =	sdelay $0x1  }
0x80: {  	s28 =	spop (drf)  }
0x81: {  	s29 =	spop (drf)  }
0x82: {  	s28 =	sadd.s32 s22, s28;
	s1 =	spop (drf)  }
0x83: {  	s30 =	sadd.s32 s25, s29;
	v16 =	vmov s28;
	s1 =	sadd.s32 s22, s1  }
0x84: {  	s31 =	sshll.u32 s28, $0xE;
	s28 =	sshll.u32 s29, $0x7;
	s0 =	spop (drf);
	v16 =	vcvt.s32.f32 v16;
	v17 =	vmov s30;
	v18 =	vmov s1  }
0x85: {  	vm0 =	vgt.u32 v15, v3;
	s30 =	sadd.s32 s31, s28;
	s29 =	spop (drf);
	v17 =	vcvt.s32.f32 v17;
	s14 =	sadd.s32 s25, s0;
	v18 =	vcvt.s32.f32 v18  }
0x86: {  	s1 =	sshll.u32 s1, $0xE;
	s28 =	spop (drf);
	v19 =	vbroadcast v16, $0x0;
	v20 =	vmov s14;
	s29 =	sadd.s32 s22, s29;
	v16 =	vadd.s32 s30, v9  }
0x87: {  	s0 =	sshll.u32 s0, $0x7;
	s30 =	spop (drf);
	v22 =	vcvt.s32.f32 v20;
	v20 =	vmov s29;
	s7 =	sadd.s32 s25, s28;
	v17 =	vbroadcast v17, $0x0  }
0x88: {  	s0 =	sadd.s32 s1, s0;
	v18 =	vbroadcast v18, $0x0;
	s8 =	spop (drf);
	v21 =	vcvt.s32.f32 v20;
	v23 =	vmov s7;
	s30 =	sadd.s32 s22, s30  }
0x89: {  	v20 =	vadd.s32 s0, v9;
	s14 =	sadd.s32 s25, s8;
	v23 =	vcvt.s32.f32 v23;
	v25 =	vmov s30  }
0x8a: {  	v17 =	vsub.f32 v17, v8;
	v22 =	vbroadcast v22, $0x0;
	v24 =	vmov s14  }
0x8b: {  	v26 =	vbroadcast v21, $0x0;
	v25 =	vcvt.s32.f32 v25;
	v21 =	vsub.f32 v19, v7  }
0x8c: {  	v28 =	vsub.f32 v18, v7;
	v27 =	vcvt.s32.f32 v24;
	v19 =	vbroadcast v23, $0x0  }
0x8d: {  	v18 =	vmul.f32 v17, v11;
	v24 =	vsub.f32 v26, v7;
	v26 =	vbroadcast v25, $0x0  }
0x8e: {  	v29 =	vsub.f32 v22, v8;
	v34 =	vmul.f32 v21, v10;
	v23 =	vbroadcast v27, $0x0  }
0x8f: {  	v36 =	vmul.f32 v28, v10;
	v25 =	vsub.f32 v19, v8;
	v19 =	vmul.f32 v17, v12  }
0x90: {  	v37 =	vmul.f32 v29, v11;
	v27 =	vmul.f32 v24, v10;
	v33 =	vsub.f32 v23, v8  }
0x91: {  	p1 =	sgt.s32 s26, $0x4;
	s31 =	sshll.u32 s30, $0xE;
	s1 =	sshll.u32 s8, $0x7;
	v39 =	vadd.f32 v18, v34;
	v22 =	vmul.f32 v25, v11;
	v19 =	vadd.f32 v19, v6  }
.Ltmp10:
0x92: {  	s0 =	sadd.s32 s31, s1;
	v32 =	vmul.f32 v25, v12;
	v23 =	vsub.f32 v26, v7;
	v35 =	vmul.f32 v33, v12;
	(pc) =	sbr.rel @!p1 .LBB2_10-.Ltmp10, $4  }
0x93: {  	v26 =	vadd.s32 s0, v9;
	v36 =	vadd.f32 v37, v36;
	v30 =	vmul.f32 v19, v17  }
0x94: {  	v17 =	vmul.f32 v29, v12;
	v22 =	vadd.f32 v22, v27;
	v19 =	vadd.f32 v35, v6  }
0x95: {  	v31 =	vmul.f32 v33, v11;
	v38 =	vadd.f32 v36, v5;
	v35 =	vmul.f32 v23, v10  }
0x96: {  	p0 =	por $0x0, $0x0;
	s30 =	simm.s32 $0x4;
	v37 =	vadd.f32 v17, v6;
	v36 =	vadd.f32 v22, v5;
	v27 =	vmul.f32 v19, v33  }
0x97: {  	(drf) =	sdivrem.u32 s30, s23  }
0x98: {  	v17 =	vadd.f32 v39, v5;
	s0 =	simm.s32 $0x5;
	v22 =	vmul.f32 v38, v28;
	v28 =	vadd.f32 v31, v35  }
0x99: {  	v19 =	vadd.f32 v32, v6;
	v18 =	vmul.f32 v37, v29;
	(drf) =	sdivrem.u32 s0, s23  }
0x9a: {  	v17 =	vmul.f32 v17, v21;
	v21 =	vadd.f32 v28, v5  }
0x9b: {  	s8 =	simm.s32 $0x6;
	v24 =	vmul.f32 v36, v24;
	v19 =	vmul.f32 v19, v25;
	v18 =	vadd.f32 v22, v18  }
0x9c: {  	v20 =	vand.u32 $0xFFFFFF80, v20;
	(drf) =	sdivrem.u32 s8, s23;
	v17 =	vadd.f32 v17, v30;
	v21 =	vmul.f32 v21, v23  }
0x9d: {  	s14 =	simm.s32 $0x7;
	v16 =	vand.u32 $0xFFFFFF80, v16;
	v19 =	vadd.f32 v24, v19;
	v18 =	vadd.f32 v18, v4  }
0x9e: {  	v22 =	vand.u32 $0xFFFFFF80, v26;
	(drf) =	sdivrem.u32 s14, s23;
	v17 =	vadd.f32 v17, v4;
	v21 =	vadd.f32 v21, v27  }
0x9f: {  	s1 =	sshll.u32 s29, $0xE;
	s28 =	sshll.u32 s28, $0x7;
	v23 =	vadd.f32 v19, v4;
	v19 =	vor.u32 v14, v22;
	v27 =	vor.u32 v14, v20  }
0xa0: {  	s31 =	sadd.s32 s1, s28;
	v25 =	vmul.f32 $1.442695020e+00, v17;
	v17 =	vor.u32 v14, v16;
	v16 =	vadd.f32 v21, v4;
	s1 =	spop (drf)  }
0xa1: {  	v24 =	vmul.f32 $1.442695020e+00, v18;
	v18 =	vadd.s32 s31, v9;
	v20 =	vmul.f32 $1.442695020e+00, v23;
	s7 =	spop (drf);
	s0 =	sadd.s32 s22, s1  }
0xa2: {  	(erf) = vpow2.f32 v25;
	v16 =	vmul.f32 $1.442695020e+00, v16;
	v21 =	vmov s0;
	s28 =	sadd.s32 s25, s7;
	s29 =	spop (drf)  }
0xa3: {  	(erf) = vpow2.f32 v24;
	v21 =	vcvt.s32.f32 v21;
	v22 =	vmov s28;
	s30 =	spop (drf);
	s28 =	sadd.s32 s22, s29  }
0xa4: {  	s0 =	sshll.u32 s0, $0xE;
	s1 =	sshll.u32 s7, $0x7;
	(erf) = vpow2.f32 v20;
	v22 =	vcvt.s32.f32 v22;
	v20 =	vmov s28;
	s8 =	sadd.s32 s25, s30  }
0xa5: {  	s0 =	sadd.s32 s0, s1;
	s29 =	spop (drf);
	(erf) = vpow2.f32 v16;
	v20 =	vcvt.s32.f32 v20;
	v23 =	vmov s8  }
0xa6: {  	s14 =	sshll.u32 s28, $0xE;
	v16 =	vadd.s32 s0, v9;
	v21 =	vbroadcast v21, $0x0;
	s28 =	spop (drf);
	s29 =	sadd.s32 s22, s29;
	v23 =	vcvt.s32.f32 v23  }
0xa7: {  	s7 =	sshll.u32 s30, $0x7;
	v24 =	vmov s29;
	s30 =	sadd.s32 s25, s28;
	s31 =	spop (drf);
	v29 =	vbroadcast v22, $0x0;
	v26 =	vbroadcast v20, $0x0  }
0xa8: {  	v24 =	vcvt.s32.f32 v24;
	v25 =	vmov s30;
	s8 =	spop (drf);
	s30 =	sadd.s32 s22, s31;
	v21 =	vsub.f32 v21, v7  }
0xa9: {  	s0 =	sadd.s32 s14, s7;
	v25 =	vcvt.s32.f32 v25;
	v28 =	vmov s30;
	s14 =	sadd.s32 s25, s8;
	v33 =	vsub.f32 v29, v8  }
0xaa: {  	v28 =	vcvt.s32.f32 v28;
	v22 =	vmov s14;
	v24 =	vbroadcast v24, $0x0  }
0xab: {  	v18 =	vand.u32 $0xFFFFFF80, v18;
	v59 =	vmul.f32 v21, v10;
	v30 =	vcvt.s32.f32 v22  }
0xac: {  	v25 =	vbroadcast v25, $0x0;
	v56 =	vmul.f32 v33, v12;
	v24 =	vsub.f32 v24, v7  }
0xad: {  	v18 =	vor.u32 v14, v18;
	v40 =	vmul.f32 v33, v11;
	v28 =	vbroadcast v28, $0x0;
	v22 =	vpop (erf)  }
0xae: {  	v30 =	vbroadcast v30, $0x0;
	v25 =	vsub.f32 v25, v8;
	v29 =	vpop (erf);
	v57 =	vmul.f32 v24, v10  }
0xaf: {  	v20 =	vadd.s32 s0, v9;
	v34 =	vmul.f32 v29, v13;
	v29 =	vbroadcast v23, $0x0  }
0xb0: {  	v23 =	vsub.f32 v28, v7;
	v58 =	vsub.f32 v30, v8;
	v60 =	vmul.f32 v25, v11  }
0xb1: {  	v28 =	vsub.f32 v26, v7;
	v32 =	vmul.f32 v25, v12;
	v29 =	vsub.f32 v29, v8  }
0xb2: {  	p1 =	sgt.s32 s26, $0x8;
	s31 =	sshll.u32 s30, $0xE;
	s1 =	sshll.u32 s8, $0x7;
	v39 =	vadd.f32 v40, v59;
	v31 =	vmul.f32 v58, v11;
	v61 =	vmul.f32 v58, v12  }
.Ltmp11:
0xb3: {  	s0 =	sadd.s32 s31, s1;
	v30 =	vadd.f32 v56, v6;
	v41 =	vmul.f32 v28, v10;
	v42 =	vmul.f32 v29, v11;
	(pc) =	sbr.rel @!p1 .LBB2_19-.Ltmp11, $4  }
0xb4: {  	v26 =	vadd.s32 s0, v9;
	[tilespmem:v27+s12+$0x0] =	vst.idx.add.f32.msk vm0, v34;
	v36 =	vadd.f32 v60, v57;
	v27 =	vmul.f32 v29, v12  }
0xb5: {  	v30 =	vmul.f32 v30, v33;
	v33 =	vpop (erf);
	v62 =	vadd.f32 v61, v6;
	v41 =	vadd.f32 v42, v41  }
0xb6: {  	v35 =	vmul.f32 v23, v10;
	v63 =	vpop (erf);
	v36 =	vadd.f32 v36, v5;
	v37 =	vadd.f32 v27, v6  }
0xb7: {  	p0 =	por $0x1, $0x1;
	s30 =	simm.s32 $0x8;
	v34 =	vmul.f32 v63, v13;
	v27 =	vmul.f32 v62, v58;
	v38 =	vadd.f32 v41, v5  }
.LBB2_18:
0xb8: {  	(drf) =	sdivrem.u32 s30, s23;
	v39 =	vadd.f32 v39, v5;
	v29 =	vmul.f32 v37, v29;
	v32 =	vadd.f32 v32, v6;
	s0 =	smov.u32 s30;
	s30 =	sadd.s32 $0x4, s30  }
0xb9: {  	v31 =	vadd.f32 v31, v35;
	s1 =	sadd.s32 $0x1, s0;
	p1 =	slt.s32 s30, s26;
	v28 =	vmul.f32 v38, v28;
	v24 =	vmul.f32 v36, v24  }
0xba: {  	v26 =	vand.u32 $0xFFFFFF80, v26;
	(drf) =	sdivrem.u32 s1, s23;
	s1 =	sadd.s32 $0x2, s0;
	v21 =	vmul.f32 v39, v21;
	v25 =	vmul.f32 v32, v25;
	[tilespmem:v19+s12+$0x0] =	vst.idx.add.f32.msk vm0, v34  }
0xbb: {  	s0 =	sadd.s32 $0x3, s0;
	(drf) =	sdivrem.u32 s1, s23;
	v19 =	vadd.f32 v28, v29;
	v28 =	vadd.f32 v31, v5;
	v29 =	vmul.f32 v33, v13  }
0xbc: {  	v22 =	vmul.f32 v22, v13;
	(drf) =	sdivrem.u32 s0, s23;
	v21 =	vadd.f32 v21, v30;
	v24 =	vadd.f32 v24, v25  }
0xbd: {  	v20 =	vand.u32 $0xFFFFFF80, v20;
	s1 =	sshll.u32 s28, $0x7;
	s0 =	sshll.u32 s29, $0xE;
	v19 =	vadd.f32 v19, v4;
	v23 =	vmul.f32 v28, v23;
	[tilespmem:v18+s12+$0x0] =	vst.idx.add.f32.msk vm0, v29  }
0xbe: {  	v16 =	vand.u32 $0xFFFFFF80, v16;
	s0 =	sadd.s32 s0, s1;
	v18 =	vadd.f32 v21, v4;
	v21 =	vadd.f32 v24, v4;
	[tilespmem:v17+s12+$0x0] =	vst.idx.add.f32.msk vm0, v22  }
0xbf: {  	v17 =	vadd.s32 s0, v9;
	v22 =	vmul.f32 $1.442695020e+00, v19;
	v23 =	vadd.f32 v23, v27  }
0xc0: {  	v19 =	vor.u32 v14, v26;
	v24 =	vmul.f32 $1.442695020e+00, v18;
	v18 =	vand.u32 $0xFFFFFF80, v17  }
0xc1: {  	v17 =	vor.u32 v14, v16;
	s0 =	spop (drf);
	v18 =	vor.u32 v14, v18;
	v16 =	vadd.f32 v23, v4  }
0xc2: {  	v27 =	vor.u32 v14, v20;
	v20 =	vmul.f32 $1.442695020e+00, v21;
	s1 =	spop (drf);
	s0 =	sadd.s32 s22, s0;
	(erf) = vpow2.f32 v24  }
0xc3: {  	v21 =	vmov s0;
	s28 =	sadd.s32 s25, s1;
	s0 =	sshll.u32 s0, $0xE;
	s29 =	spop (drf);
	(erf) = vpow2.f32 v22;
	v16 =	vmul.f32 $1.442695020e+00, v16  }
0xc4: {  	s1 =	sshll.u32 s1, $0x7;
	v21 =	vcvt.s32.f32 v21;
	v22 =	vmov s28;
	s31 =	spop (drf);
	s28 =	sadd.s32 s22, s29;
	(erf) = vpow2.f32 v20  }
0xc5: {  	s0 =	sadd.s32 s0, s1;
	v22 =	vcvt.s32.f32 v22;
	v20 =	vmov s28;
	s1 =	sadd.s32 s25, s31;
	s29 =	spop (drf);
	(erf) = vpow2.f32 v16  }
0xc6: {  	v21 =	vbroadcast v21, $0x0;
	v20 =	vcvt.s32.f32 v20;
	v23 =	vmov s1;
	s1 =	sshll.u32 s28, $0xE;
	s28 =	spop (drf);
	s29 =	sadd.s32 s22, s29  }
0xc7: {  	v16 =	vadd.s32 s0, v9;
	s0 =	sshll.u32 s31, $0x7;
	v23 =	vcvt.s32.f32 v23;
	v24 =	vmov s29;
	s31 =	sadd.s32 s25, s28;
	s7 =	spop (drf)  }
0xc8: {  	s0 =	sadd.s32 s1, s0;
	v26 =	vbroadcast v20, $0x0;
	v24 =	vcvt.s32.f32 v24;
	v25 =	vmov s31;
	s1 =	spop (drf);
	s7 =	sadd.s32 s22, s7  }
0xc9: {  	v20 =	vadd.s32 s0, v9;
	v25 =	vcvt.s32.f32 v25;
	v28 =	vmov s7;
	s0 =	sadd.s32 s25, s1;
	s7 =	sshll.u32 s7, $0xE;
	s1 =	sshll.u32 s1, $0x7  }
0xca: {  	v32 =	vbroadcast v22, $0x0;
	v28 =	vcvt.s32.f32 v28;
	v31 =	vmov s0;
	s0 =	sadd.s32 s7, s1  }
0xcb: {  	v21 =	vsub.f32 v21, v7;
	v24 =	vbroadcast v24, $0x0;
	v30 =	vcvt.s32.f32 v31;
	v22 =	vpop (erf)  }
0xcc: {  	v33 =	vsub.f32 v32, v8;
	v25 =	vbroadcast v25, $0x0;
	v28 =	vbroadcast v28, $0x0;
	v29 =	vpop (erf)  }
0xcd: {  	v24 =	vsub.f32 v24, v7;
	v30 =	vbroadcast v30, $0x0;
	v34 =	vmul.f32 v29, v13  }
0xce: {  	v35 =	vmul.f32 v33, v12;
	v29 =	vbroadcast v23, $0x0;
	v25 =	vsub.f32 v25, v8  }
0xcf: {  	v36 =	vmul.f32 v24, v10;
	v23 =	vsub.f32 v28, v7;
	v38 =	vsub.f32 v30, v8  }
0xd0: {  	v37 =	vmul.f32 v21, v10;
	v29 =	vsub.f32 v29, v8;
	v39 =	vmul.f32 v25, v11  }
0xd1: {  	v28 =	vsub.f32 v26, v7;
	v32 =	vmul.f32 v25, v12;
	v31 =	vmul.f32 v38, v11  }
0xd2: {  	v40 =	vmul.f32 v33, v11;
	v30 =	vadd.f32 v35, v6;
	v35 =	vmul.f32 v38, v12  }
.Ltmp12:
0xd3: {  	v26 =	vadd.s32 s0, v9;
	v41 =	vmul.f32 v28, v10;
	v42 =	vmul.f32 v29, v11;
	[tilespmem:v27+s12+$0x0] =	vst.idx.add.f32.msk vm0, v34;
	(pc) =	sbr.rel @p1 .LBB2_18-.Ltmp12, $4  }
0xd4: {  	v30 =	vmul.f32 v30, v33;
	v27 =	vmul.f32 v29, v12;
	v43 =	vadd.f32 v35, v6  }
0xd5: {  	v36 =	vadd.f32 v39, v36;
	v41 =	vadd.f32 v42, v41;
	v35 =	vmul.f32 v23, v10;
	v33 =	vpop (erf)  }
0xd6: {  	v39 =	vadd.f32 v40, v37;
	v37 =	vadd.f32 v27, v6;
	v27 =	vmul.f32 v43, v38;
	v34 =	vpop (erf)  }
0xd7: {  	v36 =	vadd.f32 v36, v5;
	v38 =	vadd.f32 v41, v5;
	v34 =	vmul.f32 v34, v13  }
.LBB2_19:
0xd8: {  	v39 =	vadd.f32 v39, v5  }
0xd9: {  	v31 =	vadd.f32 v31, v35  }
0xda: {  	v32 =	vadd.f32 v32, v6;
	v21 =	vmul.f32 v39, v21  }
0xdb: {  	v29 =	vmul.f32 v37, v29;
	v28 =	vmul.f32 v38, v28;
	v31 =	vadd.f32 v31, v5  }
0xdc: {  	v24 =	vmul.f32 v36, v24;
	v25 =	vmul.f32 v32, v25;
	v21 =	vadd.f32 v21, v30  }
0xdd: {  	v28 =	vadd.f32 v28, v29;
	v23 =	vmul.f32 v31, v23  }
0xde: {  	v24 =	vadd.f32 v24, v25;
	v21 =	vadd.f32 v21, v4  }
0xdf: {  	v53 =	vadd.f32 v28, v4;
	v23 =	vadd.f32 v23, v27  }
0xe0: {  	v24 =	vadd.f32 v24, v4;
	v21 =	vmul.f32 $1.442695020e+00, v21  }
0xe1: {  	v25 =	vmul.f32 $1.442695020e+00, v53;
	v23 =	vadd.f32 v23, v4  }
0xe2: {  	v54 =	vmul.f32 $1.442695020e+00, v24;
	(erf) = vpow2.f32 v21  }
0xe3: {  	v23 =	vmul.f32 $1.442695020e+00, v23;
	(erf) = vpow2.f32 v25  }
0xe4: {  	(erf) = vpow2.f32 v54  }
0xe5: {  	(erf) = vpow2.f32 v23;
	_ =	sdelay $0x3  }
0xe6: {  	s0 =	sshll.u32 s29, $0xE;
	s1 =	sshll.u32 s28, $0x7  }
0xe7: {  	v20 =	vand.u32 $0xFFFFFF80, v20;
	s0 =	sadd.s32 s0, s1  }
0xe8: {  	v55 =	vand.u32 $0xFFFFFF80, v26;
	v20 =	vor.u32 v14, v20;
	v56 =	vadd.s32 s0, v9;
	v57 =	vpop (erf)  }
0xe9: {  	[tilespmem:v19+s12+$0x0] =	vst.idx.add.f32.msk @p0 vm0, v34;
	v19 =	vmul.f32 @p0 v22, v13;
	v21 =	vor.u32 v14, v55;
	v23 =	vand.u32 $0xFFFFFF80, v56;
	v58 =	vpop (erf)  }
0xea: {  	v16 =	vand.u32 $0xFFFFFF80, v16;
	v25 =	vmul.f32 @p0 v33, v13;
	v59 =	vor.u32 v14, v23;
	v60 =	vpop (erf)  }
0xeb: {  	v16 =	vor.u32 v14, v16;
	[tilespmem:v17+s12+$0x0] =	vst.idx.add.f32.msk @p0 vm0, v19;
	v61 =	vmul.f32 v58, v13;
	v62 =	vpop (erf)  }
0xec: {  	[tilespmem:v18+s12+$0x0] =	vst.idx.add.f32.msk @p0 vm0, v25;
	v17 =	vmul.f32 v62, v13  }
0xed: {  	v63 =	vmul.f32 v60, v13;
	[tilespmem:v20+s12+$0x0] =	vst.idx.add.f32.msk vm0, v61  }
0xee: {  	[tilespmem:v21+s12+$0x0] =	vst.idx.add.f32.msk vm0, v17;
	v17 =	vmul.f32 v57, v13  }
0xef: {  	[tilespmem:v59+s12+$0x0] =	vst.idx.add.f32.msk vm0, v63  }
0xf0: {  	[tilespmem:v16+s12+$0x0] =	vst.idx.add.f32.msk vm0, v17  }
.LBB2_11:
0xf1: {  	s28 =	ssub.s32 s24, s26  }
0xf2: {  	p0 =	slt.s32 s28, $0x1  }
.Ltmp13:
0xf3: {  	_ = 	snop;
	(pc) =	sbr.rel @p0 .LBB2_14-.Ltmp13, $1  }
0xf4: {  	_ =	sdelay $0x3  }
0xf5: {  	s29 =	sshll.u32 s23, $0x7;
	s30 =	sshll.u32 s24, $0x7;
	s31 =	sshll.u32 s28, $0x7  }
0xf6: {  	vm0 =	vgt.u32 v15, v3;
	s28 =	ssub.s32 $0x0, s29;
	s29 =	ssub.s32 s30, s31;
	s30 =	ssub.s32 $0x0, s23  }
.LBB2_13:
0xf7: {  	s0 =	sshra.s32 s26, $0x1F  }
0xf8: {  	s1 =	sxor.u32 s0, s26  }
0xf9: {  	s1 =	ssub.s32 s1, s0  }
0xfa: {  	(drf) =	sdiv.u32 s1, s23;
	_ =	sdelay $0x8  }
0xfb: {  	s1 =	spop (drf)  }
0xfc: {  	s1 =	sxor.u32 s0, s1  }
0xfd: {  	s0 =	ssub.s32 s1, s0  }
0xfe: {  	s1 =	smul.u32 s0, s30  }
0xff: {  	s7 =	sadd.s32 s26, s25  }
0x100: {  	s31 =	sadd.s32 s22, s0;
	s1 =	sadd.s32 s1, s7  }
0x101: {  	v15 =	vmov s31;
	v16 =	vmov s1  }
0x102: {  	v15 =	vcvt.s32.f32 v15;
	v16 =	vcvt.s32.f32 v16;
	_ =	sdelay $0x1  }
0x103: {  	v15 =	vbroadcast v15, $0x0;
	v16 =	vbroadcast v16, $0x0;
	_ =	sdelay $0x1  }
0x104: {  	v15 =	vsub.f32 v15, v7;
	v16 =	vsub.f32 v16, v8;
	_ =	sdelay $0x1  }
0x105: {  	v17 =	vmul.f32 v15, v10;
	v18 =	vmul.f32 v16, v11;
	_ =	sdelay $0x1  }
0x106: {  	v62 =	vmul.f32 v16, v12;
	v17 =	vadd.f32 v18, v17;
	_ =	sdelay $0x1  }
0x107: {  	v18 =	vadd.f32 v62, v6;
	v17 =	vadd.f32 v17, v5;
	_ =	sdelay $0x1  }
0x108: {  	v16 =	vmul.f32 v18, v16;
	v15 =	vmul.f32 v17, v15;
	_ =	sdelay $0x1  }
0x109: {  	v15 =	vadd.f32 v15, v16;
	_ =	sdelay $0x1  }
0x10a: {  	v15 =	vadd.f32 v15, v4;
	_ =	sdelay $0x1  }
0x10b: {  	v15 =	vmul.f32 $1.442695020e+00, v15;
	_ =	sdelay $0x1  }
0x10c: {  	(erf) = vpow2.f32 v15  }
0x10d: {  	s0 =	smul.u32 s0, s28;
	_ =	sdelay $0x1  }
0x10e: {  	s31 =	sshll.u32 s31, $0xE;
	s0 =	sadd.s32 s0, s29  }
0x10f: {  	s0 =	sadd.s32 s31, s0  }
0x110: {  	v15 =	vadd.s32 s0, v9  }
0x111: {  	s26 =	sadd.s32 $0x1, s26;
	v15 =	vand.u32 $0xFFFFFF80, v15  }
0x112: {  	p0 =	slt.s32 s26, s24;
	v15 =	vor.u32 v14, v15  }
.Ltmp14:
0x113: {  	_ = 	snop;
	(pc) =	sbr.rel @p0 .LBB2_13-.Ltmp14, $3  }
0x114: {  	v63 =	vpop (erf)  }
0x115: {  	v16 =	vmul.f32 v63, v13;
	_ =	sdelay $0x1  }
0x116: {  	s29 =	sadd.s32 $0x80, s29;
	[tilespmem:v15+s12+$0x0] =	vst.idx.add.f32.msk vm0, v16  }
.LBB2_14:
0x117: {  	s0 =	sor.u32 $0x1, s21  }
0x118: {  	v4 =	vmov s0;
	_ =	sdelay $0x4  }
0x119: {  	v4 =	vld.idx.msk [tilespmem:v4+s11+$0x0], $0xffff;
	_ =	sdelay $0x4  }
0x11a: {  	(v2sf) =	vpush v4, $0x0;
	_ =	sdelay $0xe  }
0x11b: {  	s24 =	spop (v2sf)  }
0x11c: {  	s0 =	sshll.u32 s24, $0x9  }
0x11d: {  	s0 =	sshra.s32 s0, $0x2  }
0x11e: {  	v13 =	vld [tilespmem:s0+$0x0];
	_ =	sdelay $0x4  }
0x11f: {  	(v2sf) =	vpush v13, $0x0  }
0x120: {  	(v2sf) =	vpush v13, $0x1;
	_ =	sdelay $0xd  }
0x121: {  	s25 =	spop (v2sf)  }
0x122: {  	s1 =	spop (v2sf)  }
0x123: {  	s22 =	sand.u32 $0xFF, s25;
	s23 =	sand.u32 $0xFF, s1  }
0x124: {  	s7 =	sshrl.u32 s25, $0x10;
	s26 =	sadd.s32 s23, s22  }
0x125: {  	v14 =	vadd.s32 s7, v3;
	s28 =	sshrl.u32 s1, $0x8;
	s22 =	smax.u32 s22, s4;
	s7 =	smin.u32 s26, s5  }
0x126: {  	s23 =	sand.u32 $0xFF, s28;
	s7 =	ssub.s32 s7, s22  }
0x127: {  	s24 =	smul.u32 s23, s7;
	_ =	sdelay $0x1  }
0x128: {  	s7 =	sshra.s32 s24, $0x1F  }
0x129: {  	s0 =	sshrl.u32 s25, $0x8;
	s29 =	sshrl.u32 s7, $0x1E  }
0x12a: {  	v5 =	vbroadcast v13, $0x4;
	s25 =	sand.u32 $0xFF, s0;
	v4 =	vcvt.s32.f32 v14;
	s0 =	sadd.s32 s29, s24  }
0x12b: {  	v7 =	vbroadcast v13, $0xA;
	s26 =	sand.u32 $0xFFFFFFFC, s0  }
0x12c: {  	v8 =	vbroadcast v13, $0x3;
	v6 =	vsub.f32 v4, v5;
	v4 =	vbroadcast v13, $0x7;
	p0 =	slt.s32 s26, $0x1  }
.Ltmp15:
0x12d: {  	v10 =	vbroadcast v13, $0x5;
	v5 =	vbroadcast v13, $0x9;
	(pc) =	sbr.rel @p0 .LBB2_20-.Ltmp15, $4  }
0x12e: {  	v11 =	vbroadcast v13, $0x8;
	s1 =	sshrl.u32 s1, $0x10;
	s30 =	sshll.u32 s25, $0x7;
	v4 =	vmul.f32 v6, v4  }
0x12f: {  	v12 =	vbroadcast v13, $0x6;
	v15 =	vmov s1;
	s31 =	sadd.s32 s6, s30;
	v5 =	vmul.f32 v6, v5  }
0x130: {  	v9 =	vadd.s32 s31, v14;
	v4 =	vmul.f32 v4, v6;
	v6 =	vmul.f32 v6, v7  }
0x131: {  	v14 =	vand.u32 $0x7F, v14;
	v7 =	vbroadcast v13, $0x2;
	v13 =	vbroadcast v13, $0xB  }
0x132: {  	s28 =	simm.s32 $0x0  }
0x133: {  	(drf) =	sdivrem.u32 s28, s23  }
0x134: {  	s0 =	simm.s32 $0x1  }
0x135: {  	(drf) =	sdivrem.u32 s0, s23;
	_ =	sdelay $0x1  }
0x136: {  	s8 =	simm.s32 $0x2  }
0x137: {  	(drf) =	sdivrem.u32 s8, s23  }
0x138: {  	s14 =	simm.s32 $0x3  }
0x139: {  	(drf) =	sdivrem.u32 s14, s23;
	_ =	sdelay $0x1  }
0x13a: {  	s31 =	spop (drf)  }
0x13b: {  	s1 =	spop (drf)  }
0x13c: {  	s0 =	sadd.s32 s22, s31;
	s29 =	spop (drf)  }
0x13d: {  	s7 =	sadd.s32 s25, s1;
	v16 =	vmov s0;
	s29 =	sadd.s32 s22, s29  }
0x13e: {  	s28 =	sshll.u32 s0, $0xE;
	s1 =	sshll.u32 s1, $0x7;
	s8 =	spop (drf);
	v16 =	vcvt.s32.f32 v16;
	v17 =	vmov s7;
	v18 =	vmov s29  }
0x13f: {  	vm0 =	vgt.u32 v15, v3;
	s0 =	sadd.s32 s28, s1;
	s14 =	spop (drf);
	v17 =	vcvt.s32.f32 v17;
	s30 =	sadd.s32 s25, s8;
	v18 =	vcvt.s32.f32 v18  }
0x140: {  	s31 =	sshll.u32 s29, $0xE;
	s28 =	spop (drf);
	v19 =	vbroadcast v16, $0x0;
	v20 =	vmov s30;
	s29 =	sadd.s32 s22, s14;
	v16 =	vadd.s32 s0, v9  }
0x141: {  	s8 =	sshll.u32 s8, $0x7;
	s1 =	spop (drf);
	v22 =	vcvt.s32.f32 v20;
	v20 =	vmov s29;
	s14 =	sadd.s32 s25, s28;
	v17 =	vbroadcast v17, $0x0  }
0x142: {  	s0 =	sadd.s32 s31, s8;
	v18 =	vbroadcast v18, $0x0;
	s30 =	spop (drf);
	v21 =	vcvt.s32.f32 v20;
	v23 =	vmov s14;
	s1 =	sadd.s32 s22, s1  }
0x143: {  	v20 =	vadd.s32 s0, v9;
	s8 =	sadd.s32 s25, s30;
	v23 =	vcvt.s32.f32 v23;
	v25 =	vmov s1  }
0x144: {  	v17 =	vsub.f32 v17, v8;
	v22 =	vbroadcast v22, $0x0;
	v24 =	vmov s8  }
0x145: {  	v26 =	vbroadcast v21, $0x0;
	v25 =	vcvt.s32.f32 v25;
	v21 =	vsub.f32 v19, v7  }
0x146: {  	v28 =	vsub.f32 v18, v7;
	v27 =	vcvt.s32.f32 v24;
	v19 =	vbroadcast v23, $0x0  }
0x147: {  	v18 =	vmul.f32 v17, v11;
	v24 =	vsub.f32 v26, v7;
	v26 =	vbroadcast v25, $0x0  }
0x148: {  	v29 =	vsub.f32 v22, v8;
	v34 =	vmul.f32 v21, v10;
	v23 =	vbroadcast v27, $0x0  }
0x149: {  	v36 =	vmul.f32 v28, v10;
	v25 =	vsub.f32 v19, v8;
	v19 =	vmul.f32 v17, v12  }
0x14a: {  	v37 =	vmul.f32 v29, v11;
	v27 =	vmul.f32 v24, v10;
	v33 =	vsub.f32 v23, v8  }
0x14b: {  	p1 =	sgt.s32 s26, $0x4;
	s14 =	sshll.u32 s1, $0xE;
	s31 =	sshll.u32 s30, $0x7;
	v39 =	vadd.f32 v18, v34;
	v22 =	vmul.f32 v25, v11;
	v19 =	vadd.f32 v19, v6  }
.Ltmp16:
0x14c: {  	s0 =	sadd.s32 s14, s31;
	v32 =	vmul.f32 v25, v12;
	v23 =	vsub.f32 v26, v7;
	v35 =	vmul.f32 v33, v12;
	(pc) =	sbr.rel @!p1 .LBB2_16-.Ltmp16, $4  }
0x14d: {  	v26 =	vadd.s32 s0, v9;
	v36 =	vadd.f32 v37, v36;
	v30 =	vmul.f32 v19, v17  }
0x14e: {  	v17 =	vmul.f32 v29, v12;
	v22 =	vadd.f32 v22, v27;
	v19 =	vadd.f32 v35, v6  }
0x14f: {  	v31 =	vmul.f32 v33, v11;
	v38 =	vadd.f32 v36, v5;
	v35 =	vmul.f32 v23, v10  }
0x150: {  	p0 =	por $0x0, $0x0;
	s30 =	simm.s32 $0x4;
	v37 =	vadd.f32 v17, v6;
	v36 =	vadd.f32 v22, v5;
	v27 =	vmul.f32 v19, v33  }
0x151: {  	(drf) =	sdivrem.u32 s30, s23  }
0x152: {  	v17 =	vadd.f32 v39, v5;
	s0 =	simm.s32 $0x5;
	v22 =	vmul.f32 v38, v28;
	v28 =	vadd.f32 v31, v35  }
0x153: {  	v19 =	vadd.f32 v32, v6;
	v18 =	vmul.f32 v37, v29;
	(drf) =	sdivrem.u32 s0, s23  }
0x154: {  	v17 =	vmul.f32 v17, v21;
	v21 =	vadd.f32 v28, v5  }
0x155: {  	s14 =	simm.s32 $0x6;
	v24 =	vmul.f32 v36, v24;
	v19 =	vmul.f32 v19, v25;
	v18 =	vadd.f32 v22, v18  }
0x156: {  	v20 =	vand.u32 $0xFFFFFF80, v20;
	(drf) =	sdivrem.u32 s14, s23;
	v17 =	vadd.f32 v17, v30;
	v21 =	vmul.f32 v21, v23  }
0x157: {  	s31 =	simm.s32 $0x7;
	v16 =	vand.u32 $0xFFFFFF80, v16;
	v19 =	vadd.f32 v24, v19;
	v18 =	vadd.f32 v18, v4  }
0x158: {  	v22 =	vand.u32 $0xFFFFFF80, v26;
	(drf) =	sdivrem.u32 s31, s23;
	v17 =	vadd.f32 v17, v4;
	v21 =	vadd.f32 v21, v27  }
0x159: {  	s1 =	sshll.u32 s29, $0xE;
	s7 =	sshll.u32 s28, $0x7;
	v23 =	vadd.f32 v19, v4;
	v19 =	vor.u32 v14, v22;
	v27 =	vor.u32 v14, v20  }
0x15a: {  	s8 =	sadd.s32 s1, s7;
	v25 =	vmul.f32 $1.442695020e+00, v17;
	v17 =	vor.u32 v14, v16;
	v16 =	vadd.f32 v21, v4;
	s14 =	spop (drf)  }
0x15b: {  	v24 =	vmul.f32 $1.442695020e+00, v18;
	v18 =	vadd.s32 s8, v9;
	v20 =	vmul.f32 $1.442695020e+00, v23;
	s31 =	spop (drf);
	s0 =	sadd.s32 s22, s14  }
0x15c: {  	(erf) = vpow2.f32 v25;
	v16 =	vmul.f32 $1.442695020e+00, v16;
	v21 =	vmov s0;
	s8 =	sadd.s32 s25, s31;
	s28 =	spop (drf)  }
0x15d: {  	(erf) = vpow2.f32 v24;
	v21 =	vcvt.s32.f32 v21;
	v22 =	vmov s8;
	s14 =	spop (drf);
	s28 =	sadd.s32 s22, s28  }
0x15e: {  	s0 =	sshll.u32 s0, $0xE;
	s1 =	sshll.u32 s31, $0x7;
	(erf) = vpow2.f32 v20;
	v22 =	vcvt.s32.f32 v22;
	v20 =	vmov s28;
	s31 =	sadd.s32 s25, s14  }
0x15f: {  	s0 =	sadd.s32 s0, s1;
	s29 =	spop (drf);
	(erf) = vpow2.f32 v16;
	v20 =	vcvt.s32.f32 v20;
	v23 =	vmov s31  }
0x160: {  	s8 =	sshll.u32 s28, $0xE;
	v16 =	vadd.s32 s0, v9;
	v21 =	vbroadcast v21, $0x0;
	s28 =	spop (drf);
	s29 =	sadd.s32 s22, s29;
	v23 =	vcvt.s32.f32 v23  }
0x161: {  	s14 =	sshll.u32 s14, $0x7;
	v24 =	vmov s29;
	s31 =	sadd.s32 s25, s28;
	s30 =	spop (drf);
	v29 =	vbroadcast v22, $0x0;
	v26 =	vbroadcast v20, $0x0  }
0x162: {  	s0 =	sadd.s32 s8, s14;
	v24 =	vcvt.s32.f32 v24;
	v25 =	vmov s31;
	s1 =	spop (drf);
	s8 =	sadd.s32 s22, s30;
	v21 =	vsub.f32 v21, v7  }
0x163: {  	v25 =	vcvt.s32.f32 v25;
	v28 =	vmov s8;
	s14 =	sadd.s32 s25, s1;
	v33 =	vsub.f32 v29, v8  }
0x164: {  	v28 =	vcvt.s32.f32 v28;
	v22 =	vmov s14;
	v24 =	vbroadcast v24, $0x0  }
0x165: {  	v18 =	vand.u32 $0xFFFFFF80, v18;
	v59 =	vmul.f32 v21, v10;
	v30 =	vcvt.s32.f32 v22  }
0x166: {  	v25 =	vbroadcast v25, $0x0;
	v56 =	vmul.f32 v33, v12;
	v24 =	vsub.f32 v24, v7  }
0x167: {  	v18 =	vor.u32 v14, v18;
	v40 =	vmul.f32 v33, v11;
	v28 =	vbroadcast v28, $0x0;
	v22 =	vpop (erf)  }
0x168: {  	v30 =	vbroadcast v30, $0x0;
	v25 =	vsub.f32 v25, v8;
	v29 =	vpop (erf);
	v57 =	vmul.f32 v24, v10  }
0x169: {  	v20 =	vadd.s32 s0, v9;
	v34 =	vmul.f32 v29, v13;
	v29 =	vbroadcast v23, $0x0  }
0x16a: {  	v23 =	vsub.f32 v28, v7;
	v58 =	vsub.f32 v30, v8;
	v60 =	vmul.f32 v25, v11  }
0x16b: {  	v28 =	vsub.f32 v26, v7;
	v32 =	vmul.f32 v25, v12;
	v29 =	vsub.f32 v29, v8  }
0x16c: {  	p1 =	sgt.s32 s26, $0x8;
	s31 =	sshll.u32 s8, $0xE;
	s1 =	sshll.u32 s1, $0x7;
	v39 =	vadd.f32 v40, v59;
	v31 =	vmul.f32 v58, v11;
	v61 =	vmul.f32 v58, v12  }
.Ltmp17:
0x16d: {  	s0 =	sadd.s32 s31, s1;
	v30 =	vadd.f32 v56, v6;
	v41 =	vmul.f32 v28, v10;
	v42 =	vmul.f32 v29, v11;
	(pc) =	sbr.rel @!p1 .LBB2_30-.Ltmp17, $4  }
0x16e: {  	v26 =	vadd.s32 s0, v9;
	[tilespmem:v27+s12+$0x0] =	vst.idx.add.f32.msk vm0, v34;
	v36 =	vadd.f32 v60, v57;
	v27 =	vmul.f32 v29, v12  }
0x16f: {  	v30 =	vmul.f32 v30, v33;
	v33 =	vpop (erf);
	v62 =	vadd.f32 v61, v6;
	v41 =	vadd.f32 v42, v41  }
0x170: {  	v35 =	vmul.f32 v23, v10;
	v63 =	vpop (erf);
	v36 =	vadd.f32 v36, v5;
	v37 =	vadd.f32 v27, v6  }
0x171: {  	p0 =	por $0x1, $0x1;
	s30 =	simm.s32 $0x8;
	v34 =	vmul.f32 v63, v13;
	v27 =	vmul.f32 v62, v58;
	v38 =	vadd.f32 v41, v5  }
.LBB2_29:
0x172: {  	(drf) =	sdivrem.u32 s30, s23;
	v39 =	vadd.f32 v39, v5;
	v29 =	vmul.f32 v37, v29;
	v32 =	vadd.f32 v32, v6;
	s0 =	smov.u32 s30;
	s30 =	sadd.s32 $0x4, s30  }
0x173: {  	v31 =	vadd.f32 v31, v35;
	s1 =	sadd.s32 $0x1, s0;
	p1 =	slt.s32 s30, s26;
	v28 =	vmul.f32 v38, v28;
	v24 =	vmul.f32 v36, v24  }
0x174: {  	v26 =	vand.u32 $0xFFFFFF80, v26;
	(drf) =	sdivrem.u32 s1, s23;
	s1 =	sadd.s32 $0x2, s0;
	v21 =	vmul.f32 v39, v21;
	v25 =	vmul.f32 v32, v25;
	[tilespmem:v19+s12+$0x0] =	vst.idx.add.f32.msk vm0, v34  }
0x175: {  	s0 =	sadd.s32 $0x3, s0;
	(drf) =	sdivrem.u32 s1, s23;
	v19 =	vadd.f32 v28, v29;
	v28 =	vadd.f32 v31, v5;
	v29 =	vmul.f32 v33, v13  }
0x176: {  	v22 =	vmul.f32 v22, v13;
	(drf) =	sdivrem.u32 s0, s23;
	v21 =	vadd.f32 v21, v30;
	v24 =	vadd.f32 v24, v25  }
0x177: {  	v20 =	vand.u32 $0xFFFFFF80, v20;
	s1 =	sshll.u32 s28, $0x7;
	s0 =	sshll.u32 s29, $0xE;
	v19 =	vadd.f32 v19, v4;
	v23 =	vmul.f32 v28, v23;
	[tilespmem:v18+s12+$0x0] =	vst.idx.add.f32.msk vm0, v29  }
0x178: {  	v16 =	vand.u32 $0xFFFFFF80, v16;
	s0 =	sadd.s32 s0, s1;
	v18 =	vadd.f32 v21, v4;
	v21 =	vadd.f32 v24, v4;
	[tilespmem:v17+s12+$0x0] =	vst.idx.add.f32.msk vm0, v22  }
0x179: {  	v17 =	vadd.s32 s0, v9;
	v22 =	vmul.f32 $1.442695020e+00, v19;
	v23 =	vadd.f32 v23, v27  }
0x17a: {  	v19 =	vor.u32 v14, v26;
	v24 =	vmul.f32 $1.442695020e+00, v18;
	v18 =	vand.u32 $0xFFFFFF80, v17  }
0x17b: {  	v17 =	vor.u32 v14, v16;
	s0 =	spop (drf);
	v18 =	vor.u32 v14, v18;
	v16 =	vadd.f32 v23, v4  }
0x17c: {  	v27 =	vor.u32 v14, v20;
	v20 =	vmul.f32 $1.442695020e+00, v21;
	s1 =	spop (drf);
	s0 =	sadd.s32 s22, s0;
	(erf) = vpow2.f32 v24  }
0x17d: {  	v21 =	vmov s0;
	s7 =	sadd.s32 s25, s1;
	s0 =	sshll.u32 s0, $0xE;
	s28 =	spop (drf);
	(erf) = vpow2.f32 v22;
	v16 =	vmul.f32 $1.442695020e+00, v16  }
0x17e: {  	s1 =	sshll.u32 s1, $0x7;
	v21 =	vcvt.s32.f32 v21;
	v22 =	vmov s7;
	s7 =	spop (drf);
	s28 =	sadd.s32 s22, s28;
	(erf) = vpow2.f32 v20  }
0x17f: {  	s0 =	sadd.s32 s0, s1;
	v22 =	vcvt.s32.f32 v22;
	v20 =	vmov s28;
	s1 =	sadd.s32 s25, s7;
	s29 =	spop (drf);
	(erf) = vpow2.f32 v16  }
0x180: {  	v21 =	vbroadcast v21, $0x0;
	v20 =	vcvt.s32.f32 v20;
	v23 =	vmov s1;
	s1 =	sshll.u32 s28, $0xE;
	s28 =	spop (drf);
	s29 =	sadd.s32 s22, s29  }
0x181: {  	v16 =	vadd.s32 s0, v9;
	s0 =	sshll.u32 s7, $0x7;
	v23 =	vcvt.s32.f32 v23;
	v24 =	vmov s29;
	s7 =	sadd.s32 s25, s28;
	s31 =	spop (drf)  }
0x182: {  	s0 =	sadd.s32 s1, s0;
	v26 =	vbroadcast v20, $0x0;
	v24 =	vcvt.s32.f32 v24;
	v25 =	vmov s7;
	s1 =	spop (drf);
	s7 =	sadd.s32 s22, s31  }
0x183: {  	v20 =	vadd.s32 s0, v9;
	v25 =	vcvt.s32.f32 v25;
	v28 =	vmov s7;
	s0 =	sadd.s32 s25, s1;
	s7 =	sshll.u32 s7, $0xE;
	s1 =	sshll.u32 s1, $0x7  }
0x184: {  	v32 =	vbroadcast v22, $0x0;
	v28 =	vcvt.s32.f32 v28;
	v31 =	vmov s0;
	s0 =	sadd.s32 s7, s1  }
0x185: {  	v21 =	vsub.f32 v21, v7;
	v24 =	vbroadcast v24, $0x0;
	v30 =	vcvt.s32.f32 v31;
	v22 =	vpop (erf)  }
0x186: {  	v33 =	vsub.f32 v32, v8;
	v25 =	vbroadcast v25, $0x0;
	v28 =	vbroadcast v28, $0x0;
	v29 =	vpop (erf)  }
0x187: {  	v24 =	vsub.f32 v24, v7;
	v30 =	vbroadcast v30, $0x0;
	v34 =	vmul.f32 v29, v13  }
0x188: {  	v35 =	vmul.f32 v33, v12;
	v29 =	vbroadcast v23, $0x0;
	v25 =	vsub.f32 v25, v8  }
0x189: {  	v36 =	vmul.f32 v24, v10;
	v23 =	vsub.f32 v28, v7;
	v38 =	vsub.f32 v30, v8  }
0x18a: {  	v37 =	vmul.f32 v21, v10;
	v29 =	vsub.f32 v29, v8;
	v39 =	vmul.f32 v25, v11  }
0x18b: {  	v28 =	vsub.f32 v26, v7;
	v32 =	vmul.f32 v25, v12;
	v31 =	vmul.f32 v38, v11  }
0x18c: {  	v40 =	vmul.f32 v33, v11;
	v30 =	vadd.f32 v35, v6;
	v35 =	vmul.f32 v38, v12  }
.Ltmp18:
0x18d: {  	v26 =	vadd.s32 s0, v9;
	v41 =	vmul.f32 v28, v10;
	v42 =	vmul.f32 v29, v11;
	[tilespmem:v27+s12+$0x0] =	vst.idx.add.f32.msk vm0, v34;
	(pc) =	sbr.rel @p1 .LBB2_29-.Ltmp18, $4  }
0x18e: {  	v30 =	vmul.f32 v30, v33;
	v27 =	vmul.f32 v29, v12;
	v43 =	vadd.f32 v35, v6  }
0x18f: {  	v36 =	vadd.f32 v39, v36;
	v41 =	vadd.f32 v42, v41;
	v35 =	vmul.f32 v23, v10;
	v33 =	vpop (erf)  }
0x190: {  	v39 =	vadd.f32 v40, v37;
	v37 =	vadd.f32 v27, v6;
	v27 =	vmul.f32 v43, v38;
	v34 =	vpop (erf)  }
0x191: {  	v36 =	vadd.f32 v36, v5;
	v38 =	vadd.f32 v41, v5;
	v34 =	vmul.f32 v34, v13  }
.LBB2_30:
0x192: {  	v39 =	vadd.f32 v39, v5  }
0x193: {  	v31 =	vadd.f32 v31, v35  }
0x194: {  	v32 =	vadd.f32 v32, v6;
	v21 =	vmul.f32 v39, v21  }
0x195: {  	v29 =	vmul.f32 v37, v29;
	v28 =	vmul.f32 v38, v28;
	v31 =	vadd.f32 v31, v5  }
0x196: {  	v24 =	vmul.f32 v36, v24;
	v25 =	vmul.f32 v32, v25;
	v21 =	vadd.f32 v21, v30  }
0x197: {  	v28 =	vadd.f32 v28, v29;
	v23 =	vmul.f32 v31, v23  }
0x198: {  	v24 =	vadd.f32 v24, v25;
	v21 =	vadd.f32 v21, v4  }
0x199: {  	v53 =	vadd.f32 v28, v4;
	v23 =	vadd.f32 v23, v27  }
0x19a: {  	v24 =	vadd.f32 v24, v4;
	v21 =	vmul.f32 $1.442695020e+00, v21  }
0x19b: {  	v25 =	vmul.f32 $1.442695020e+00, v53;
	v23 =	vadd.f32 v23, v4  }
0x19c: {  	v54 =	vmul.f32 $1.442695020e+00, v24;
	(erf) = vpow2.f32 v21  }
0x19d: {  	v23 =	vmul.f32 $1.442695020e+00, v23;
	(erf) = vpow2.f32 v25  }
0x19e: {  	(erf) = vpow2.f32 v54  }
0x19f: {  	(erf) = vpow2.f32 v23;
	_ =	sdelay $0x3  }
0x1a0: {  	s0 =	sshll.u32 s29, $0xE;
	s1 =	sshll.u32 s28, $0x7  }
0x1a1: {  	v20 =	vand.u32 $0xFFFFFF80, v20;
	s0 =	sadd.s32 s0, s1  }
0x1a2: {  	v55 =	vand.u32 $0xFFFFFF80, v26;
	v20 =	vor.u32 v14, v20;
	v56 =	vadd.s32 s0, v9;
	v57 =	vpop (erf)  }
0x1a3: {  	[tilespmem:v19+s12+$0x0] =	vst.idx.add.f32.msk @p0 vm0, v34;
	v19 =	vmul.f32 @p0 v22, v13;
	v21 =	vor.u32 v14, v55;
	v23 =	vand.u32 $0xFFFFFF80, v56;
	v58 =	vpop (erf)  }
0x1a4: {  	v16 =	vand.u32 $0xFFFFFF80, v16;
	v25 =	vmul.f32 @p0 v33, v13;
	v59 =	vor.u32 v14, v23;
	v60 =	vpop (erf)  }
0x1a5: {  	v16 =	vor.u32 v14, v16;
	[tilespmem:v17+s12+$0x0] =	vst.idx.add.f32.msk @p0 vm0, v19;
	v61 =	vmul.f32 v58, v13;
	v62 =	vpop (erf)  }
0x1a6: {  	[tilespmem:v18+s12+$0x0] =	vst.idx.add.f32.msk @p0 vm0, v25;
	v17 =	vmul.f32 v62, v13  }
0x1a7: {  	v63 =	vmul.f32 v60, v13;
	[tilespmem:v20+s12+$0x0] =	vst.idx.add.f32.msk vm0, v61  }
0x1a8: {  	[tilespmem:v21+s12+$0x0] =	vst.idx.add.f32.msk vm0, v17;
	v17 =	vmul.f32 v57, v13  }
0x1a9: {  	[tilespmem:v59+s12+$0x0] =	vst.idx.add.f32.msk vm0, v63  }
0x1aa: {  	[tilespmem:v16+s12+$0x0] =	vst.idx.add.f32.msk vm0, v17  }
.LBB2_20:
0x1ab: {  	s28 =	ssub.s32 s24, s26  }
0x1ac: {  	p0 =	slt.s32 s28, $0x1  }
.Ltmp19:
0x1ad: {  	_ = 	snop;
	(pc) =	sbr.rel @p0 .LBB2_23-.Ltmp19, $1  }
0x1ae: {  	_ =	sdelay $0x3  }
0x1af: {  	s0 =	sshll.u32 s23, $0x7;
	s1 =	sshll.u32 s24, $0x7;
	s7 =	sshll.u32 s28, $0x7  }
0x1b0: {  	s30 =	ssub.s32 $0x0, s23;
	vm0 =	vgt.u32 v15, v3;
	s28 =	ssub.s32 $0x0, s0;
	s29 =	ssub.s32 s1, s7  }
.LBB2_22:
0x1b1: {  	s0 =	sshra.s32 s26, $0x1F  }
0x1b2: {  	s1 =	sxor.u32 s0, s26  }
0x1b3: {  	s1 =	ssub.s32 s1, s0  }
0x1b4: {  	(drf) =	sdiv.u32 s1, s23;
	_ =	sdelay $0x8  }
0x1b5: {  	s1 =	spop (drf)  }
0x1b6: {  	s1 =	sxor.u32 s0, s1  }
0x1b7: {  	s0 =	ssub.s32 s1, s0  }
0x1b8: {  	s1 =	smul.u32 s0, s30  }
0x1b9: {  	s7 =	sadd.s32 s26, s25  }
0x1ba: {  	s31 =	sadd.s32 s22, s0;
	s1 =	sadd.s32 s1, s7  }
0x1bb: {  	v15 =	vmov s31;
	v16 =	vmov s1  }
0x1bc: {  	v15 =	vcvt.s32.f32 v15;
	v16 =	vcvt.s32.f32 v16;
	_ =	sdelay $0x1  }
0x1bd: {  	v15 =	vbroadcast v15, $0x0;
	v16 =	vbroadcast v16, $0x0;
	_ =	sdelay $0x1  }
0x1be: {  	v15 =	vsub.f32 v15, v7;
	v16 =	vsub.f32 v16, v8;
	_ =	sdelay $0x1  }
0x1bf: {  	v17 =	vmul.f32 v15, v10;
	v18 =	vmul.f32 v16, v11;
	_ =	sdelay $0x1  }
0x1c0: {  	v62 =	vmul.f32 v16, v12;
	v17 =	vadd.f32 v18, v17;
	_ =	sdelay $0x1  }
0x1c1: {  	v18 =	vadd.f32 v62, v6;
	v17 =	vadd.f32 v17, v5;
	_ =	sdelay $0x1  }
0x1c2: {  	v16 =	vmul.f32 v18, v16;
	v15 =	vmul.f32 v17, v15;
	_ =	sdelay $0x1  }
0x1c3: {  	v15 =	vadd.f32 v15, v16;
	_ =	sdelay $0x1  }
0x1c4: {  	v15 =	vadd.f32 v15, v4;
	_ =	sdelay $0x1  }
0x1c5: {  	v15 =	vmul.f32 $1.442695020e+00, v15;
	_ =	sdelay $0x1  }
0x1c6: {  	(erf) = vpow2.f32 v15  }
0x1c7: {  	s0 =	smul.u32 s0, s28;
	_ =	sdelay $0x1  }
0x1c8: {  	s31 =	sshll.u32 s31, $0xE;
	s0 =	sadd.s32 s0, s29  }
0x1c9: {  	s0 =	sadd.s32 s31, s0  }
0x1ca: {  	v15 =	vadd.s32 s0, v9  }
0x1cb: {  	s26 =	sadd.s32 $0x1, s26;
	v15 =	vand.u32 $0xFFFFFF80, v15  }
0x1cc: {  	p0 =	slt.s32 s26, s24;
	v15 =	vor.u32 v14, v15  }
.Ltmp20:
0x1cd: {  	_ = 	snop;
	(pc) =	sbr.rel @p0 .LBB2_22-.Ltmp20, $3  }
0x1ce: {  	v63 =	vpop (erf)  }
0x1cf: {  	v16 =	vmul.f32 v63, v13;
	_ =	sdelay $0x1  }
0x1d0: {  	s29 =	sadd.s32 $0x80, s29;
	[tilespmem:v15+s12+$0x0] =	vst.idx.add.f32.msk vm0, v16  }
.Ltmp21:
0x1d1: {  	_ = 	snop;
	(pc) =	sbr.rel .LBB2_23-.Ltmp21, $1  }
0x1d2: {  	_ =	sdelay $0x3  }
.LBB2_10:
.Ltmp22:
0x1d3: {  	(pc) =	sbr.rel .LBB2_19-.Ltmp22, $2  }
0x1d4: {  	_ =	sdelay $0x2  }
0x1d5: {  	_ = 	snop  }
.LBB2_16:
.Ltmp23:
0x1d6: {  	(pc) =	sbr.rel .LBB2_30-.Ltmp23, $2  }
0x1d7: {  	_ =	sdelay $0x2  }
0x1d8: {  	_ = 	snop  }
.LBB2_24:
0x1d9: {  	p0 =	sge.s32 s20, s19  }
.Ltmp24:
0x1da: {  	_ = 	snop;
	(pc) =	sbr.rel @!p0 .LBB2_25-.Ltmp24, $1  }
0x1db: {  	_ =	sdelay $0x3  }
.LBB2_35:
0x1dc: {  	s19 =	simm.s32 $0x0  }
0x1dd: {  	v4 =	vor.u32 s19, v3  }
0x1de: {  	p0 =	seq.s32 s17, $0x1F;
	v5 =	vshll.u32 v4, $0x7  }
0x1df: {  	_ =	swait.ge [sflag:s13], $0x5000;
	s0 =	sshrl.u32 @!p0 s18, $0x3;
	v6 =	vor.u32 $0x1, v5  }
0x1e0: {  	[sflag:s13] =	ssyncset.done $0x0;
	s0 =	sadd.s32 @!p0 s2, s0  }
0x1e1: {  	s1 =	simm.s32 @!p0 $0x0;
	[sflag:s13] =	ssyncadd.s32 $0xFFFFB000;
	s0 =	sadd.s32 @!p0 $0x1400, s0  }
0x1e2: {  	[tilespmem:s1], [sflag:$0x1] =	stream.linear.gather @!p0 [hbm4b:s0+s1], $0x5000, $0x38;
	[tilespmem:$0x1A100] =	vst v63  }
0x1e3: {  	v5 =	vld.idx.msk [tilespmem:v5+s10+$0x0], $0xffff  }
0x1e4: {  	v6 =	vld.idx.msk [tilespmem:v6+s10+$0x0], $0xffff;
	_ =	sdelay $0x4  }
0x1e5: {  	v5 =	vand.u32 $0xFF, v5;
	v6 =	vand.u32 $0xFF, v6  }
0x1e6: {  	v6 =	vadd.s32 v5, v6  }
0x1e7: {  	vm0 =	vlt.u32 v5, v0;
	vm1 =	vgt.u32 v6, v1  }
0x1e8: {  	vm0 =	vmand vm0, vm1  }
0x1e9: {  	v5 =	vmpcnt.ones.xlane vm0;
	_ =	sdelay $0x1  }
0x1ea: {  	s20 =	simm.s32 $0x0;
	s18 =	simm.s32 $0x10;
	(v2sf) =	vpush v5, $0x0  }
.LBB2_36:
0x1eb: {  	_ =	sdelay $0x9  }
0x1ec: {  	v5 =	vor.u32 s18, v3  }
0x1ed: {  	s18 =	sadd.s32 $0x10, s18;
	v6 =	vshll.u32 v5, $0x7  }
0x1ee: {  	p0 =	sne.s32 s18, $0xA0;
	v7 =	vor.u32 $0x1, v6;
	_ =	sdelay $0x1  }
0x1ef: {  	s0 =	spop (v2sf)  }
0x1f0: {  	p1 =	slt.s32 s0, $0x1;
	s19 =	sadd.s32 s19, s0  }
0x1f1: {  	[tilespmem:s20+$0xA000] =	vst.msk @!p1 vm0, v4;
	v4 =	vmov v5;
	s20 =	smov.u32 s19  }
0x1f2: {  	v5 =	vld.idx.msk [tilespmem:v7+s10+$0x0], $0xffff  }
0x1f3: {  	v6 =	vld.idx.msk [tilespmem:v6+s10+$0x0], $0xffff;
	_ =	sdelay $0x5  }
0x1f4: {  	v5 =	vand.u32 $0xFF, v5;
	v6 =	vand.u32 $0xFF, v6  }
0x1f5: {  	v5 =	vadd.s32 v6, v5  }
.Ltmp25:
0x1f6: {  	vm0 =	vlt.u32 v6, v0;
	vm1 =	vgt.u32 v5, v1;
	(pc) =	sbr.rel @p0 .LBB2_36-.Ltmp25, $3  }
0x1f7: {  	vm0 =	vmand vm0, vm1  }
0x1f8: {  	v5 =	vmpcnt.ones.xlane vm0;
	_ =	sdelay $0x1  }
0x1f9: {  	(v2sf) =	vpush v5, $0x0  }
0x1fa: {  	_ =	sdelay $0xd  }
0x1fb: {  	s0 =	spop (v2sf)  }
0x1fc: {  	s18 =	sadd.s32 s19, s0  }
0x1fd: {  	s1 =	sshrl.u32 s18, $0x1F  }
0x1fe: {  	s1 =	sadd.s32 s1, s18  }
0x1ff: {  	s19 =	sand.u32 $0xFFFFFFFE, s1  }
0x200: {  	p1 =	slt.s32 s19, $0x1  }
.Ltmp26:
0x201: {  	_ = 	snop;
	(pc) =	sbr.rel @p1 .LBB2_58-.Ltmp26, $3  }
0x202: {  	_ =	sdelay $0x1  }
0x203: {  	p0 =	slt.s32 s0, $0x1  }
0x204: {  	[tilespmem:s20+$0xA000] =	vst.msk @!p0 vm0, v4  }
.Ltmp27:
0x205: {  	(pc) =	sbr.rel .LBB2_39-.Ltmp27, $2  }
0x206: {  	_ =	sdelay $0x2  }
0x207: {  	s20 =	simm.s32 $0x0  }
.LBB2_57:
0x208: {  	s20 =	sadd.s32 $0x2, s20  }
0x209: {  	p0 =	slt.s32 s20, s19  }
.Ltmp28:
0x20a: {  	_ = 	snop;
	(pc) =	sbr.rel @!p0 .LBB2_58-.Ltmp28, $1  }
0x20b: {  	_ =	sdelay $0x3  }
.LBB2_39:
0x20c: {  	v4 =	vmov s20  }
0x20d: {  	v4 =	vand.u32 $0xFFFFFFFE, v4  }
0x20e: {  	v4 =	vbroadcast v4, $0x0;
	_ =	sdelay $0x5  }
0x20f: {  	v4 =	vld.idx.msk [tilespmem:v4+s11+$0x0], $0xffff;
	_ =	sdelay $0x4  }
0x210: {  	(v2sf) =	vpush v4, $0x0;
	_ =	sdelay $0xe  }
0x211: {  	s0 =	spop (v2sf)  }
0x212: {  	s0 =	sshll.u32 s0, $0x9  }
0x213: {  	s0 =	sshra.s32 s0, $0x2  }
0x214: {  	v14 =	vld [tilespmem:s0+$0x5000];
	_ =	sdelay $0x4  }
0x215: {  	(v2sf) =	vpush v14, $0x0  }
0x216: {  	(v2sf) =	vpush v14, $0x1;
	_ =	sdelay $0xd  }
0x217: {  	s25 =	spop (v2sf)  }
0x218: {  	s1 =	spop (v2sf)  }
0x219: {  	s21 =	sand.u32 $0xFF, s25;
	s22 =	sand.u32 $0xFF, s1  }
0x21a: {  	s7 =	sshrl.u32 s25, $0x10;
	s26 =	sadd.s32 s22, s21  }
0x21b: {  	v15 =	vadd.s32 s7, v3;
	s28 =	sshrl.u32 s1, $0x8;
	s21 =	smax.u32 s21, s4;
	s7 =	smin.u32 s26, s5  }
0x21c: {  	s22 =	sand.u32 $0xFF, s28;
	s7 =	ssub.s32 s7, s21  }
0x21d: {  	s23 =	smul.u32 s22, s7;
	_ =	sdelay $0x1  }
0x21e: {  	s7 =	sshra.s32 s23, $0x1F  }
0x21f: {  	s0 =	sshrl.u32 s25, $0x8;
	s29 =	sshrl.u32 s7, $0x1E  }
0x220: {  	v5 =	vbroadcast v14, $0x4;
	s24 =	sand.u32 $0xFF, s0;
	v4 =	vcvt.s32.f32 v15;
	s0 =	sadd.s32 s29, s23  }
0x221: {  	v7 =	vbroadcast v14, $0xA;
	v8 =	vbroadcast v14, $0x2;
	s25 =	sand.u32 $0xFFFFFFFC, s0  }
0x222: {  	v9 =	vbroadcast v14, $0x3;
	v6 =	vsub.f32 v4, v5;
	v4 =	vbroadcast v14, $0x7;
	p0 =	slt.s32 s25, $0x1  }
.Ltmp29:
0x223: {  	v11 =	vbroadcast v14, $0x5;
	v5 =	vbroadcast v14, $0x9;
	(pc) =	sbr.rel @p0 .LBB2_45-.Ltmp29, $4  }
0x224: {  	v12 =	vbroadcast v14, $0x8;
	s30 =	sshll.u32 s24, $0x7;
	v4 =	vmul.f32 v6, v4  }
0x225: {  	v13 =	vbroadcast v14, $0x6;
	s31 =	sadd.s32 s6, s30;
	v5 =	vmul.f32 v6, v5  }
0x226: {  	s1 =	sshrl.u32 s1, $0x10;
	v10 =	vadd.s32 s31, v15;
	v4 =	vmul.f32 v4, v6;
	v6 =	vmul.f32 v6, v7  }
0x227: {  	v14 =	vbroadcast v14, $0xB;
	v15 =	vand.u32 $0x7F, v15;
	v7 =	vmov s1  }
0x228: {  	s26 =	simm.s32 $0x0  }
0x229: {  	(drf) =	sdivrem.u32 s26, s22  }
0x22a: {  	s0 =	simm.s32 $0x1  }
0x22b: {  	(drf) =	sdivrem.u32 s0, s22  }
0x22c: {  	s14 =	simm.s32 $0x2  }
0x22d: {  	(drf) =	sdivrem.u32 s14, s22  }
0x22e: {  	s26 =	simm.s32 $0x3  }
0x22f: {  	(drf) =	sdivrem.u32 s26, s22;
	_ =	sdelay $0x2  }
0x230: {  	s30 =	spop (drf)  }
0x231: {  	s1 =	spop (drf)  }
0x232: {  	s0 =	sadd.s32 s21, s30;
	s7 =	spop (drf)  }
0x233: {  	s31 =	sadd.s32 s24, s1;
	v17 =	vmov s0;
	s29 =	spop (drf);
	s7 =	sadd.s32 s21, s7  }
0x234: {  	v16 =	vmov s31;
	v17 =	vcvt.s32.f32 v17;
	s8 =	sadd.s32 s24, s29;
	s30 =	spop (drf);
	v19 =	vmov s7  }
0x235: {  	v16 =	vcvt.s32.f32 v16;
	v18 =	vmov s8;
	s28 =	spop (drf);
	s26 =	sadd.s32 s21, s30;
	v19 =	vcvt.s32.f32 v19  }
0x236: {  	v17 =	vbroadcast v17, $0x0;
	v18 =	vcvt.s32.f32 v18;
	s14 =	spop (drf);
	v20 =	vmov s26  }
0x237: {  	s1 =	sshll.u32 s1, $0x7;
	v16 =	vbroadcast v16, $0x0;
	s31 =	sadd.s32 s24, s28;
	s8 =	spop (drf);
	v21 =	vcvt.s32.f32 v20  }
0x238: {  	s0 =	sshll.u32 s0, $0xE;
	v20 =	vmov s31;
	s30 =	sadd.s32 s21, s14;
	v25 =	vbroadcast v19, $0x0;
	v18 =	vbroadcast v18, $0x0;
	s14 =	sadd.s32 s24, s8  }
0x239: {  	s0 =	sadd.s32 s0, s1;
	v22 =	vcvt.s32.f32 v20;
	v20 =	vmov s30;
	v23 =	vmov s14  }
0x23a: {  	v28 =	vadd.s32 s0, v10;
	v24 =	vcvt.s32.f32 v20;
	v23 =	vcvt.s32.f32 v23  }
0x23b: {  	v20 =	vsub.f32 v16, v9;
	v16 =	vbroadcast v21, $0x0;
	v19 =	vbroadcast v22, $0x0  }
0x23c: {  	v25 =	vsub.f32 v25, v8;
	v21 =	vsub.f32 v18, v9;
	v18 =	vbroadcast v23, $0x0  }
0x23d: {  	v16 =	vsub.f32 v16, v8;
	v23 =	vbroadcast v24, $0x0;
	v22 =	vsub.f32 v19, v9  }
0x23e: {  	s7 =	sshll.u32 s7, $0xE;
	s14 =	sshll.u32 s29, $0x7;
	v27 =	vmul.f32 v20, v12;
	v19 =	vand.u32 $0xFFFFFF80, v28;
	v24 =	vsub.f32 v18, v9  }
0x23f: {  	s0 =	sadd.s32 s7, s14;
	v26 =	vsub.f32 v23, v8;
	v23 =	vmul.f32 v16, v11;
	v28 =	vmul.f32 v22, v12  }
0x240: {  	p1 =	sgt.s32 s25, $0x4;
	v31 =	vadd.s32 s0, v10;
	v35 =	vmul.f32 v25, v11;
	v18 =	vmul.f32 v21, v12  }
.Ltmp30:
0x241: {  	v33 =	vmul.f32 v22, v13;
	v30 =	vmul.f32 v24, v12;
	v34 =	vadd.f32 v28, v23;
	(pc) =	sbr.rel @!p1 .LBB2_41-.Ltmp30, $4  }
0x242: {  	v29 =	vmul.f32 v24, v13;
	v32 =	vmul.f32 v26, v11;
	v28 =	vsub.f32 v17, v8  }
0x243: {  	s30 =	sshll.u32 s30, $0xE;
	s31 =	sshll.u32 s8, $0x7;
	v17 =	vmul.f32 v21, v13;
	v23 =	vand.u32 $0xFFFFFF80, v31;
	v34 =	vadd.f32 v34, v5  }
0x244: {  	s0 =	sadd.s32 s30, s31;
	v35 =	vadd.f32 v18, v35;
	v37 =	vadd.f32 v30, v32;
	v36 =	vmul.f32 v28, v11  }
0x245: {  	p0 =	por $0x0, $0x0;
	s28 =	sshll.u32 s28, $0x7;
	s29 =	simm.s32 $0x4;
	v31 =	vadd.f32 v17, v6;
	v32 =	vadd.s32 s0, v10;
	v30 =	vmul.f32 v34, v16  }
0x246: {  	(drf) =	sdivrem.u32 s29, s22;
	v16 =	vmul.f32 v20, v13;
	v17 =	vadd.f32 v37, v5  }
0x247: {  	s0 =	simm.s32 $0x5;
	v18 =	vadd.f32 v29, v6;
	v27 =	vadd.f32 v27, v36  }
0x248: {  	(drf) =	sdivrem.u32 s0, s22;
	v16 =	vadd.f32 v16, v6;
	v17 =	vmul.f32 v17, v26  }
0x249: {  	v18 =	vmul.f32 v18, v24;
	v26 =	vadd.f32 v35, v5;
	v27 =	vadd.f32 v27, v5  }
0x24a: {  	v29 =	vadd.f32 v33, v6;
	s31 =	simm.s32 $0x6;
	v21 =	vmul.f32 v31, v21;
	v20 =	vmul.f32 v16, v20  }
0x24b: {  	s1 =	sshll.u32 s26, $0xE;
	(drf) =	sdivrem.u32 s31, s22;
	v16 =	vadd.f32 v17, v18;
	v18 =	vmul.f32 v27, v28;
	v25 =	vmul.f32 v26, v25  }
0x24c: {  	s7 =	simm.s32 $0x7;
	s1 =	sadd.s32 s1, s28;
	v24 =	vand.u32 $0xFFFFFF80, v32;
	v22 =	vmul.f32 v29, v22  }
0x24d: {  	(drf) =	sdivrem.u32 s7, s22;
	v17 =	vadd.s32 s1, v10;
	v18 =	vadd.f32 v18, v20;
	v20 =	vadd.f32 v25, v21  }
0x24e: {  	v26 =	vadd.f32 v16, v4;
	v16 =	vor.u32 v15, v24;
	v21 =	vadd.f32 v30, v22  }
0x24f: {  	v30 =	vor.u32 v15, v19;
	v22 =	vadd.f32 v18, v4;
	v20 =	vadd.f32 v20, v4;
	s8 =	spop (drf)  }
0x250: {  	v18 =	vor.u32 v15, v23;
	v19 =	vadd.f32 v21, v4;
	v59 =	vmul.f32 $1.442695020e+00, v26;
	s1 =	spop (drf);
	s0 =	sadd.s32 s21, s8  }
0x251: {  	v22 =	vmul.f32 $1.442695020e+00, v22;
	v25 =	vmul.f32 $1.442695020e+00, v20;
	v23 =	vmov s0;
	s7 =	sadd.s32 s24, s1;
	s8 =	spop (drf)  }
0x252: {  	v19 =	vmul.f32 $1.442695020e+00, v19;
	v23 =	vcvt.s32.f32 v23;
	v21 =	vmov s7;
	s8 =	sadd.s32 s21, s8  }
0x253: {  	s14 =	spop (drf);
	(erf) = vpow2.f32 v22;
	v21 =	vcvt.s32.f32 v21;
	v24 =	vmov s8  }
0x254: {  	vm0 =	vgt.u32 v7, v3;
	s31 =	sadd.s32 s24, s14;
	s29 =	spop (drf);
	(erf) = vpow2.f32 v25;
	v24 =	vcvt.s32.f32 v24  }
0x255: {  	v20 =	vmov s31;
	s28 =	spop (drf);
	s26 =	sadd.s32 s21, s29;
	(erf) = vpow2.f32 v19;
	v23 =	vbroadcast v23, $0x0  }
0x256: {  	v21 =	vbroadcast v21, $0x0;
	v20 =	vcvt.s32.f32 v20;
	v27 =	vmov s26;
	s30 =	spop (drf)  }
0x257: {  	v17 =	vand.u32 $0xFFFFFF80, v17;
	s29 =	sadd.s32 s24, s28;
	(erf) = vpow2.f32 v59;
	v27 =	vcvt.s32.f32 v27;
	s30 =	sadd.s32 s21, s30  }
0x258: {  	v28 =	vmov s29;
	s29 =	spop (drf);
	v22 =	vbroadcast v20, $0x0;
	v20 =	vmov s30  }
0x259: {  	v17 =	vor.u32 v15, v17;
	v28 =	vcvt.s32.f32 v28;
	s31 =	sadd.s32 s24, s29;
	v29 =	vcvt.s32.f32 v20  }
0x25a: {  	s1 =	sshll.u32 s1, $0x7;
	s0 =	sshll.u32 s0, $0xE;
	v31 =	vmov s31;
	v20 =	vsub.f32 v21, v9;
	v26 =	vbroadcast v27, $0x0  }
0x25b: {  	s0 =	sadd.s32 s0, s1;
	v27 =	vcvt.s32.f32 v31;
	v31 =	vbroadcast v24, $0x0;
	v21 =	vsub.f32 v22, v9  }
0x25c: {  	v25 =	vbroadcast v28, $0x0;
	v22 =	vbroadcast v29, $0x0;
	v29 =	vadd.s32 s0, v10  }
0x25d: {  	s8 =	sshll.u32 s8, $0xE;
	s14 =	sshll.u32 s14, $0x7;
	v34 =	vsub.f32 v26, v8;
	v24 =	vbroadcast v27, $0x0;
	v27 =	vmul.f32 v20, v12  }
0x25e: {  	s0 =	sadd.s32 s8, s14;
	v60 =	vmul.f32 v21, v12;
	v26 =	vsub.f32 v22, v8;
	v22 =	vsub.f32 v25, v9  }
0x25f: {  	s30 =	sshll.u32 s30, $0xE;
	s31 =	sshll.u32 s29, $0x7;
	v19 =	vand.u32 $0xFFFFFF80, v29;
	v62 =	vadd.s32 s0, v10;
	v40 =	vmul.f32 v21, v13  }
0x260: {  	v39 =	vpop (erf);
	s0 =	sadd.s32 s30, s31;
	v28 =	vmul.f32 v34, v11;
	v25 =	vsub.f32 v31, v8;
	v31 =	vmul.f32 v22, v12  }
0x261: {  	p1 =	sgt.s32 s25, $0x8;
	v39 =	vmul.f32 v39, v14;
	v32 =	vadd.s32 s0, v10;
	v24 =	vsub.f32 v24, v9  }
.Ltmp31:
0x262: {  	v63 =	vmul.f32 v26, v11;
	v38 =	vmul.f32 v25, v11;
	v31 =	vadd.f32 v31, v28;
	(pc) =	sbr.rel @!p1 .LBB2_53-.Ltmp31, $4  }
0x263: {  	v33 =	vmul.f32 v22, v13;
	v61 =	vmul.f32 v24, v12;
	v28 =	vsub.f32 v23, v8  }
0x264: {  	[tilespmem:v30+s12+$0x0] =	vst.idx.add.f32.msk vm0, v39;
	v29 =	vmul.f32 v24, v13;
	v23 =	vand.u32 $0xFFFFFF80, v62;
	v41 =	vadd.f32 v31, v5  }
0x265: {  	v42 =	vpop (erf);
	v35 =	vadd.f32 v60, v38;
	v37 =	vadd.f32 v61, v63;
	v36 =	vmul.f32 v28, v11  }
0x266: {  	p0 =	por $0x1, $0x1;
	s28 =	sshll.u32 s28, $0x7;
	s29 =	simm.s32 $0x8;
	v31 =	vadd.f32 v40, v6;
	v38 =	vpop (erf);
	v30 =	vmul.f32 v41, v34;
	v34 =	vmul.f32 v42, v14  }
.LBB2_52:
0x267: {  	(drf) =	sdivrem.u32 s29, s22;
	v39 =	vmul.f32 v20, v13;
	v33 =	vadd.f32 v33, v6;
	v37 =	vadd.f32 v37, v5;
	s0 =	smov.u32 s29;
	s29 =	sadd.s32 $0x4, s29  }
0x268: {  	v29 =	vadd.f32 v29, v6;
	v32 =	vand.u32 $0xFFFFFF80, v32;
	s1 =	sadd.s32 $0x1, s0;
	p1 =	slt.s32 s29, s25;
	[tilespmem:v18+s12+$0x0] =	vst.idx.add.f32.msk vm0, v34;
	v18 =	vmul.f32 v38, v14  }
0x269: {  	v27 =	vadd.f32 v27, v36;
	(drf) =	sdivrem.u32 s1, s22;
	v34 =	vadd.f32 v39, v6;
	s1 =	sshll.u32 s26, $0xE;
	v26 =	vmul.f32 v37, v26;
	v36 =	vpop (erf)  }
0x26a: {  	s7 =	sadd.s32 $0x2, s0;
	v35 =	vadd.f32 v35, v5;
	v24 =	vmul.f32 v29, v24;
	s1 =	sadd.s32 s1, s28;
	v29 =	vmul.f32 v36, v14  }
0x26b: {  	s0 =	sadd.s32 $0x3, s0;
	v27 =	vadd.f32 v27, v5;
	(drf) =	sdivrem.u32 s7, s22;
	v20 =	vmul.f32 v34, v20;
	v34 =	vadd.s32 s1, v10;
	[tilespmem:v17+s12+$0x0] =	vst.idx.add.f32.msk vm0, v18  }
0x26c: {  	v17 =	vmul.f32 v31, v21;
	v21 =	vadd.f32 v26, v24;
	(drf) =	sdivrem.u32 s0, s22;
	v18 =	vand.u32 $0xFFFFFF80, v34;
	[tilespmem:v16+s12+$0x0] =	vst.idx.add.f32.msk vm0, v29  }
0x26d: {  	v25 =	vmul.f32 v35, v25;
	v24 =	vmul.f32 v27, v28;
	v16 =	vor.u32 v15, v32  }
0x26e: {  	v22 =	vmul.f32 v33, v22;
	v21 =	vadd.f32 v21, v4  }
0x26f: {  	v20 =	vadd.f32 v24, v20;
	v24 =	vadd.f32 v25, v17  }
0x270: {  	v22 =	vadd.f32 v30, v22;
	v17 =	vor.u32 v15, v18;
	s0 =	spop (drf)  }
0x271: {  	v18 =	vor.u32 v15, v23;
	v20 =	vadd.f32 v20, v4;
	v24 =	vadd.f32 v24, v4;
	s1 =	spop (drf);
	s0 =	sadd.s32 s21, s0  }
0x272: {  	v30 =	vor.u32 v15, v19;
	v19 =	vadd.f32 v22, v4;
	v23 =	vmov s0;
	s7 =	sadd.s32 s24, s1;
	s1 =	sshll.u32 s1, $0x7;
	s8 =	spop (drf)  }
0x273: {  	v20 =	vmul.f32 $1.442695020e+00, v20;
	v23 =	vcvt.s32.f32 v23;
	v22 =	vmov s7;
	s30 =	spop (drf);
	s7 =	sadd.s32 s21, s8  }
0x274: {  	v24 =	vmul.f32 $1.442695020e+00, v24;
	v22 =	vcvt.s32.f32 v22;
	v25 =	vmov s7;
	s8 =	sadd.s32 s24, s30;
	s31 =	sshll.u32 s7, $0xE;
	s7 =	spop (drf)  }
0x275: {  	v19 =	vmul.f32 $1.442695020e+00, v19;
	v25 =	vcvt.s32.f32 v25;
	v26 =	vmov s8;
	s8 =	spop (drf);
	s26 =	sadd.s32 s21, s7  }
0x276: {  	v22 =	vbroadcast v22, $0x0;
	v26 =	vcvt.s32.f32 v26;
	v27 =	vmov s26;
	s7 =	sadd.s32 s24, s8;
	s28 =	sshll.u32 s8, $0x7;
	s8 =	spop (drf)  }
0x277: {  	v27 =	vcvt.s32.f32 v27;
	v28 =	vmov s7;
	s7 =	spop (drf);
	s8 =	sadd.s32 s21, s8;
	(erf) = vpow2.f32 v20  }
0x278: {  	v26 =	vbroadcast v26, $0x0;
	v28 =	vcvt.s32.f32 v28;
	v20 =	vmov s8;
	s14 =	sadd.s32 s24, s7;
	s8 =	sshll.u32 s8, $0xE  }
0x279: {  	v32 =	vmul.f32 $1.442695020e+00, v21;
	v29 =	vcvt.s32.f32 v20;
	v31 =	vmov s14  }
0x27a: {  	s0 =	sshll.u32 s0, $0xE;
	v20 =	vsub.f32 v22, v9;
	v22 =	vbroadcast v27, $0x0;
	v27 =	vcvt.s32.f32 v31  }
0x27b: {  	s0 =	sadd.s32 s0, s1;
	v25 =	vbroadcast v25, $0x0;
	v21 =	vsub.f32 v26, v9;
	v26 =	vbroadcast v29, $0x0  }
0x27c: {  	v29 =	vadd.s32 s0, v10;
	v31 =	vbroadcast v27, $0x0;
	(erf) = vpow2.f32 v24  }
0x27d: {  	v34 =	vsub.f32 v22, v8;
	v22 =	vbroadcast v28, $0x0;
	v27 =	vmul.f32 v20, v12  }
0x27e: {  	v26 =	vsub.f32 v26, v8;
	v24 =	vsub.f32 v31, v9;
	(erf) = vpow2.f32 v19  }
0x27f: {  	v35 =	vmul.f32 v21, v12;
	v22 =	vsub.f32 v22, v9;
	v28 =	vmul.f32 v34, v11  }
0x280: {  	s0 =	sshll.u32 s30, $0x7;
	v19 =	vand.u32 $0xFFFFFF80, v29;
	v31 =	vmul.f32 v24, v12;
	v29 =	vmul.f32 v24, v13  }
0x281: {  	v25 =	vsub.f32 v25, v8;
	s0 =	sadd.s32 s31, s0;
	v33 =	vmul.f32 v22, v12;
	(erf) = vpow2.f32 v32  }
0x282: {  	v23 =	vbroadcast v23, $0x0;
	v36 =	vmul.f32 v26, v11;
	v32 =	vadd.s32 s0, v10  }
.Ltmp32:
0x283: {  	v38 =	vmul.f32 v25, v11;
	v37 =	vadd.f32 v33, v28;
	v33 =	vmul.f32 v22, v13;
	v39 =	vpop (erf);
	(pc) =	sbr.rel @p1 .LBB2_52-.Ltmp32, $4  }
0x284: {  	v40 =	vmul.f32 v21, v13;
	v28 =	vsub.f32 v23, v8;
	s0 =	sshll.u32 s7, $0x7;
	v39 =	vmul.f32 v39, v14  }
0x285: {  	v23 =	vand.u32 $0xFFFFFF80, v32;
	s0 =	sadd.s32 s8, s0;
	v41 =	vadd.f32 v37, v5;
	v37 =	vadd.f32 v31, v36;
	v42 =	vpop (erf)  }
0x286: {  	v36 =	vmul.f32 v28, v11;
	v31 =	vadd.f32 v40, v6;
	v32 =	vadd.s32 s0, v10;
	[tilespmem:v30+s12+$0x0] =	vst.idx.add.f32.msk vm0, v39  }
0x287: {  	v35 =	vadd.f32 v35, v38;
	v30 =	vmul.f32 v41, v34;
	v34 =	vmul.f32 v42, v14;
	v38 =	vpop (erf)  }
.LBB2_53:
0x288: {  	v39 =	vmul.f32 v20, v13;
	v27 =	vadd.f32 v27, v36;
	_ =	sdelay $0x1  }
0x289: {  	v54 =	vadd.f32 v39, v6;
	v27 =	vadd.f32 v27, v5  }
0x28a: {  	v33 =	vadd.f32 v33, v6;
	v35 =	vadd.f32 v35, v5  }
0x28b: {  	v37 =	vadd.f32 v37, v5;
	v55 =	vmul.f32 v54, v20;
	v27 =	vmul.f32 v27, v28  }
0x28c: {  	v56 =	vadd.f32 v29, v6;
	v21 =	vmul.f32 v31, v21;
	v25 =	vmul.f32 v35, v25  }
0x28d: {  	v22 =	vmul.f32 v33, v22;
	v20 =	vadd.f32 v27, v55  }
0x28e: {  	v26 =	vmul.f32 v37, v26;
	v24 =	vmul.f32 v56, v24;
	v21 =	vadd.f32 v25, v21  }
0x28f: {  	v22 =	vadd.f32 v30, v22;
	v20 =	vadd.f32 v20, v4  }
0x290: {  	v24 =	vadd.f32 v26, v24;
	v21 =	vadd.f32 v21, v4  }
0x291: {  	v22 =	vadd.f32 v22, v4;
	v20 =	vmul.f32 $1.442695020e+00, v20  }
0x292: {  	v24 =	vadd.f32 v24, v4;
	v21 =	vmul.f32 $1.442695020e+00, v21  }
0x293: {  	v22 =	vmul.f32 $1.442695020e+00, v22;
	(erf) = vpow2.f32 v20  }
0x294: {  	v57 =	vmul.f32 $1.442695020e+00, v24;
	(erf) = vpow2.f32 v21  }
0x295: {  	(erf) = vpow2.f32 v22  }
0x296: {  	(erf) = vpow2.f32 v57;
	_ =	sdelay $0x1  }
0x297: {  	s0 =	sshll.u32 s26, $0xE  }
0x298: {  	vm1 =	vgt.u32 v7, v3;
	s0 =	sadd.s32 s0, s28  }
0x299: {  	v19 =	vor.u32 v15, v19;
	v58 =	vadd.s32 s0, v10  }
0x29a: {  	v23 =	vor.u32 v15, v23;
	v20 =	vand.u32 $0xFFFFFF80, v58;
	v21 =	vpop @p0 (erf);
	v22 =	vmul.f32 @p0 v38, v14  }
0x29b: {  	v59 =	vand.u32 $0xFFFFFF80, v32;
	[tilespmem:v18+s12+$0x0] =	vst.idx.add.f32.msk @p0 vm0, v34;
	v20 =	vor.u32 v15, v20;
	v18 =	vmul.f32 @p0 v21, v14;
	v60 =	vpop (erf)  }
0x29c: {  	[tilespmem:v17+s12+$0x0] =	vst.idx.add.f32.msk @p0 vm0, v22;
	v17 =	vor.u32 v15, v59;
	v21 =	vmul.f32 v60, v14;
	v61 =	vpop (erf)  }
0x29d: {  	[tilespmem:v16+s12+$0x0] =	vst.idx.add.f32.msk @p0 vm0, v18;
	v16 =	vmul.f32 v61, v14;
	v62 =	vpop (erf)  }
0x29e: {  	[tilespmem:v19+s12+$0x0] =	vst.idx.add.f32.msk vm1, v21;
	v18 =	vmul.f32 v62, v14;
	v63 =	vpop (erf)  }
0x29f: {  	[tilespmem:v23+s12+$0x0] =	vst.idx.add.f32.msk vm1, v16;
	v16 =	vmul.f32 v63, v14  }
0x2a0: {  	[tilespmem:v20+s12+$0x0] =	vst.idx.add.f32.msk vm1, v18  }
0x2a1: {  	[tilespmem:v17+s12+$0x0] =	vst.idx.add.f32.msk vm1, v16  }
.LBB2_45:
0x2a2: {  	s26 =	ssub.s32 s23, s25  }
0x2a3: {  	p0 =	slt.s32 s26, $0x1  }
.Ltmp33:
0x2a4: {  	_ = 	snop;
	(pc) =	sbr.rel @p0 .LBB2_48-.Ltmp33, $1  }
0x2a5: {  	_ =	sdelay $0x3  }
0x2a6: {  	s0 =	sshll.u32 s22, $0x7;
	s1 =	sshll.u32 s23, $0x7;
	s7 =	sshll.u32 s26, $0x7  }
0x2a7: {  	s29 =	ssub.s32 $0x0, s22;
	s26 =	ssub.s32 $0x0, s0;
	s28 =	ssub.s32 s1, s7  }
.LBB2_47:
0x2a8: {  	s0 =	sshra.s32 s25, $0x1F  }
0x2a9: {  	s1 =	sxor.u32 s0, s25  }
0x2aa: {  	s1 =	ssub.s32 s1, s0  }
0x2ab: {  	(drf) =	sdiv.u32 s1, s22;
	_ =	sdelay $0x8  }
0x2ac: {  	s1 =	spop (drf)  }
0x2ad: {  	s1 =	sxor.u32 s0, s1  }
0x2ae: {  	s0 =	ssub.s32 s1, s0  }
0x2af: {  	s1 =	smul.u32 s0, s29  }
0x2b0: {  	s7 =	sadd.s32 s25, s24  }
0x2b1: {  	s8 =	sadd.s32 s21, s0;
	s1 =	sadd.s32 s1, s7  }
0x2b2: {  	v16 =	vmov s8;
	v17 =	vmov s1  }
0x2b3: {  	v16 =	vcvt.s32.f32 v16;
	v17 =	vcvt.s32.f32 v17;
	_ =	sdelay $0x1  }
0x2b4: {  	v16 =	vbroadcast v16, $0x0;
	v17 =	vbroadcast v17, $0x0;
	_ =	sdelay $0x1  }
0x2b5: {  	v16 =	vsub.f32 v16, v8;
	v17 =	vsub.f32 v17, v9;
	_ =	sdelay $0x1  }
0x2b6: {  	v18 =	vmul.f32 v16, v11;
	v19 =	vmul.f32 v17, v12;
	_ =	sdelay $0x1  }
0x2b7: {  	v63 =	vmul.f32 v17, v13;
	v18 =	vadd.f32 v19, v18;
	_ =	sdelay $0x1  }
0x2b8: {  	v19 =	vadd.f32 v63, v6;
	v18 =	vadd.f32 v18, v5;
	_ =	sdelay $0x1  }
0x2b9: {  	v17 =	vmul.f32 v19, v17;
	v16 =	vmul.f32 v18, v16;
	_ =	sdelay $0x1  }
0x2ba: {  	v16 =	vadd.f32 v16, v17;
	_ =	sdelay $0x1  }
0x2bb: {  	v16 =	vadd.f32 v16, v4;
	_ =	sdelay $0x1  }
0x2bc: {  	v16 =	vmul.f32 $1.442695020e+00, v16;
	_ =	sdelay $0x1  }
0x2bd: {  	(erf) = vpow2.f32 v16  }
0x2be: {  	s0 =	smul.u32 s0, s26;
	_ =	sdelay $0x1  }
0x2bf: {  	s31 =	sshll.u32 s8, $0xE;
	s0 =	sadd.s32 s0, s28  }
0x2c0: {  	s0 =	sadd.s32 s31, s0  }
0x2c1: {  	v16 =	vadd.s32 s0, v10  }
0x2c2: {  	vm0 =	vgt.u32 v7, v3;
	s25 =	sadd.s32 $0x1, s25;
	v16 =	vand.u32 $0xFFFFFF80, v16  }
0x2c3: {  	p0 =	slt.s32 s25, s23;
	v16 =	vor.u32 v15, v16  }
.Ltmp34:
0x2c4: {  	_ = 	snop;
	(pc) =	sbr.rel @p0 .LBB2_47-.Ltmp34, $3  }
0x2c5: {  	v17 =	vpop (erf)  }
0x2c6: {  	v17 =	vmul.f32 v17, v14;
	_ =	sdelay $0x1  }
0x2c7: {  	s28 =	sadd.s32 $0x80, s28;
	[tilespmem:v16+s12+$0x0] =	vst.idx.add.f32.msk vm0, v17  }
.LBB2_48:
0x2c8: {  	s0 =	sor.u32 $0x1, s20  }
0x2c9: {  	v4 =	vmov s0;
	_ =	sdelay $0x4  }
0x2ca: {  	v4 =	vld.idx.msk [tilespmem:v4+s11+$0x0], $0xffff;
	_ =	sdelay $0x4  }
0x2cb: {  	(v2sf) =	vpush v4, $0x0;
	_ =	sdelay $0xe  }
0x2cc: {  	s24 =	spop (v2sf)  }
0x2cd: {  	s0 =	sshll.u32 s24, $0x9  }
0x2ce: {  	s0 =	sshra.s32 s0, $0x2  }
0x2cf: {  	v14 =	vld [tilespmem:s0+$0x5000];
	_ =	sdelay $0x4  }
0x2d0: {  	(v2sf) =	vpush v14, $0x0  }
0x2d1: {  	(v2sf) =	vpush v14, $0x1;
	_ =	sdelay $0xd  }
0x2d2: {  	s25 =	spop (v2sf)  }
0x2d3: {  	s1 =	spop (v2sf)  }
0x2d4: {  	s8 =	sand.u32 $0xFF, s25;
	s14 =	sand.u32 $0xFF, s1  }
0x2d5: {  	s7 =	sshrl.u32 s25, $0x10;
	s26 =	sadd.s32 s14, s8  }
0x2d6: {  	v15 =	vadd.s32 s7, v3;
	s28 =	sshrl.u32 s1, $0x8;
	s21 =	smax.u32 s8, s4;
	s7 =	smin.u32 s26, s5  }
0x2d7: {  	s22 =	sand.u32 $0xFF, s28;
	s7 =	ssub.s32 s7, s21  }
0x2d8: {  	s23 =	smul.u32 s22, s7;
	_ =	sdelay $0x1  }
0x2d9: {  	s7 =	sshra.s32 s23, $0x1F  }
0x2da: {  	s0 =	sshrl.u32 s25, $0x8;
	s29 =	sshrl.u32 s7, $0x1E  }
0x2db: {  	v5 =	vbroadcast v14, $0x4;
	s24 =	sand.u32 $0xFF, s0;
	v4 =	vcvt.s32.f32 v15;
	s0 =	sadd.s32 s29, s23  }
0x2dc: {  	v7 =	vbroadcast v14, $0xA;
	v8 =	vbroadcast v14, $0x2;
	s25 =	sand.u32 $0xFFFFFFFC, s0  }
0x2dd: {  	v9 =	vbroadcast v14, $0x3;
	v6 =	vsub.f32 v4, v5;
	v4 =	vbroadcast v14, $0x7;
	p0 =	slt.s32 s25, $0x1  }
.Ltmp35:
0x2de: {  	v11 =	vbroadcast v14, $0x5;
	v5 =	vbroadcast v14, $0x9;
	(pc) =	sbr.rel @p0 .LBB2_54-.Ltmp35, $4  }
0x2df: {  	v12 =	vbroadcast v14, $0x8;
	s30 =	sshll.u32 s24, $0x7;
	v4 =	vmul.f32 v6, v4  }
0x2e0: {  	v13 =	vbroadcast v14, $0x6;
	s31 =	sadd.s32 s6, s30;
	v5 =	vmul.f32 v6, v5  }
0x2e1: {  	s1 =	sshrl.u32 s1, $0x10;
	v10 =	vadd.s32 s31, v15;
	v4 =	vmul.f32 v4, v6;
	v6 =	vmul.f32 v6, v7  }
0x2e2: {  	v14 =	vbroadcast v14, $0xB;
	v15 =	vand.u32 $0x7F, v15;
	v7 =	vmov s1  }
0x2e3: {  	s26 =	simm.s32 $0x0  }
0x2e4: {  	(drf) =	sdivrem.u32 s26, s22  }
0x2e5: {  	s0 =	simm.s32 $0x1  }
0x2e6: {  	(drf) =	sdivrem.u32 s0, s22  }
0x2e7: {  	s26 =	simm.s32 $0x2  }
0x2e8: {  	(drf) =	sdivrem.u32 s26, s22  }
0x2e9: {  	s30 =	simm.s32 $0x3  }
0x2ea: {  	(drf) =	sdivrem.u32 s30, s22;
	_ =	sdelay $0x2  }
0x2eb: {  	s31 =	spop (drf)  }
0x2ec: {  	s1 =	spop (drf)  }
0x2ed: {  	s0 =	sadd.s32 s21, s31;
	s7 =	spop (drf)  }
0x2ee: {  	s8 =	sadd.s32 s24, s1;
	v17 =	vmov s0;
	s14 =	spop (drf);
	s7 =	sadd.s32 s21, s7  }
0x2ef: {  	v16 =	vmov s8;
	v17 =	vcvt.s32.f32 v17;
	s26 =	sadd.s32 s24, s14;
	s30 =	spop (drf);
	v19 =	vmov s7  }
0x2f0: {  	v16 =	vcvt.s32.f32 v16;
	v18 =	vmov s26;
	s28 =	spop (drf);
	s26 =	sadd.s32 s21, s30;
	v19 =	vcvt.s32.f32 v19  }
0x2f1: {  	v17 =	vbroadcast v17, $0x0;
	v18 =	vcvt.s32.f32 v18;
	s31 =	spop (drf);
	v20 =	vmov s26  }
0x2f2: {  	s1 =	sshll.u32 s1, $0x7;
	v16 =	vbroadcast v16, $0x0;
	s29 =	sadd.s32 s24, s28;
	s30 =	spop (drf);
	v21 =	vcvt.s32.f32 v20  }
0x2f3: {  	s0 =	sshll.u32 s0, $0xE;
	v20 =	vmov s29;
	s8 =	sadd.s32 s21, s31;
	v25 =	vbroadcast v19, $0x0;
	v18 =	vbroadcast v18, $0x0;
	s29 =	sadd.s32 s24, s30  }
0x2f4: {  	s0 =	sadd.s32 s0, s1;
	v22 =	vcvt.s32.f32 v20;
	v20 =	vmov s8;
	v23 =	vmov s29  }
0x2f5: {  	v28 =	vadd.s32 s0, v10;
	v24 =	vcvt.s32.f32 v20;
	v23 =	vcvt.s32.f32 v23  }
0x2f6: {  	v20 =	vsub.f32 v16, v9;
	v16 =	vbroadcast v21, $0x0;
	v19 =	vbroadcast v22, $0x0  }
0x2f7: {  	v25 =	vsub.f32 v25, v8;
	v21 =	vsub.f32 v18, v9;
	v18 =	vbroadcast v23, $0x0  }
0x2f8: {  	v16 =	vsub.f32 v16, v8;
	v23 =	vbroadcast v24, $0x0;
	v22 =	vsub.f32 v19, v9  }
0x2f9: {  	s1 =	sshll.u32 s7, $0xE;
	s7 =	sshll.u32 s14, $0x7;
	v27 =	vmul.f32 v20, v12;
	v19 =	vand.u32 $0xFFFFFF80, v28;
	v24 =	vsub.f32 v18, v9  }
0x2fa: {  	s0 =	sadd.s32 s1, s7;
	v26 =	vsub.f32 v23, v8;
	v23 =	vmul.f32 v16, v11;
	v28 =	vmul.f32 v22, v12  }
0x2fb: {  	p1 =	sgt.s32 s25, $0x4;
	v31 =	vadd.s32 s0, v10;
	v35 =	vmul.f32 v25, v11;
	v18 =	vmul.f32 v21, v12  }
.Ltmp36:
0x2fc: {  	v33 =	vmul.f32 v22, v13;
	v30 =	vmul.f32 v24, v12;
	v34 =	vadd.f32 v28, v23;
	(pc) =	sbr.rel @!p1 .LBB2_50-.Ltmp36, $4  }
0x2fd: {  	v29 =	vmul.f32 v24, v13;
	v32 =	vmul.f32 v26, v11;
	v28 =	vsub.f32 v17, v8  }
0x2fe: {  	s14 =	sshll.u32 s8, $0xE;
	s31 =	sshll.u32 s30, $0x7;
	v17 =	vmul.f32 v21, v13;
	v23 =	vand.u32 $0xFFFFFF80, v31;
	v34 =	vadd.f32 v34, v5  }
0x2ff: {  	s0 =	sadd.s32 s14, s31;
	v35 =	vadd.f32 v18, v35;
	v37 =	vadd.f32 v30, v32;
	v36 =	vmul.f32 v28, v11  }
0x300: {  	p0 =	por $0x0, $0x0;
	s28 =	sshll.u32 s28, $0x7;
	s29 =	simm.s32 $0x4;
	v31 =	vadd.f32 v17, v6;
	v32 =	vadd.s32 s0, v10;
	v30 =	vmul.f32 v34, v16  }
0x301: {  	(drf) =	sdivrem.u32 s29, s22;
	v16 =	vmul.f32 v20, v13;
	v17 =	vadd.f32 v37, v5  }
0x302: {  	s0 =	simm.s32 $0x5;
	v18 =	vadd.f32 v29, v6;
	v27 =	vadd.f32 v27, v36  }
0x303: {  	(drf) =	sdivrem.u32 s0, s22;
	v16 =	vadd.f32 v16, v6;
	v17 =	vmul.f32 v17, v26  }
0x304: {  	v18 =	vmul.f32 v18, v24;
	v26 =	vadd.f32 v35, v5;
	v27 =	vadd.f32 v27, v5  }
0x305: {  	v29 =	vadd.f32 v33, v6;
	s8 =	simm.s32 $0x6;
	v21 =	vmul.f32 v31, v21;
	v20 =	vmul.f32 v16, v20  }
0x306: {  	(drf) =	sdivrem.u32 s8, s22;
	v16 =	vadd.f32 v17, v18;
	v18 =	vmul.f32 v27, v28;
	v25 =	vmul.f32 v26, v25  }
0x307: {  	s1 =	sshll.u32 s26, $0xE;
	s26 =	simm.s32 $0x7;
	vm0 =	vgt.u32 v7, v3;
	v22 =	vmul.f32 v29, v22  }
0x308: {  	v24 =	vand.u32 $0xFFFFFF80, v32;
	(drf) =	sdivrem.u32 s26, s22;
	v18 =	vadd.f32 v18, v20;
	v20 =	vadd.f32 v25, v21  }
0x309: {  	v26 =	vadd.f32 v16, v4;
	v16 =	vor.u32 v15, v24;
	v21 =	vadd.f32 v30, v22  }
0x30a: {  	v30 =	vor.u32 v15, v19;
	v22 =	vadd.f32 v18, v4;
	v20 =	vadd.f32 v20, v4;
	s30 =	spop (drf)  }
0x30b: {  	s14 =	sadd.s32 s1, s28;
	v18 =	vor.u32 v15, v23;
	v19 =	vadd.f32 v21, v4;
	v59 =	vmul.f32 $1.442695020e+00, v26;
	s1 =	spop (drf);
	s0 =	sadd.s32 s21, s30  }
0x30c: {  	v22 =	vmul.f32 $1.442695020e+00, v22;
	v25 =	vmul.f32 $1.442695020e+00, v20;
	v23 =	vmov s0;
	s7 =	sadd.s32 s24, s1;
	s8 =	spop (drf)  }
0x30d: {  	v19 =	vmul.f32 $1.442695020e+00, v19;
	v23 =	vcvt.s32.f32 v23;
	v21 =	vmov s7;
	s8 =	sadd.s32 s21, s8  }
0x30e: {  	s7 =	spop (drf);
	(erf) = vpow2.f32 v22;
	v21 =	vcvt.s32.f32 v21;
	v24 =	vmov s8  }
0x30f: {  	v17 =	vadd.s32 s14, v10;
	s14 =	sadd.s32 s24, s7;
	s31 =	spop (drf);
	(erf) = vpow2.f32 v25;
	v24 =	vcvt.s32.f32 v24  }
0x310: {  	v20 =	vmov s14;
	s28 =	spop (drf);
	s26 =	sadd.s32 s21, s31;
	(erf) = vpow2.f32 v19;
	v23 =	vbroadcast v23, $0x0  }
0x311: {  	v21 =	vbroadcast v21, $0x0;
	v20 =	vcvt.s32.f32 v20;
	v27 =	vmov s26;
	s29 =	spop (drf)  }
0x312: {  	v17 =	vand.u32 $0xFFFFFF80, v17;
	s30 =	sadd.s32 s24, s28;
	(erf) = vpow2.f32 v59;
	v27 =	vcvt.s32.f32 v27;
	s29 =	sadd.s32 s21, s29  }
0x313: {  	v28 =	vmov s30;
	s31 =	spop (drf);
	v22 =	vbroadcast v20, $0x0;
	v20 =	vmov s29  }
0x314: {  	v17 =	vor.u32 v15, v17;
	v28 =	vcvt.s32.f32 v28;
	s30 =	sadd.s32 s24, s31;
	v29 =	vcvt.s32.f32 v20  }
0x315: {  	s1 =	sshll.u32 s1, $0x7;
	s0 =	sshll.u32 s0, $0xE;
	v31 =	vmov s30;
	v20 =	vsub.f32 v21, v9;
	v26 =	vbroadcast v27, $0x0  }
0x316: {  	s0 =	sadd.s32 s0, s1;
	v27 =	vcvt.s32.f32 v31;
	v31 =	vbroadcast v24, $0x0;
	v21 =	vsub.f32 v22, v9  }
0x317: {  	v25 =	vbroadcast v28, $0x0;
	v22 =	vbroadcast v29, $0x0;
	v29 =	vadd.s32 s0, v10  }
0x318: {  	s1 =	sshll.u32 s8, $0xE;
	s8 =	sshll.u32 s7, $0x7;
	v34 =	vsub.f32 v26, v8;
	v24 =	vbroadcast v27, $0x0;
	v27 =	vmul.f32 v20, v12  }
0x319: {  	s0 =	sadd.s32 s1, s8;
	v60 =	vmul.f32 v21, v12;
	v26 =	vsub.f32 v22, v8;
	v22 =	vsub.f32 v25, v9  }
0x31a: {  	s31 =	sshll.u32 s31, $0x7;
	s30 =	sshll.u32 s29, $0xE;
	v19 =	vand.u32 $0xFFFFFF80, v29;
	v62 =	vadd.s32 s0, v10;
	v40 =	vmul.f32 v21, v13  }
0x31b: {  	v39 =	vpop (erf);
	s0 =	sadd.s32 s30, s31;
	v28 =	vmul.f32 v34, v11;
	v25 =	vsub.f32 v31, v8;
	v31 =	vmul.f32 v22, v12  }
0x31c: {  	p1 =	sgt.s32 s25, $0x8;
	v39 =	vmul.f32 v39, v14;
	v32 =	vadd.s32 s0, v10;
	v24 =	vsub.f32 v24, v9  }
.Ltmp37:
0x31d: {  	v63 =	vmul.f32 v26, v11;
	v38 =	vmul.f32 v25, v11;
	v31 =	vadd.f32 v31, v28;
	(pc) =	sbr.rel @!p1 .LBB2_64-.Ltmp37, $4  }
0x31e: {  	v33 =	vmul.f32 v22, v13;
	v61 =	vmul.f32 v24, v12;
	v28 =	vsub.f32 v23, v8  }
0x31f: {  	[tilespmem:v30+s12+$0x0] =	vst.idx.add.f32.msk vm0, v39;
	v29 =	vmul.f32 v24, v13;
	v23 =	vand.u32 $0xFFFFFF80, v62;
	v41 =	vadd.f32 v31, v5  }
0x320: {  	v42 =	vpop (erf);
	v35 =	vadd.f32 v60, v38;
	v37 =	vadd.f32 v61, v63;
	v36 =	vmul.f32 v28, v11  }
0x321: {  	p0 =	por $0x1, $0x1;
	s28 =	sshll.u32 s28, $0x7;
	s29 =	simm.s32 $0x8;
	v31 =	vadd.f32 v40, v6;
	v38 =	vpop (erf);
	v30 =	vmul.f32 v41, v34;
	v34 =	vmul.f32 v42, v14  }
.LBB2_63:
0x322: {  	(drf) =	sdivrem.u32 s29, s22;
	v39 =	vmul.f32 v20, v13;
	v33 =	vadd.f32 v33, v6;
	v37 =	vadd.f32 v37, v5;
	s0 =	smov.u32 s29;
	s29 =	sadd.s32 $0x4, s29  }
0x323: {  	v29 =	vadd.f32 v29, v6;
	v32 =	vand.u32 $0xFFFFFF80, v32;
	s1 =	sadd.s32 $0x1, s0;
	p1 =	slt.s32 s29, s25;
	[tilespmem:v18+s12+$0x0] =	vst.idx.add.f32.msk vm0, v34;
	v18 =	vmul.f32 v38, v14  }
0x324: {  	v27 =	vadd.f32 v27, v36;
	(drf) =	sdivrem.u32 s1, s22;
	v34 =	vadd.f32 v39, v6;
	s1 =	sshll.u32 s26, $0xE;
	v26 =	vmul.f32 v37, v26;
	v36 =	vpop (erf)  }
0x325: {  	s7 =	sadd.s32 $0x2, s0;
	v35 =	vadd.f32 v35, v5;
	v24 =	vmul.f32 v29, v24;
	s1 =	sadd.s32 s1, s28;
	v29 =	vmul.f32 v36, v14  }
0x326: {  	s0 =	sadd.s32 $0x3, s0;
	v27 =	vadd.f32 v27, v5;
	(drf) =	sdivrem.u32 s7, s22;
	v20 =	vmul.f32 v34, v20;
	v34 =	vadd.s32 s1, v10;
	[tilespmem:v17+s12+$0x0] =	vst.idx.add.f32.msk vm0, v18  }
0x327: {  	v17 =	vmul.f32 v31, v21;
	v21 =	vadd.f32 v26, v24;
	(drf) =	sdivrem.u32 s0, s22;
	v18 =	vand.u32 $0xFFFFFF80, v34;
	[tilespmem:v16+s12+$0x0] =	vst.idx.add.f32.msk vm0, v29  }
0x328: {  	v25 =	vmul.f32 v35, v25;
	v24 =	vmul.f32 v27, v28;
	v16 =	vor.u32 v15, v32  }
0x329: {  	v22 =	vmul.f32 v33, v22;
	v21 =	vadd.f32 v21, v4  }
0x32a: {  	v20 =	vadd.f32 v24, v20;
	v24 =	vadd.f32 v25, v17  }
0x32b: {  	v22 =	vadd.f32 v30, v22;
	v17 =	vor.u32 v15, v18;
	s0 =	spop (drf)  }
0x32c: {  	v18 =	vor.u32 v15, v23;
	v20 =	vadd.f32 v20, v4;
	v24 =	vadd.f32 v24, v4;
	s1 =	spop (drf);
	s0 =	sadd.s32 s21, s0  }
0x32d: {  	v30 =	vor.u32 v15, v19;
	v19 =	vadd.f32 v22, v4;
	v23 =	vmov s0;
	s7 =	sadd.s32 s24, s1;
	s1 =	sshll.u32 s1, $0x7;
	s8 =	spop (drf)  }
0x32e: {  	v20 =	vmul.f32 $1.442695020e+00, v20;
	v23 =	vcvt.s32.f32 v23;
	v22 =	vmov s7;
	s30 =	spop (drf);
	s7 =	sadd.s32 s21, s8  }
0x32f: {  	v24 =	vmul.f32 $1.442695020e+00, v24;
	v22 =	vcvt.s32.f32 v22;
	v25 =	vmov s7;
	s8 =	sadd.s32 s24, s30;
	s31 =	sshll.u32 s7, $0xE;
	s7 =	spop (drf)  }
0x330: {  	v19 =	vmul.f32 $1.442695020e+00, v19;
	v25 =	vcvt.s32.f32 v25;
	v26 =	vmov s8;
	s8 =	spop (drf);
	s26 =	sadd.s32 s21, s7  }
0x331: {  	v22 =	vbroadcast v22, $0x0;
	v26 =	vcvt.s32.f32 v26;
	v27 =	vmov s26;
	s7 =	sadd.s32 s24, s8;
	s28 =	sshll.u32 s8, $0x7;
	s8 =	spop (drf)  }
0x332: {  	v27 =	vcvt.s32.f32 v27;
	v28 =	vmov s7;
	s7 =	spop (drf);
	s8 =	sadd.s32 s21, s8;
	(erf) = vpow2.f32 v20  }
0x333: {  	v26 =	vbroadcast v26, $0x0;
	v28 =	vcvt.s32.f32 v28;
	v20 =	vmov s8;
	s14 =	sadd.s32 s24, s7;
	s8 =	sshll.u32 s8, $0xE  }
0x334: {  	v32 =	vmul.f32 $1.442695020e+00, v21;
	v29 =	vcvt.s32.f32 v20;
	v31 =	vmov s14  }
0x335: {  	s0 =	sshll.u32 s0, $0xE;
	v20 =	vsub.f32 v22, v9;
	v22 =	vbroadcast v27, $0x0;
	v27 =	vcvt.s32.f32 v31  }
0x336: {  	s0 =	sadd.s32 s0, s1;
	v25 =	vbroadcast v25, $0x0;
	v21 =	vsub.f32 v26, v9;
	v26 =	vbroadcast v29, $0x0  }
0x337: {  	v29 =	vadd.s32 s0, v10;
	v31 =	vbroadcast v27, $0x0;
	(erf) = vpow2.f32 v24  }
0x338: {  	v34 =	vsub.f32 v22, v8;
	v22 =	vbroadcast v28, $0x0;
	v27 =	vmul.f32 v20, v12  }
0x339: {  	v26 =	vsub.f32 v26, v8;
	v24 =	vsub.f32 v31, v9;
	(erf) = vpow2.f32 v19  }
0x33a: {  	v35 =	vmul.f32 v21, v12;
	v22 =	vsub.f32 v22, v9;
	v28 =	vmul.f32 v34, v11  }
0x33b: {  	s0 =	sshll.u32 s30, $0x7;
	v19 =	vand.u32 $0xFFFFFF80, v29;
	v31 =	vmul.f32 v24, v12;
	v29 =	vmul.f32 v24, v13  }
0x33c: {  	v25 =	vsub.f32 v25, v8;
	s0 =	sadd.s32 s31, s0;
	v33 =	vmul.f32 v22, v12;
	(erf) = vpow2.f32 v32  }
0x33d: {  	v23 =	vbroadcast v23, $0x0;
	v36 =	vmul.f32 v26, v11;
	v32 =	vadd.s32 s0, v10  }
.Ltmp38:
0x33e: {  	v38 =	vmul.f32 v25, v11;
	v37 =	vadd.f32 v33, v28;
	v33 =	vmul.f32 v22, v13;
	v39 =	vpop (erf);
	(pc) =	sbr.rel @p1 .LBB2_63-.Ltmp38, $4  }
0x33f: {  	v40 =	vmul.f32 v21, v13;
	v28 =	vsub.f32 v23, v8;
	s0 =	sshll.u32 s7, $0x7;
	v39 =	vmul.f32 v39, v14  }
0x340: {  	v23 =	vand.u32 $0xFFFFFF80, v32;
	s0 =	sadd.s32 s8, s0;
	v41 =	vadd.f32 v37, v5;
	v37 =	vadd.f32 v31, v36;
	v42 =	vpop (erf)  }
0x341: {  	v36 =	vmul.f32 v28, v11;
	v31 =	vadd.f32 v40, v6;
	v32 =	vadd.s32 s0, v10;
	[tilespmem:v30+s12+$0x0] =	vst.idx.add.f32.msk vm0, v39  }
0x342: {  	v35 =	vadd.f32 v35, v38;
	v30 =	vmul.f32 v41, v34;
	v34 =	vmul.f32 v42, v14;
	v38 =	vpop (erf)  }
.LBB2_64:
0x343: {  	v39 =	vmul.f32 v20, v13;
	v27 =	vadd.f32 v27, v36;
	_ =	sdelay $0x1  }
0x344: {  	v54 =	vadd.f32 v39, v6;
	v27 =	vadd.f32 v27, v5  }
0x345: {  	v33 =	vadd.f32 v33, v6;
	v35 =	vadd.f32 v35, v5  }
0x346: {  	v37 =	vadd.f32 v37, v5;
	v55 =	vmul.f32 v54, v20;
	v27 =	vmul.f32 v27, v28  }
0x347: {  	v56 =	vadd.f32 v29, v6;
	v21 =	vmul.f32 v31, v21;
	v25 =	vmul.f32 v35, v25  }
0x348: {  	v22 =	vmul.f32 v33, v22;
	v20 =	vadd.f32 v27, v55  }
0x349: {  	v26 =	vmul.f32 v37, v26;
	v24 =	vmul.f32 v56, v24;
	v21 =	vadd.f32 v25, v21  }
0x34a: {  	v22 =	vadd.f32 v30, v22;
	v20 =	vadd.f32 v20, v4  }
0x34b: {  	v24 =	vadd.f32 v26, v24;
	v21 =	vadd.f32 v21, v4  }
0x34c: {  	v22 =	vadd.f32 v22, v4;
	v20 =	vmul.f32 $1.442695020e+00, v20  }
0x34d: {  	v24 =	vadd.f32 v24, v4;
	v21 =	vmul.f32 $1.442695020e+00, v21  }
0x34e: {  	v22 =	vmul.f32 $1.442695020e+00, v22;
	(erf) = vpow2.f32 v20  }
0x34f: {  	v57 =	vmul.f32 $1.442695020e+00, v24;
	(erf) = vpow2.f32 v21  }
0x350: {  	(erf) = vpow2.f32 v22  }
0x351: {  	(erf) = vpow2.f32 v57;
	_ =	sdelay $0x1  }
0x352: {  	s0 =	sshll.u32 s26, $0xE  }
0x353: {  	vm1 =	vgt.u32 v7, v3;
	s0 =	sadd.s32 s0, s28  }
0x354: {  	v19 =	vor.u32 v15, v19;
	v58 =	vadd.s32 s0, v10  }
0x355: {  	v23 =	vor.u32 v15, v23;
	v20 =	vand.u32 $0xFFFFFF80, v58;
	v21 =	vpop @p0 (erf);
	v22 =	vmul.f32 @p0 v38, v14  }
0x356: {  	v59 =	vand.u32 $0xFFFFFF80, v32;
	[tilespmem:v18+s12+$0x0] =	vst.idx.add.f32.msk @p0 vm0, v34;
	v20 =	vor.u32 v15, v20;
	v18 =	vmul.f32 @p0 v21, v14;
	v60 =	vpop (erf)  }
0x357: {  	[tilespmem:v17+s12+$0x0] =	vst.idx.add.f32.msk @p0 vm0, v22;
	v17 =	vor.u32 v15, v59;
	v21 =	vmul.f32 v60, v14;
	v61 =	vpop (erf)  }
0x358: {  	[tilespmem:v16+s12+$0x0] =	vst.idx.add.f32.msk @p0 vm0, v18;
	v16 =	vmul.f32 v61, v14;
	v62 =	vpop (erf)  }
0x359: {  	[tilespmem:v19+s12+$0x0] =	vst.idx.add.f32.msk vm1, v21;
	v18 =	vmul.f32 v62, v14;
	v63 =	vpop (erf)  }
0x35a: {  	[tilespmem:v23+s12+$0x0] =	vst.idx.add.f32.msk vm1, v16;
	v16 =	vmul.f32 v63, v14  }
0x35b: {  	[tilespmem:v20+s12+$0x0] =	vst.idx.add.f32.msk vm1, v18  }
0x35c: {  	[tilespmem:v17+s12+$0x0] =	vst.idx.add.f32.msk vm1, v16  }
.LBB2_54:
0x35d: {  	s26 =	ssub.s32 s23, s25  }
0x35e: {  	p0 =	slt.s32 s26, $0x1  }
.Ltmp39:
0x35f: {  	_ = 	snop;
	(pc) =	sbr.rel @p0 .LBB2_57-.Ltmp39, $1  }
0x360: {  	_ =	sdelay $0x3  }
0x361: {  	s0 =	sshll.u32 s22, $0x7;
	s1 =	sshll.u32 s23, $0x7;
	s7 =	sshll.u32 s26, $0x7  }
0x362: {  	s29 =	ssub.s32 $0x0, s22;
	s26 =	ssub.s32 $0x0, s0;
	s28 =	ssub.s32 s1, s7  }
.LBB2_56:
0x363: {  	s0 =	sshra.s32 s25, $0x1F  }
0x364: {  	s1 =	sxor.u32 s0, s25  }
0x365: {  	s1 =	ssub.s32 s1, s0  }
0x366: {  	(drf) =	sdiv.u32 s1, s22;
	_ =	sdelay $0x8  }
0x367: {  	s1 =	spop (drf)  }
0x368: {  	s1 =	sxor.u32 s0, s1  }
0x369: {  	s0 =	ssub.s32 s1, s0  }
0x36a: {  	s1 =	smul.u32 s0, s29  }
0x36b: {  	s7 =	sadd.s32 s25, s24  }
0x36c: {  	s8 =	sadd.s32 s21, s0;
	s1 =	sadd.s32 s1, s7  }
0x36d: {  	v16 =	vmov s8;
	v17 =	vmov s1  }
0x36e: {  	v16 =	vcvt.s32.f32 v16;
	v17 =	vcvt.s32.f32 v17;
	_ =	sdelay $0x1  }
0x36f: {  	v16 =	vbroadcast v16, $0x0;
	v17 =	vbroadcast v17, $0x0;
	_ =	sdelay $0x1  }
0x370: {  	v16 =	vsub.f32 v16, v8;
	v17 =	vsub.f32 v17, v9;
	_ =	sdelay $0x1  }
0x371: {  	v18 =	vmul.f32 v16, v11;
	v19 =	vmul.f32 v17, v12;
	_ =	sdelay $0x1  }
0x372: {  	v63 =	vmul.f32 v17, v13;
	v18 =	vadd.f32 v19, v18;
	_ =	sdelay $0x1  }
0x373: {  	v19 =	vadd.f32 v63, v6;
	v18 =	vadd.f32 v18, v5;
	_ =	sdelay $0x1  }
0x374: {  	v17 =	vmul.f32 v19, v17;
	v16 =	vmul.f32 v18, v16;
	_ =	sdelay $0x1  }
0x375: {  	v16 =	vadd.f32 v16, v17;
	_ =	sdelay $0x1  }
0x376: {  	v16 =	vadd.f32 v16, v4;
	_ =	sdelay $0x1  }
0x377: {  	v16 =	vmul.f32 $1.442695020e+00, v16;
	_ =	sdelay $0x1  }
0x378: {  	(erf) = vpow2.f32 v16  }
0x379: {  	s0 =	smul.u32 s0, s26;
	_ =	sdelay $0x1  }
0x37a: {  	s31 =	sshll.u32 s8, $0xE;
	s0 =	sadd.s32 s0, s28  }
0x37b: {  	s0 =	sadd.s32 s31, s0  }
0x37c: {  	v16 =	vadd.s32 s0, v10  }
0x37d: {  	vm0 =	vgt.u32 v7, v3;
	s25 =	sadd.s32 $0x1, s25;
	v16 =	vand.u32 $0xFFFFFF80, v16  }
0x37e: {  	p0 =	slt.s32 s25, s23;
	v16 =	vor.u32 v15, v16  }
.Ltmp40:
0x37f: {  	_ = 	snop;
	(pc) =	sbr.rel @p0 .LBB2_56-.Ltmp40, $3  }
0x380: {  	v17 =	vpop (erf)  }
0x381: {  	v17 =	vmul.f32 v17, v14;
	_ =	sdelay $0x1  }
0x382: {  	s28 =	sadd.s32 $0x80, s28;
	[tilespmem:v16+s12+$0x0] =	vst.idx.add.f32.msk vm0, v17  }
.Ltmp41:
0x383: {  	_ = 	snop;
	(pc) =	sbr.rel .LBB2_57-.Ltmp41, $1  }
0x384: {  	_ =	sdelay $0x3  }
.LBB2_41:
.Ltmp42:
0x385: {  	(pc) =	sbr.rel .LBB2_53-.Ltmp42, $2  }
0x386: {  	_ =	sdelay $0x2  }
0x387: {  	_ = 	snop  }
.LBB2_50:
.Ltmp43:
0x388: {  	(pc) =	sbr.rel .LBB2_64-.Ltmp43, $2  }
0x389: {  	_ =	sdelay $0x2  }
0x38a: {  	_ = 	snop  }
.LBB2_34:
0x38b: {  	s20 =	sadd.s32 $0x1, s20  }
0x38c: {  	p0 =	sne.s32 s20, s19  }
.Ltmp44:
0x38d: {  	_ = 	snop;
	(pc) =	sbr.rel @!p0 .LBB2_35-.Ltmp44, $1  }
0x38e: {  	_ =	sdelay $0x3  }
.LBB2_25:
0x38f: {  	v4 =	vmov s20;
	_ =	sdelay $0x4  }
0x390: {  	v4 =	vld.idx.msk [tilespmem:v4+s11+$0x0], $0xffff;
	_ =	sdelay $0x4  }
0x391: {  	(v2sf) =	vpush v4, $0x0;
	_ =	sdelay $0xe  }
0x392: {  	s0 =	spop (v2sf)  }
0x393: {  	s0 =	sshll.u32 s0, $0x9  }
0x394: {  	s0 =	sshra.s32 s0, $0x2  }
0x395: {  	v13 =	vld [tilespmem:s0+$0x0];
	_ =	sdelay $0x4  }
0x396: {  	(v2sf) =	vpush v13, $0x0  }
0x397: {  	(v2sf) =	vpush v13, $0x1;
	_ =	sdelay $0xd  }
0x398: {  	s25 =	spop (v2sf)  }
0x399: {  	s1 =	spop (v2sf)  }
0x39a: {  	s21 =	sand.u32 $0xFF, s25;
	s22 =	sand.u32 $0xFF, s1  }
0x39b: {  	s7 =	sshrl.u32 s25, $0x10;
	s26 =	sadd.s32 s22, s21  }
0x39c: {  	v14 =	vadd.s32 s7, v3;
	s28 =	sshrl.u32 s1, $0x8;
	s21 =	smax.u32 s21, s4;
	s7 =	smin.u32 s26, s5  }
0x39d: {  	s22 =	sand.u32 $0xFF, s28;
	s7 =	ssub.s32 s7, s21  }
0x39e: {  	s23 =	smul.u32 s22, s7;
	_ =	sdelay $0x1  }
0x39f: {  	s7 =	sshra.s32 s23, $0x1F  }
0x3a0: {  	s0 =	sshrl.u32 s25, $0x8;
	s29 =	sshrl.u32 s7, $0x1E  }
0x3a1: {  	v5 =	vbroadcast v13, $0x4;
	s24 =	sand.u32 $0xFF, s0;
	v4 =	vcvt.s32.f32 v14;
	s0 =	sadd.s32 s29, s23  }
0x3a2: {  	v7 =	vbroadcast v13, $0xA;
	s25 =	sand.u32 $0xFFFFFFFC, s0  }
0x3a3: {  	v8 =	vbroadcast v13, $0x3;
	v6 =	vsub.f32 v4, v5;
	v4 =	vbroadcast v13, $0x7;
	p0 =	slt.s32 s25, $0x1  }
.Ltmp45:
0x3a4: {  	v10 =	vbroadcast v13, $0x5;
	v5 =	vbroadcast v13, $0x9;
	(pc) =	sbr.rel @p0 .LBB2_31-.Ltmp45, $4  }
0x3a5: {  	v11 =	vbroadcast v13, $0x8;
	s1 =	sshrl.u32 s1, $0x10;
	s30 =	sshll.u32 s24, $0x7;
	v4 =	vmul.f32 v6, v4  }
0x3a6: {  	v12 =	vbroadcast v13, $0x6;
	v15 =	vmov s1;
	s31 =	sadd.s32 s6, s30;
	v5 =	vmul.f32 v6, v5  }
0x3a7: {  	v9 =	vadd.s32 s31, v14;
	v4 =	vmul.f32 v4, v6;
	v6 =	vmul.f32 v6, v7  }
0x3a8: {  	v14 =	vand.u32 $0x7F, v14;
	v7 =	vbroadcast v13, $0x2;
	v13 =	vbroadcast v13, $0xB  }
0x3a9: {  	s26 =	simm.s32 $0x0  }
0x3aa: {  	(drf) =	sdivrem.u32 s26, s22  }
0x3ab: {  	s0 =	simm.s32 $0x1  }
0x3ac: {  	(drf) =	sdivrem.u32 s0, s22;
	_ =	sdelay $0x1  }
0x3ad: {  	s1 =	simm.s32 $0x2  }
0x3ae: {  	(drf) =	sdivrem.u32 s1, s22  }
0x3af: {  	s7 =	simm.s32 $0x3  }
0x3b0: {  	(drf) =	sdivrem.u32 s7, s22;
	_ =	sdelay $0x1  }
0x3b1: {  	s8 =	spop (drf)  }
0x3b2: {  	s1 =	spop (drf)  }
0x3b3: {  	s0 =	sadd.s32 s21, s8;
	s28 =	spop (drf)  }
0x3b4: {  	s7 =	sadd.s32 s24, s1;
	v16 =	vmov s0;
	s28 =	sadd.s32 s21, s28  }
0x3b5: {  	s14 =	sshll.u32 s0, $0xE;
	s30 =	sshll.u32 s1, $0x7;
	s31 =	spop (drf);
	v16 =	vcvt.s32.f32 v16;
	v17 =	vmov s7;
	v18 =	vmov s28  }
0x3b6: {  	vm0 =	vgt.u32 v15, v3;
	s0 =	sadd.s32 s14, s30;
	s8 =	spop (drf);
	v17 =	vcvt.s32.f32 v17;
	s29 =	sadd.s32 s24, s31;
	v18 =	vcvt.s32.f32 v18  }
0x3b7: {  	s30 =	sshll.u32 s28, $0xE;
	s26 =	spop (drf);
	v19 =	vbroadcast v16, $0x0;
	v20 =	vmov s29;
	s28 =	sadd.s32 s21, s8;
	v16 =	vadd.s32 s0, v9  }
0x3b8: {  	s14 =	sshll.u32 s31, $0x7;
	s31 =	spop (drf);
	v22 =	vcvt.s32.f32 v20;
	v20 =	vmov s28;
	s8 =	sadd.s32 s24, s26;
	v17 =	vbroadcast v17, $0x0  }
0x3b9: {  	s0 =	sadd.s32 s30, s14;
	v18 =	vbroadcast v18, $0x0;
	s29 =	spop (drf);
	v21 =	vcvt.s32.f32 v20;
	v23 =	vmov s8;
	s1 =	sadd.s32 s21, s31  }
0x3ba: {  	v20 =	vadd.s32 s0, v9;
	s14 =	sadd.s32 s24, s29;
	v23 =	vcvt.s32.f32 v23;
	v25 =	vmov s1  }
0x3bb: {  	v17 =	vsub.f32 v17, v8;
	v22 =	vbroadcast v22, $0x0;
	v24 =	vmov s14  }
0x3bc: {  	v26 =	vbroadcast v21, $0x0;
	v25 =	vcvt.s32.f32 v25;
	v21 =	vsub.f32 v19, v7  }
0x3bd: {  	v28 =	vsub.f32 v18, v7;
	v27 =	vcvt.s32.f32 v24;
	v19 =	vbroadcast v23, $0x0  }
0x3be: {  	v18 =	vmul.f32 v17, v11;
	v24 =	vsub.f32 v26, v7;
	v26 =	vbroadcast v25, $0x0  }
0x3bf: {  	v29 =	vsub.f32 v22, v8;
	v34 =	vmul.f32 v21, v10;
	v23 =	vbroadcast v27, $0x0  }
0x3c0: {  	v36 =	vmul.f32 v28, v10;
	v25 =	vsub.f32 v19, v8;
	v19 =	vmul.f32 v17, v12  }
0x3c1: {  	v37 =	vmul.f32 v29, v11;
	v27 =	vmul.f32 v24, v10;
	v33 =	vsub.f32 v23, v8  }
0x3c2: {  	p1 =	sgt.s32 s25, $0x4;
	s30 =	sshll.u32 s1, $0xE;
	s31 =	sshll.u32 s29, $0x7;
	v39 =	vadd.f32 v18, v34;
	v22 =	vmul.f32 v25, v11;
	v19 =	vadd.f32 v19, v6  }
.Ltmp46:
0x3c3: {  	s0 =	sadd.s32 s30, s31;
	v32 =	vmul.f32 v25, v12;
	v23 =	vsub.f32 v26, v7;
	v35 =	vmul.f32 v33, v12;
	(pc) =	sbr.rel @!p1 .LBB2_27-.Ltmp46, $4  }
0x3c4: {  	v26 =	vadd.s32 s0, v9;
	v36 =	vadd.f32 v37, v36;
	v30 =	vmul.f32 v19, v17  }
0x3c5: {  	v17 =	vmul.f32 v29, v12;
	v22 =	vadd.f32 v22, v27;
	v19 =	vadd.f32 v35, v6  }
0x3c6: {  	v31 =	vmul.f32 v33, v11;
	v38 =	vadd.f32 v36, v5;
	v35 =	vmul.f32 v23, v10  }
0x3c7: {  	p0 =	por $0x0, $0x0;
	s29 =	simm.s32 $0x4;
	v37 =	vadd.f32 v17, v6;
	v36 =	vadd.f32 v22, v5;
	v27 =	vmul.f32 v19, v33  }
0x3c8: {  	(drf) =	sdivrem.u32 s29, s22  }
0x3c9: {  	v17 =	vadd.f32 v39, v5;
	s0 =	simm.s32 $0x5;
	v22 =	vmul.f32 v38, v28;
	v28 =	vadd.f32 v31, v35  }
0x3ca: {  	v19 =	vadd.f32 v32, v6;
	v18 =	vmul.f32 v37, v29;
	(drf) =	sdivrem.u32 s0, s22  }
0x3cb: {  	v17 =	vmul.f32 v17, v21;
	v21 =	vadd.f32 v28, v5  }
0x3cc: {  	s30 =	simm.s32 $0x6;
	v24 =	vmul.f32 v36, v24;
	v19 =	vmul.f32 v19, v25;
	v18 =	vadd.f32 v22, v18  }
0x3cd: {  	v20 =	vand.u32 $0xFFFFFF80, v20;
	(drf) =	sdivrem.u32 s30, s22;
	v17 =	vadd.f32 v17, v30;
	v21 =	vmul.f32 v21, v23  }
0x3ce: {  	s31 =	simm.s32 $0x7;
	v16 =	vand.u32 $0xFFFFFF80, v16;
	v19 =	vadd.f32 v24, v19;
	v18 =	vadd.f32 v18, v4  }
0x3cf: {  	v22 =	vand.u32 $0xFFFFFF80, v26;
	(drf) =	sdivrem.u32 s31, s22;
	v17 =	vadd.f32 v17, v4;
	v21 =	vadd.f32 v21, v27  }
0x3d0: {  	s1 =	sshll.u32 s28, $0xE;
	s7 =	sshll.u32 s26, $0x7;
	v23 =	vadd.f32 v19, v4;
	v19 =	vor.u32 v14, v22;
	v27 =	vor.u32 v14, v20  }
0x3d1: {  	s7 =	sadd.s32 s1, s7;
	v25 =	vmul.f32 $1.442695020e+00, v17;
	v17 =	vor.u32 v14, v16;
	v16 =	vadd.f32 v21, v4;
	s8 =	spop (drf)  }
0x3d2: {  	v24 =	vmul.f32 $1.442695020e+00, v18;
	v18 =	vadd.s32 s7, v9;
	v20 =	vmul.f32 $1.442695020e+00, v23;
	s14 =	spop (drf);
	s0 =	sadd.s32 s21, s8  }
0x3d3: {  	(erf) = vpow2.f32 v25;
	v16 =	vmul.f32 $1.442695020e+00, v16;
	v21 =	vmov s0;
	s26 =	sadd.s32 s24, s14;
	s30 =	spop (drf)  }
0x3d4: {  	(erf) = vpow2.f32 v24;
	v21 =	vcvt.s32.f32 v21;
	v22 =	vmov s26;
	s31 =	spop (drf);
	s26 =	sadd.s32 s21, s30  }
0x3d5: {  	s0 =	sshll.u32 s0, $0xE;
	s1 =	sshll.u32 s14, $0x7;
	(erf) = vpow2.f32 v20;
	v22 =	vcvt.s32.f32 v22;
	v20 =	vmov s26;
	s8 =	sadd.s32 s24, s31  }
0x3d6: {  	s0 =	sadd.s32 s0, s1;
	s28 =	spop (drf);
	(erf) = vpow2.f32 v16;
	v20 =	vcvt.s32.f32 v20;
	v23 =	vmov s8  }
0x3d7: {  	s14 =	sshll.u32 s26, $0xE;
	v16 =	vadd.s32 s0, v9;
	v21 =	vbroadcast v21, $0x0;
	s26 =	spop (drf);
	s28 =	sadd.s32 s21, s28;
	v23 =	vcvt.s32.f32 v23  }
0x3d8: {  	s30 =	sshll.u32 s31, $0x7;
	v24 =	vmov s28;
	s31 =	sadd.s32 s24, s26;
	s29 =	spop (drf);
	v29 =	vbroadcast v22, $0x0;
	v26 =	vbroadcast v20, $0x0  }
0x3d9: {  	s0 =	sadd.s32 s14, s30;
	v24 =	vcvt.s32.f32 v24;
	v25 =	vmov s31;
	s8 =	spop (drf);
	s14 =	sadd.s32 s21, s29;
	v21 =	vsub.f32 v21, v7  }
0x3da: {  	v25 =	vcvt.s32.f32 v25;
	v28 =	vmov s14;
	s30 =	sadd.s32 s24, s8;
	v33 =	vsub.f32 v29, v8  }
0x3db: {  	v28 =	vcvt.s32.f32 v28;
	v22 =	vmov s30;
	v24 =	vbroadcast v24, $0x0  }
0x3dc: {  	v18 =	vand.u32 $0xFFFFFF80, v18;
	v59 =	vmul.f32 v21, v10;
	v30 =	vcvt.s32.f32 v22  }
0x3dd: {  	v25 =	vbroadcast v25, $0x0;
	v56 =	vmul.f32 v33, v12;
	v24 =	vsub.f32 v24, v7  }
0x3de: {  	v18 =	vor.u32 v14, v18;
	v40 =	vmul.f32 v33, v11;
	v28 =	vbroadcast v28, $0x0;
	v22 =	vpop (erf)  }
0x3df: {  	v30 =	vbroadcast v30, $0x0;
	v25 =	vsub.f32 v25, v8;
	v29 =	vpop (erf);
	v57 =	vmul.f32 v24, v10  }
0x3e0: {  	v20 =	vadd.s32 s0, v9;
	v34 =	vmul.f32 v29, v13;
	v29 =	vbroadcast v23, $0x0  }
0x3e1: {  	v23 =	vsub.f32 v28, v7;
	v58 =	vsub.f32 v30, v8;
	v60 =	vmul.f32 v25, v11  }
0x3e2: {  	v28 =	vsub.f32 v26, v7;
	v32 =	vmul.f32 v25, v12;
	v29 =	vsub.f32 v29, v8  }
0x3e3: {  	p1 =	sgt.s32 s25, $0x8;
	s31 =	sshll.u32 s14, $0xE;
	s1 =	sshll.u32 s8, $0x7;
	v39 =	vadd.f32 v40, v59;
	v31 =	vmul.f32 v58, v11;
	v61 =	vmul.f32 v58, v12  }
.Ltmp47:
0x3e4: {  	s0 =	sadd.s32 s31, s1;
	v30 =	vadd.f32 v56, v6;
	v41 =	vmul.f32 v28, v10;
	v42 =	vmul.f32 v29, v11;
	(pc) =	sbr.rel @!p1 .LBB2_44-.Ltmp47, $4  }
0x3e5: {  	v26 =	vadd.s32 s0, v9;
	[tilespmem:v27+s12+$0x0] =	vst.idx.add.f32.msk vm0, v34;
	v36 =	vadd.f32 v60, v57;
	v27 =	vmul.f32 v29, v12  }
0x3e6: {  	v30 =	vmul.f32 v30, v33;
	v33 =	vpop (erf);
	v62 =	vadd.f32 v61, v6;
	v41 =	vadd.f32 v42, v41  }
0x3e7: {  	v35 =	vmul.f32 v23, v10;
	v63 =	vpop (erf);
	v36 =	vadd.f32 v36, v5;
	v37 =	vadd.f32 v27, v6  }
0x3e8: {  	p0 =	por $0x1, $0x1;
	s29 =	simm.s32 $0x8;
	v34 =	vmul.f32 v63, v13;
	v27 =	vmul.f32 v62, v58;
	v38 =	vadd.f32 v41, v5  }
.LBB2_43:
0x3e9: {  	(drf) =	sdivrem.u32 s29, s22;
	v39 =	vadd.f32 v39, v5;
	v29 =	vmul.f32 v37, v29;
	v32 =	vadd.f32 v32, v6;
	s0 =	smov.u32 s29;
	s29 =	sadd.s32 $0x4, s29  }
0x3ea: {  	v31 =	vadd.f32 v31, v35;
	s1 =	sadd.s32 $0x1, s0;
	p1 =	slt.s32 s29, s25;
	v28 =	vmul.f32 v38, v28;
	v24 =	vmul.f32 v36, v24  }
0x3eb: {  	v26 =	vand.u32 $0xFFFFFF80, v26;
	(drf) =	sdivrem.u32 s1, s22;
	s1 =	sadd.s32 $0x2, s0;
	v21 =	vmul.f32 v39, v21;
	v25 =	vmul.f32 v32, v25;
	[tilespmem:v19+s12+$0x0] =	vst.idx.add.f32.msk vm0, v34  }
0x3ec: {  	s0 =	sadd.s32 $0x3, s0;
	(drf) =	sdivrem.u32 s1, s22;
	v19 =	vadd.f32 v28, v29;
	v28 =	vadd.f32 v31, v5;
	v29 =	vmul.f32 v33, v13  }
0x3ed: {  	v22 =	vmul.f32 v22, v13;
	(drf) =	sdivrem.u32 s0, s22;
	v21 =	vadd.f32 v21, v30;
	v24 =	vadd.f32 v24, v25  }
0x3ee: {  	v20 =	vand.u32 $0xFFFFFF80, v20;
	s1 =	sshll.u32 s26, $0x7;
	s0 =	sshll.u32 s28, $0xE;
	v19 =	vadd.f32 v19, v4;
	v23 =	vmul.f32 v28, v23;
	[tilespmem:v18+s12+$0x0] =	vst.idx.add.f32.msk vm0, v29  }
0x3ef: {  	v16 =	vand.u32 $0xFFFFFF80, v16;
	s0 =	sadd.s32 s0, s1;
	v18 =	vadd.f32 v21, v4;
	v21 =	vadd.f32 v24, v4;
	[tilespmem:v17+s12+$0x0] =	vst.idx.add.f32.msk vm0, v22  }
0x3f0: {  	v17 =	vadd.s32 s0, v9;
	v22 =	vmul.f32 $1.442695020e+00, v19;
	v23 =	vadd.f32 v23, v27  }
0x3f1: {  	v19 =	vor.u32 v14, v26;
	v24 =	vmul.f32 $1.442695020e+00, v18;
	v18 =	vand.u32 $0xFFFFFF80, v17  }
0x3f2: {  	v17 =	vor.u32 v14, v16;
	s0 =	spop (drf);
	v18 =	vor.u32 v14, v18;
	v16 =	vadd.f32 v23, v4  }
0x3f3: {  	v27 =	vor.u32 v14, v20;
	v20 =	vmul.f32 $1.442695020e+00, v21;
	s1 =	spop (drf);
	s0 =	sadd.s32 s21, s0;
	(erf) = vpow2.f32 v24  }
0x3f4: {  	v21 =	vmov s0;
	s7 =	sadd.s32 s24, s1;
	s0 =	sshll.u32 s0, $0xE;
	s26 =	spop (drf);
	(erf) = vpow2.f32 v22;
	v16 =	vmul.f32 $1.442695020e+00, v16  }
0x3f5: {  	s1 =	sshll.u32 s1, $0x7;
	v21 =	vcvt.s32.f32 v21;
	v22 =	vmov s7;
	s7 =	spop (drf);
	s26 =	sadd.s32 s21, s26;
	(erf) = vpow2.f32 v20  }
0x3f6: {  	s0 =	sadd.s32 s0, s1;
	v22 =	vcvt.s32.f32 v22;
	v20 =	vmov s26;
	s1 =	sadd.s32 s24, s7;
	s28 =	spop (drf);
	(erf) = vpow2.f32 v16  }
0x3f7: {  	v21 =	vbroadcast v21, $0x0;
	v20 =	vcvt.s32.f32 v20;
	v23 =	vmov s1;
	s1 =	sshll.u32 s26, $0xE;
	s26 =	spop (drf);
	s28 =	sadd.s32 s21, s28  }
0x3f8: {  	v16 =	vadd.s32 s0, v9;
	s0 =	sshll.u32 s7, $0x7;
	v23 =	vcvt.s32.f32 v23;
	v24 =	vmov s28;
	s7 =	sadd.s32 s24, s26;
	s30 =	spop (drf)  }
0x3f9: {  	s0 =	sadd.s32 s1, s0;
	v26 =	vbroadcast v20, $0x0;
	v24 =	vcvt.s32.f32 v24;
	v25 =	vmov s7;
	s1 =	spop (drf);
	s7 =	sadd.s32 s21, s30  }
0x3fa: {  	v20 =	vadd.s32 s0, v9;
	v25 =	vcvt.s32.f32 v25;
	v28 =	vmov s7;
	s0 =	sadd.s32 s24, s1;
	s7 =	sshll.u32 s7, $0xE;
	s1 =	sshll.u32 s1, $0x7  }
0x3fb: {  	v32 =	vbroadcast v22, $0x0;
	v28 =	vcvt.s32.f32 v28;
	v31 =	vmov s0;
	s0 =	sadd.s32 s7, s1  }
0x3fc: {  	v21 =	vsub.f32 v21, v7;
	v24 =	vbroadcast v24, $0x0;
	v30 =	vcvt.s32.f32 v31;
	v22 =	vpop (erf)  }
0x3fd: {  	v33 =	vsub.f32 v32, v8;
	v25 =	vbroadcast v25, $0x0;
	v28 =	vbroadcast v28, $0x0;
	v29 =	vpop (erf)  }
0x3fe: {  	v24 =	vsub.f32 v24, v7;
	v30 =	vbroadcast v30, $0x0;
	v34 =	vmul.f32 v29, v13  }
0x3ff: {  	v35 =	vmul.f32 v33, v12;
	v29 =	vbroadcast v23, $0x0;
	v25 =	vsub.f32 v25, v8  }
0x400: {  	v36 =	vmul.f32 v24, v10;
	v23 =	vsub.f32 v28, v7;
	v38 =	vsub.f32 v30, v8  }
0x401: {  	v37 =	vmul.f32 v21, v10;
	v29 =	vsub.f32 v29, v8;
	v39 =	vmul.f32 v25, v11  }
0x402: {  	v28 =	vsub.f32 v26, v7;
	v32 =	vmul.f32 v25, v12;
	v31 =	vmul.f32 v38, v11  }
0x403: {  	v40 =	vmul.f32 v33, v11;
	v30 =	vadd.f32 v35, v6;
	v35 =	vmul.f32 v38, v12  }
.Ltmp48:
0x404: {  	v26 =	vadd.s32 s0, v9;
	v41 =	vmul.f32 v28, v10;
	v42 =	vmul.f32 v29, v11;
	[tilespmem:v27+s12+$0x0] =	vst.idx.add.f32.msk vm0, v34;
	(pc) =	sbr.rel @p1 .LBB2_43-.Ltmp48, $4  }
0x405: {  	v30 =	vmul.f32 v30, v33;
	v27 =	vmul.f32 v29, v12;
	v43 =	vadd.f32 v35, v6  }
0x406: {  	v36 =	vadd.f32 v39, v36;
	v41 =	vadd.f32 v42, v41;
	v35 =	vmul.f32 v23, v10;
	v33 =	vpop (erf)  }
0x407: {  	v39 =	vadd.f32 v40, v37;
	v37 =	vadd.f32 v27, v6;
	v27 =	vmul.f32 v43, v38;
	v34 =	vpop (erf)  }
0x408: {  	v36 =	vadd.f32 v36, v5;
	v38 =	vadd.f32 v41, v5;
	v34 =	vmul.f32 v34, v13  }
.LBB2_44:
0x409: {  	v39 =	vadd.f32 v39, v5  }
0x40a: {  	v31 =	vadd.f32 v31, v35  }
0x40b: {  	v32 =	vadd.f32 v32, v6;
	v21 =	vmul.f32 v39, v21  }
0x40c: {  	v29 =	vmul.f32 v37, v29;
	v28 =	vmul.f32 v38, v28;
	v31 =	vadd.f32 v31, v5  }
0x40d: {  	v24 =	vmul.f32 v36, v24;
	v25 =	vmul.f32 v32, v25;
	v21 =	vadd.f32 v21, v30  }
0x40e: {  	v28 =	vadd.f32 v28, v29;
	v23 =	vmul.f32 v31, v23  }
0x40f: {  	v24 =	vadd.f32 v24, v25;
	v21 =	vadd.f32 v21, v4  }
0x410: {  	v53 =	vadd.f32 v28, v4;
	v23 =	vadd.f32 v23, v27  }
0x411: {  	v24 =	vadd.f32 v24, v4;
	v21 =	vmul.f32 $1.442695020e+00, v21  }
0x412: {  	v25 =	vmul.f32 $1.442695020e+00, v53;
	v23 =	vadd.f32 v23, v4  }
0x413: {  	v54 =	vmul.f32 $1.442695020e+00, v24;
	(erf) = vpow2.f32 v21  }
0x414: {  	v23 =	vmul.f32 $1.442695020e+00, v23;
	(erf) = vpow2.f32 v25  }
0x415: {  	(erf) = vpow2.f32 v54  }
0x416: {  	(erf) = vpow2.f32 v23;
	_ =	sdelay $0x3  }
0x417: {  	s0 =	sshll.u32 s28, $0xE;
	s1 =	sshll.u32 s26, $0x7  }
0x418: {  	v20 =	vand.u32 $0xFFFFFF80, v20;
	s0 =	sadd.s32 s0, s1  }
0x419: {  	v55 =	vand.u32 $0xFFFFFF80, v26;
	v20 =	vor.u32 v14, v20;
	v56 =	vadd.s32 s0, v9;
	v57 =	vpop (erf)  }
0x41a: {  	[tilespmem:v19+s12+$0x0] =	vst.idx.add.f32.msk @p0 vm0, v34;
	v19 =	vmul.f32 @p0 v22, v13;
	v21 =	vor.u32 v14, v55;
	v23 =	vand.u32 $0xFFFFFF80, v56;
	v58 =	vpop (erf)  }
0x41b: {  	v16 =	vand.u32 $0xFFFFFF80, v16;
	v25 =	vmul.f32 @p0 v33, v13;
	v59 =	vor.u32 v14, v23;
	v60 =	vpop (erf)  }
0x41c: {  	v16 =	vor.u32 v14, v16;
	[tilespmem:v17+s12+$0x0] =	vst.idx.add.f32.msk @p0 vm0, v19;
	v61 =	vmul.f32 v58, v13;
	v62 =	vpop (erf)  }
0x41d: {  	[tilespmem:v18+s12+$0x0] =	vst.idx.add.f32.msk @p0 vm0, v25;
	v17 =	vmul.f32 v62, v13  }
0x41e: {  	v63 =	vmul.f32 v60, v13;
	[tilespmem:v20+s12+$0x0] =	vst.idx.add.f32.msk vm0, v61  }
0x41f: {  	[tilespmem:v21+s12+$0x0] =	vst.idx.add.f32.msk vm0, v17;
	v17 =	vmul.f32 v57, v13  }
0x420: {  	[tilespmem:v59+s12+$0x0] =	vst.idx.add.f32.msk vm0, v63  }
0x421: {  	[tilespmem:v16+s12+$0x0] =	vst.idx.add.f32.msk vm0, v17  }
.LBB2_31:
0x422: {  	s26 =	ssub.s32 s23, s25  }
0x423: {  	p0 =	slt.s32 s26, $0x1  }
.Ltmp49:
0x424: {  	_ = 	snop;
	(pc) =	sbr.rel @p0 .LBB2_34-.Ltmp49, $1  }
0x425: {  	_ =	sdelay $0x3  }
0x426: {  	s0 =	sshll.u32 s22, $0x7;
	s1 =	sshll.u32 s23, $0x7;
	s7 =	sshll.u32 s26, $0x7  }
0x427: {  	s29 =	ssub.s32 $0x0, s22;
	vm0 =	vgt.u32 v15, v3;
	s26 =	ssub.s32 $0x0, s0;
	s28 =	ssub.s32 s1, s7  }
.LBB2_33:
0x428: {  	s0 =	sshra.s32 s25, $0x1F  }
0x429: {  	s1 =	sxor.u32 s0, s25  }
0x42a: {  	s1 =	ssub.s32 s1, s0  }
0x42b: {  	(drf) =	sdiv.u32 s1, s22;
	_ =	sdelay $0x8  }
0x42c: {  	s1 =	spop (drf)  }
0x42d: {  	s1 =	sxor.u32 s0, s1  }
0x42e: {  	s0 =	ssub.s32 s1, s0  }
0x42f: {  	s1 =	smul.u32 s0, s29  }
0x430: {  	s7 =	sadd.s32 s25, s24  }
0x431: {  	s30 =	sadd.s32 s21, s0;
	s1 =	sadd.s32 s1, s7  }
0x432: {  	v15 =	vmov s30;
	v16 =	vmov s1  }
0x433: {  	v15 =	vcvt.s32.f32 v15;
	v16 =	vcvt.s32.f32 v16;
	_ =	sdelay $0x1  }
0x434: {  	v15 =	vbroadcast v15, $0x0;
	v16 =	vbroadcast v16, $0x0;
	_ =	sdelay $0x1  }
0x435: {  	v15 =	vsub.f32 v15, v7;
	v16 =	vsub.f32 v16, v8;
	_ =	sdelay $0x1  }
0x436: {  	v17 =	vmul.f32 v15, v10;
	v18 =	vmul.f32 v16, v11;
	_ =	sdelay $0x1  }
0x437: {  	v62 =	vmul.f32 v16, v12;
	v17 =	vadd.f32 v18, v17;
	_ =	sdelay $0x1  }
0x438: {  	v18 =	vadd.f32 v62, v6;
	v17 =	vadd.f32 v17, v5;
	_ =	sdelay $0x1  }
0x439: {  	v16 =	vmul.f32 v18, v16;
	v15 =	vmul.f32 v17, v15;
	_ =	sdelay $0x1  }
0x43a: {  	v15 =	vadd.f32 v15, v16;
	_ =	sdelay $0x1  }
0x43b: {  	v15 =	vadd.f32 v15, v4;
	_ =	sdelay $0x1  }
0x43c: {  	v15 =	vmul.f32 $1.442695020e+00, v15;
	_ =	sdelay $0x1  }
0x43d: {  	(erf) = vpow2.f32 v15  }
0x43e: {  	s0 =	smul.u32 s0, s26;
	_ =	sdelay $0x1  }
0x43f: {  	s31 =	sshll.u32 s30, $0xE;
	s0 =	sadd.s32 s0, s28  }
0x440: {  	s0 =	sadd.s32 s31, s0  }
0x441: {  	v15 =	vadd.s32 s0, v9  }
0x442: {  	s25 =	sadd.s32 $0x1, s25;
	v15 =	vand.u32 $0xFFFFFF80, v15  }
0x443: {  	p0 =	slt.s32 s25, s23;
	v15 =	vor.u32 v14, v15  }
.Ltmp50:
0x444: {  	_ = 	snop;
	(pc) =	sbr.rel @p0 .LBB2_33-.Ltmp50, $3  }
0x445: {  	v63 =	vpop (erf)  }
0x446: {  	v16 =	vmul.f32 v63, v13;
	_ =	sdelay $0x1  }
0x447: {  	s28 =	sadd.s32 $0x80, s28;
	[tilespmem:v15+s12+$0x0] =	vst.idx.add.f32.msk vm0, v16  }
.Ltmp51:
0x448: {  	_ = 	snop;
	(pc) =	sbr.rel .LBB2_34-.Ltmp51, $1  }
0x449: {  	_ =	sdelay $0x3  }
.LBB2_27:
.Ltmp52:
0x44a: {  	(pc) =	sbr.rel .LBB2_44-.Ltmp52, $2  }
0x44b: {  	_ =	sdelay $0x2  }
0x44c: {  	_ = 	snop  }
.LBB2_58:
0x44d: {  	p0 =	sge.s32 s19, s18  }
.Ltmp53:
0x44e: {  	_ = 	snop;
	(pc) =	sbr.rel @p0 .LBB2_69-.Ltmp53, $4  }
.Ltmp54:
0x44f: {  	_ = 	snop;
	(pc) =	sbr.rel @!p0 .LBB2_59-.Ltmp54, $4  }
0x450: {  	_ = 	snop  }
0x451: {  	_ = 	snop  }
0x452: {  	_ = 	snop  }
0x453: {  	_ = 	snop  }
.LBB2_68:
0x454: {  	s19 =	sadd.s32 $0x1, s19  }
0x455: {  	p0 =	sne.s32 s19, s18  }
.Ltmp55:
0x456: {  	_ = 	snop;
	(pc) =	sbr.rel @!p0 .LBB2_69-.Ltmp55, $1  }
0x457: {  	_ =	sdelay $0x3  }
.LBB2_59:
0x458: {  	v4 =	vmov s19;
	_ =	sdelay $0x4  }
0x459: {  	v4 =	vld.idx.msk [tilespmem:v4+s11+$0x0], $0xffff;
	_ =	sdelay $0x4  }
0x45a: {  	(v2sf) =	vpush v4, $0x0;
	_ =	sdelay $0xe  }
0x45b: {  	s0 =	spop (v2sf)  }
0x45c: {  	s0 =	sshll.u32 s0, $0x9  }
0x45d: {  	s0 =	sshra.s32 s0, $0x2  }
0x45e: {  	v14 =	vld [tilespmem:s0+$0x5000];
	_ =	sdelay $0x4  }
0x45f: {  	(v2sf) =	vpush v14, $0x0  }
0x460: {  	(v2sf) =	vpush v14, $0x1;
	_ =	sdelay $0xd  }
0x461: {  	s25 =	spop (v2sf)  }
0x462: {  	s1 =	spop (v2sf)  }
0x463: {  	s8 =	sand.u32 $0xFF, s25;
	s14 =	sand.u32 $0xFF, s1  }
0x464: {  	s7 =	sshrl.u32 s25, $0x10;
	s26 =	sadd.s32 s14, s8  }
0x465: {  	v15 =	vadd.s32 s7, v3;
	s28 =	sshrl.u32 s1, $0x8;
	s20 =	smax.u32 s8, s4;
	s7 =	smin.u32 s26, s5  }
0x466: {  	s21 =	sand.u32 $0xFF, s28;
	s7 =	ssub.s32 s7, s20  }
0x467: {  	s22 =	smul.u32 s21, s7;
	_ =	sdelay $0x1  }
0x468: {  	s7 =	sshra.s32 s22, $0x1F  }
0x469: {  	s0 =	sshrl.u32 s25, $0x8;
	s29 =	sshrl.u32 s7, $0x1E  }
0x46a: {  	v5 =	vbroadcast v14, $0x4;
	s23 =	sand.u32 $0xFF, s0;
	v4 =	vcvt.s32.f32 v15;
	s0 =	sadd.s32 s29, s22  }
0x46b: {  	v7 =	vbroadcast v14, $0xA;
	v8 =	vbroadcast v14, $0x2;
	s24 =	sand.u32 $0xFFFFFFFC, s0  }
0x46c: {  	v9 =	vbroadcast v14, $0x3;
	v6 =	vsub.f32 v4, v5;
	v4 =	vbroadcast v14, $0x7;
	p0 =	slt.s32 s24, $0x1  }
.Ltmp56:
0x46d: {  	v11 =	vbroadcast v14, $0x5;
	v5 =	vbroadcast v14, $0x9;
	(pc) =	sbr.rel @p0 .LBB2_65-.Ltmp56, $4  }
0x46e: {  	v12 =	vbroadcast v14, $0x8;
	s30 =	sshll.u32 s23, $0x7;
	v4 =	vmul.f32 v6, v4  }
0x46f: {  	v13 =	vbroadcast v14, $0x6;
	s31 =	sadd.s32 s6, s30;
	v5 =	vmul.f32 v6, v5  }
0x470: {  	s1 =	sshrl.u32 s1, $0x10;
	v10 =	vadd.s32 s31, v15;
	v4 =	vmul.f32 v4, v6;
	v6 =	vmul.f32 v6, v7  }
0x471: {  	v14 =	vbroadcast v14, $0xB;
	v15 =	vand.u32 $0x7F, v15;
	v7 =	vmov s1  }
0x472: {  	s25 =	simm.s32 $0x0  }
0x473: {  	(drf) =	sdivrem.u32 s25, s21  }
0x474: {  	s0 =	simm.s32 $0x1  }
0x475: {  	(drf) =	sdivrem.u32 s0, s21  }
0x476: {  	s14 =	simm.s32 $0x2  }
0x477: {  	(drf) =	sdivrem.u32 s14, s21  }
0x478: {  	s25 =	simm.s32 $0x3  }
0x479: {  	(drf) =	sdivrem.u32 s25, s21;
	_ =	sdelay $0x2  }
0x47a: {  	s26 =	spop (drf)  }
0x47b: {  	s1 =	spop (drf)  }
0x47c: {  	s0 =	sadd.s32 s20, s26;
	s7 =	spop (drf)  }
0x47d: {  	s8 =	sadd.s32 s23, s1;
	v17 =	vmov s0;
	s14 =	spop (drf);
	s7 =	sadd.s32 s20, s7  }
0x47e: {  	v16 =	vmov s8;
	v17 =	vcvt.s32.f32 v17;
	s29 =	sadd.s32 s23, s14;
	s30 =	spop (drf);
	v19 =	vmov s7  }
0x47f: {  	v16 =	vcvt.s32.f32 v16;
	v18 =	vmov s29;
	s26 =	spop (drf);
	s25 =	sadd.s32 s20, s30;
	v19 =	vcvt.s32.f32 v19  }
0x480: {  	v17 =	vbroadcast v17, $0x0;
	v18 =	vcvt.s32.f32 v18;
	s31 =	spop (drf);
	v20 =	vmov s25  }
0x481: {  	s1 =	sshll.u32 s1, $0x7;
	v16 =	vbroadcast v16, $0x0;
	s28 =	sadd.s32 s23, s26;
	s29 =	spop (drf);
	v21 =	vcvt.s32.f32 v20  }
0x482: {  	s0 =	sshll.u32 s0, $0xE;
	v20 =	vmov s28;
	s8 =	sadd.s32 s20, s31;
	v25 =	vbroadcast v19, $0x0;
	v18 =	vbroadcast v18, $0x0;
	s28 =	sadd.s32 s23, s29  }
0x483: {  	s0 =	sadd.s32 s0, s1;
	v22 =	vcvt.s32.f32 v20;
	v20 =	vmov s8;
	v23 =	vmov s28  }
0x484: {  	v28 =	vadd.s32 s0, v10;
	v24 =	vcvt.s32.f32 v20;
	v23 =	vcvt.s32.f32 v23  }
0x485: {  	v20 =	vsub.f32 v16, v9;
	v16 =	vbroadcast v21, $0x0;
	v19 =	vbroadcast v22, $0x0  }
0x486: {  	v25 =	vsub.f32 v25, v8;
	v21 =	vsub.f32 v18, v9;
	v18 =	vbroadcast v23, $0x0  }
0x487: {  	v16 =	vsub.f32 v16, v8;
	v23 =	vbroadcast v24, $0x0;
	v22 =	vsub.f32 v19, v9  }
0x488: {  	s7 =	sshll.u32 s7, $0xE;
	s14 =	sshll.u32 s14, $0x7;
	v27 =	vmul.f32 v20, v12;
	v19 =	vand.u32 $0xFFFFFF80, v28;
	v24 =	vsub.f32 v18, v9  }
0x489: {  	s0 =	sadd.s32 s7, s14;
	v26 =	vsub.f32 v23, v8;
	v23 =	vmul.f32 v16, v11;
	v28 =	vmul.f32 v22, v12  }
0x48a: {  	p1 =	sgt.s32 s24, $0x4;
	v31 =	vadd.s32 s0, v10;
	v35 =	vmul.f32 v25, v11;
	v18 =	vmul.f32 v21, v12  }
.Ltmp57:
0x48b: {  	v33 =	vmul.f32 v22, v13;
	v30 =	vmul.f32 v24, v12;
	v34 =	vadd.f32 v28, v23;
	(pc) =	sbr.rel @!p1 .LBB2_61-.Ltmp57, $4  }
0x48c: {  	v29 =	vmul.f32 v24, v13;
	v32 =	vmul.f32 v26, v11;
	v28 =	vsub.f32 v17, v8  }
0x48d: {  	s30 =	sshll.u32 s8, $0xE;
	s31 =	sshll.u32 s29, $0x7;
	v17 =	vmul.f32 v21, v13;
	v23 =	vand.u32 $0xFFFFFF80, v31;
	v34 =	vadd.f32 v34, v5  }
0x48e: {  	s0 =	sadd.s32 s30, s31;
	v35 =	vadd.f32 v18, v35;
	v37 =	vadd.f32 v30, v32;
	v36 =	vmul.f32 v28, v11  }
0x48f: {  	p0 =	por $0x0, $0x0;
	s26 =	sshll.u32 s26, $0x7;
	s28 =	simm.s32 $0x4;
	v31 =	vadd.f32 v17, v6;
	v32 =	vadd.s32 s0, v10;
	v30 =	vmul.f32 v34, v16  }
0x490: {  	(drf) =	sdivrem.u32 s28, s21;
	v16 =	vmul.f32 v20, v13;
	v17 =	vadd.f32 v37, v5  }
0x491: {  	s0 =	simm.s32 $0x5;
	v18 =	vadd.f32 v29, v6;
	v27 =	vadd.f32 v27, v36  }
0x492: {  	(drf) =	sdivrem.u32 s0, s21;
	v16 =	vadd.f32 v16, v6;
	v17 =	vmul.f32 v17, v26  }
0x493: {  	v18 =	vmul.f32 v18, v24;
	v26 =	vadd.f32 v35, v5;
	v27 =	vadd.f32 v27, v5  }
0x494: {  	v29 =	vadd.f32 v33, v6;
	s8 =	simm.s32 $0x6;
	v21 =	vmul.f32 v31, v21;
	v20 =	vmul.f32 v16, v20  }
0x495: {  	(drf) =	sdivrem.u32 s8, s21;
	v16 =	vadd.f32 v17, v18;
	v18 =	vmul.f32 v27, v28;
	v25 =	vmul.f32 v26, v25  }
0x496: {  	s1 =	sshll.u32 s25, $0xE;
	s25 =	simm.s32 $0x7;
	vm0 =	vgt.u32 v7, v3;
	v22 =	vmul.f32 v29, v22  }
0x497: {  	v24 =	vand.u32 $0xFFFFFF80, v32;
	(drf) =	sdivrem.u32 s25, s21;
	v18 =	vadd.f32 v18, v20;
	v20 =	vadd.f32 v25, v21  }
0x498: {  	v26 =	vadd.f32 v16, v4;
	v16 =	vor.u32 v15, v24;
	v21 =	vadd.f32 v30, v22  }
0x499: {  	s14 =	sadd.s32 s1, s26;
	v30 =	vor.u32 v15, v19;
	v22 =	vadd.f32 v18, v4;
	v20 =	vadd.f32 v20, v4;
	s26 =	spop (drf)  }
0x49a: {  	v18 =	vor.u32 v15, v23;
	v19 =	vadd.f32 v21, v4;
	v59 =	vmul.f32 $1.442695020e+00, v26;
	s1 =	spop (drf);
	s0 =	sadd.s32 s20, s26  }
0x49b: {  	v22 =	vmul.f32 $1.442695020e+00, v22;
	v25 =	vmul.f32 $1.442695020e+00, v20;
	v23 =	vmov s0;
	s7 =	sadd.s32 s23, s1;
	s8 =	spop (drf)  }
0x49c: {  	v19 =	vmul.f32 $1.442695020e+00, v19;
	v23 =	vcvt.s32.f32 v23;
	v21 =	vmov s7;
	s8 =	sadd.s32 s20, s8  }
0x49d: {  	s7 =	spop (drf);
	(erf) = vpow2.f32 v22;
	v21 =	vcvt.s32.f32 v21;
	v24 =	vmov s8  }
0x49e: {  	v17 =	vadd.s32 s14, v10;
	s14 =	sadd.s32 s23, s7;
	s29 =	spop (drf);
	(erf) = vpow2.f32 v25;
	v24 =	vcvt.s32.f32 v24  }
0x49f: {  	v20 =	vmov s14;
	s26 =	spop (drf);
	s25 =	sadd.s32 s20, s29;
	(erf) = vpow2.f32 v19;
	v23 =	vbroadcast v23, $0x0  }
0x4a0: {  	v21 =	vbroadcast v21, $0x0;
	v20 =	vcvt.s32.f32 v20;
	v27 =	vmov s25;
	s28 =	spop (drf)  }
0x4a1: {  	v17 =	vand.u32 $0xFFFFFF80, v17;
	s30 =	sadd.s32 s23, s26;
	(erf) = vpow2.f32 v59;
	v27 =	vcvt.s32.f32 v27;
	s28 =	sadd.s32 s20, s28  }
0x4a2: {  	v28 =	vmov s30;
	s31 =	spop (drf);
	v22 =	vbroadcast v20, $0x0;
	v20 =	vmov s28  }
0x4a3: {  	v17 =	vor.u32 v15, v17;
	v28 =	vcvt.s32.f32 v28;
	s29 =	sadd.s32 s23, s31;
	v29 =	vcvt.s32.f32 v20  }
0x4a4: {  	s1 =	sshll.u32 s1, $0x7;
	s0 =	sshll.u32 s0, $0xE;
	v31 =	vmov s29;
	v20 =	vsub.f32 v21, v9;
	v26 =	vbroadcast v27, $0x0  }
0x4a5: {  	s0 =	sadd.s32 s0, s1;
	v27 =	vcvt.s32.f32 v31;
	v31 =	vbroadcast v24, $0x0;
	v21 =	vsub.f32 v22, v9  }
0x4a6: {  	v25 =	vbroadcast v28, $0x0;
	v22 =	vbroadcast v29, $0x0;
	v29 =	vadd.s32 s0, v10  }
0x4a7: {  	s8 =	sshll.u32 s8, $0xE;
	s29 =	sshll.u32 s7, $0x7;
	v34 =	vsub.f32 v26, v8;
	v24 =	vbroadcast v27, $0x0;
	v27 =	vmul.f32 v20, v12  }
0x4a8: {  	s0 =	sadd.s32 s8, s29;
	v60 =	vmul.f32 v21, v12;
	v26 =	vsub.f32 v22, v8;
	v22 =	vsub.f32 v25, v9  }
0x4a9: {  	s30 =	sshll.u32 s28, $0xE;
	s31 =	sshll.u32 s31, $0x7;
	v19 =	vand.u32 $0xFFFFFF80, v29;
	v62 =	vadd.s32 s0, v10;
	v40 =	vmul.f32 v21, v13  }
0x4aa: {  	v39 =	vpop (erf);
	s0 =	sadd.s32 s30, s31;
	v28 =	vmul.f32 v34, v11;
	v25 =	vsub.f32 v31, v8;
	v31 =	vmul.f32 v22, v12  }
0x4ab: {  	p1 =	sgt.s32 s24, $0x8;
	v39 =	vmul.f32 v39, v14;
	v32 =	vadd.s32 s0, v10;
	v24 =	vsub.f32 v24, v9  }
.Ltmp58:
0x4ac: {  	v63 =	vmul.f32 v26, v11;
	v38 =	vmul.f32 v25, v11;
	v31 =	vadd.f32 v31, v28;
	(pc) =	sbr.rel @!p1 .LBB2_74-.Ltmp58, $4  }
0x4ad: {  	v33 =	vmul.f32 v22, v13;
	v61 =	vmul.f32 v24, v12;
	v28 =	vsub.f32 v23, v8  }
0x4ae: {  	[tilespmem:v30+s12+$0x0] =	vst.idx.add.f32.msk vm0, v39;
	v29 =	vmul.f32 v24, v13;
	v23 =	vand.u32 $0xFFFFFF80, v62;
	v41 =	vadd.f32 v31, v5  }
0x4af: {  	v42 =	vpop (erf);
	v35 =	vadd.f32 v60, v38;
	v37 =	vadd.f32 v61, v63;
	v36 =	vmul.f32 v28, v11  }
0x4b0: {  	p0 =	por $0x1, $0x1;
	s26 =	sshll.u32 s26, $0x7;
	s28 =	simm.s32 $0x8;
	v31 =	vadd.f32 v40, v6;
	v38 =	vpop (erf);
	v30 =	vmul.f32 v41, v34;
	v34 =	vmul.f32 v42, v14  }
.LBB2_73:
0x4b1: {  	(drf) =	sdivrem.u32 s28, s21;
	v39 =	vmul.f32 v20, v13;
	v33 =	vadd.f32 v33, v6;
	v37 =	vadd.f32 v37, v5;
	s0 =	smov.u32 s28;
	s28 =	sadd.s32 $0x4, s28  }
0x4b2: {  	v29 =	vadd.f32 v29, v6;
	v32 =	vand.u32 $0xFFFFFF80, v32;
	s1 =	sadd.s32 $0x1, s0;
	p1 =	slt.s32 s28, s24;
	[tilespmem:v18+s12+$0x0] =	vst.idx.add.f32.msk vm0, v34;
	v18 =	vmul.f32 v38, v14  }
0x4b3: {  	v27 =	vadd.f32 v27, v36;
	(drf) =	sdivrem.u32 s1, s21;
	v34 =	vadd.f32 v39, v6;
	s1 =	sshll.u32 s25, $0xE;
	v26 =	vmul.f32 v37, v26;
	v36 =	vpop (erf)  }
0x4b4: {  	s7 =	sadd.s32 $0x2, s0;
	v35 =	vadd.f32 v35, v5;
	v24 =	vmul.f32 v29, v24;
	s1 =	sadd.s32 s1, s26;
	v29 =	vmul.f32 v36, v14  }
0x4b5: {  	s0 =	sadd.s32 $0x3, s0;
	v27 =	vadd.f32 v27, v5;
	(drf) =	sdivrem.u32 s7, s21;
	v20 =	vmul.f32 v34, v20;
	v34 =	vadd.s32 s1, v10;
	[tilespmem:v17+s12+$0x0] =	vst.idx.add.f32.msk vm0, v18  }
0x4b6: {  	v17 =	vmul.f32 v31, v21;
	v21 =	vadd.f32 v26, v24;
	(drf) =	sdivrem.u32 s0, s21;
	v18 =	vand.u32 $0xFFFFFF80, v34;
	[tilespmem:v16+s12+$0x0] =	vst.idx.add.f32.msk vm0, v29  }
0x4b7: {  	v25 =	vmul.f32 v35, v25;
	v24 =	vmul.f32 v27, v28;
	v16 =	vor.u32 v15, v32  }
0x4b8: {  	v22 =	vmul.f32 v33, v22;
	v21 =	vadd.f32 v21, v4  }
0x4b9: {  	v20 =	vadd.f32 v24, v20;
	v24 =	vadd.f32 v25, v17  }
0x4ba: {  	v22 =	vadd.f32 v30, v22;
	v17 =	vor.u32 v15, v18;
	s0 =	spop (drf)  }
0x4bb: {  	v18 =	vor.u32 v15, v23;
	v20 =	vadd.f32 v20, v4;
	v24 =	vadd.f32 v24, v4;
	s1 =	spop (drf);
	s0 =	sadd.s32 s20, s0  }
0x4bc: {  	v30 =	vor.u32 v15, v19;
	v19 =	vadd.f32 v22, v4;
	v23 =	vmov s0;
	s7 =	sadd.s32 s23, s1;
	s1 =	sshll.u32 s1, $0x7;
	s8 =	spop (drf)  }
0x4bd: {  	v20 =	vmul.f32 $1.442695020e+00, v20;
	v23 =	vcvt.s32.f32 v23;
	v22 =	vmov s7;
	s29 =	spop (drf);
	s7 =	sadd.s32 s20, s8  }
0x4be: {  	v24 =	vmul.f32 $1.442695020e+00, v24;
	v22 =	vcvt.s32.f32 v22;
	v25 =	vmov s7;
	s8 =	sadd.s32 s23, s29;
	s30 =	sshll.u32 s7, $0xE;
	s7 =	spop (drf)  }
0x4bf: {  	v19 =	vmul.f32 $1.442695020e+00, v19;
	v25 =	vcvt.s32.f32 v25;
	v26 =	vmov s8;
	s8 =	spop (drf);
	s25 =	sadd.s32 s20, s7  }
0x4c0: {  	v22 =	vbroadcast v22, $0x0;
	v26 =	vcvt.s32.f32 v26;
	v27 =	vmov s25;
	s7 =	sadd.s32 s23, s8;
	s26 =	sshll.u32 s8, $0x7;
	s8 =	spop (drf)  }
0x4c1: {  	v27 =	vcvt.s32.f32 v27;
	v28 =	vmov s7;
	s7 =	spop (drf);
	s8 =	sadd.s32 s20, s8;
	(erf) = vpow2.f32 v20  }
0x4c2: {  	v26 =	vbroadcast v26, $0x0;
	v28 =	vcvt.s32.f32 v28;
	v20 =	vmov s8;
	s14 =	sadd.s32 s23, s7;
	s8 =	sshll.u32 s8, $0xE  }
0x4c3: {  	v32 =	vmul.f32 $1.442695020e+00, v21;
	v29 =	vcvt.s32.f32 v20;
	v31 =	vmov s14  }
0x4c4: {  	s0 =	sshll.u32 s0, $0xE;
	v20 =	vsub.f32 v22, v9;
	v22 =	vbroadcast v27, $0x0;
	v27 =	vcvt.s32.f32 v31  }
0x4c5: {  	s0 =	sadd.s32 s0, s1;
	v25 =	vbroadcast v25, $0x0;
	v21 =	vsub.f32 v26, v9;
	v26 =	vbroadcast v29, $0x0  }
0x4c6: {  	v29 =	vadd.s32 s0, v10;
	v31 =	vbroadcast v27, $0x0;
	(erf) = vpow2.f32 v24  }
0x4c7: {  	v34 =	vsub.f32 v22, v8;
	v22 =	vbroadcast v28, $0x0;
	v27 =	vmul.f32 v20, v12  }
0x4c8: {  	v26 =	vsub.f32 v26, v8;
	v24 =	vsub.f32 v31, v9;
	(erf) = vpow2.f32 v19  }
0x4c9: {  	v35 =	vmul.f32 v21, v12;
	v22 =	vsub.f32 v22, v9;
	v28 =	vmul.f32 v34, v11  }
0x4ca: {  	s0 =	sshll.u32 s29, $0x7;
	v19 =	vand.u32 $0xFFFFFF80, v29;
	v31 =	vmul.f32 v24, v12;
	v29 =	vmul.f32 v24, v13  }
0x4cb: {  	v25 =	vsub.f32 v25, v8;
	s0 =	sadd.s32 s30, s0;
	v33 =	vmul.f32 v22, v12;
	(erf) = vpow2.f32 v32  }
0x4cc: {  	v23 =	vbroadcast v23, $0x0;
	v36 =	vmul.f32 v26, v11;
	v32 =	vadd.s32 s0, v10  }
.Ltmp59:
0x4cd: {  	v38 =	vmul.f32 v25, v11;
	v37 =	vadd.f32 v33, v28;
	v33 =	vmul.f32 v22, v13;
	v39 =	vpop (erf);
	(pc) =	sbr.rel @p1 .LBB2_73-.Ltmp59, $4  }
0x4ce: {  	v40 =	vmul.f32 v21, v13;
	v28 =	vsub.f32 v23, v8;
	s0 =	sshll.u32 s7, $0x7;
	v39 =	vmul.f32 v39, v14  }
0x4cf: {  	v23 =	vand.u32 $0xFFFFFF80, v32;
	s0 =	sadd.s32 s8, s0;
	v41 =	vadd.f32 v37, v5;
	v37 =	vadd.f32 v31, v36;
	v42 =	vpop (erf)  }
0x4d0: {  	v36 =	vmul.f32 v28, v11;
	v31 =	vadd.f32 v40, v6;
	v32 =	vadd.s32 s0, v10;
	[tilespmem:v30+s12+$0x0] =	vst.idx.add.f32.msk vm0, v39  }
0x4d1: {  	v35 =	vadd.f32 v35, v38;
	v30 =	vmul.f32 v41, v34;
	v34 =	vmul.f32 v42, v14;
	v38 =	vpop (erf)  }
.LBB2_74:
0x4d2: {  	v39 =	vmul.f32 v20, v13;
	v27 =	vadd.f32 v27, v36;
	_ =	sdelay $0x1  }
0x4d3: {  	v54 =	vadd.f32 v39, v6;
	v27 =	vadd.f32 v27, v5  }
0x4d4: {  	v33 =	vadd.f32 v33, v6;
	v35 =	vadd.f32 v35, v5  }
0x4d5: {  	v37 =	vadd.f32 v37, v5;
	v55 =	vmul.f32 v54, v20;
	v27 =	vmul.f32 v27, v28  }
0x4d6: {  	v56 =	vadd.f32 v29, v6;
	v21 =	vmul.f32 v31, v21;
	v25 =	vmul.f32 v35, v25  }
0x4d7: {  	v22 =	vmul.f32 v33, v22;
	v20 =	vadd.f32 v27, v55  }
0x4d8: {  	v26 =	vmul.f32 v37, v26;
	v24 =	vmul.f32 v56, v24;
	v21 =	vadd.f32 v25, v21  }
0x4d9: {  	v22 =	vadd.f32 v30, v22;
	v20 =	vadd.f32 v20, v4  }
0x4da: {  	v24 =	vadd.f32 v26, v24;
	v21 =	vadd.f32 v21, v4  }
0x4db: {  	v22 =	vadd.f32 v22, v4;
	v20 =	vmul.f32 $1.442695020e+00, v20  }
0x4dc: {  	v24 =	vadd.f32 v24, v4;
	v21 =	vmul.f32 $1.442695020e+00, v21  }
0x4dd: {  	v22 =	vmul.f32 $1.442695020e+00, v22;
	(erf) = vpow2.f32 v20  }
0x4de: {  	v57 =	vmul.f32 $1.442695020e+00, v24;
	(erf) = vpow2.f32 v21  }
0x4df: {  	(erf) = vpow2.f32 v22  }
0x4e0: {  	(erf) = vpow2.f32 v57;
	_ =	sdelay $0x1  }
0x4e1: {  	s0 =	sshll.u32 s25, $0xE  }
0x4e2: {  	vm1 =	vgt.u32 v7, v3;
	s0 =	sadd.s32 s0, s26  }
0x4e3: {  	v19 =	vor.u32 v15, v19;
	v58 =	vadd.s32 s0, v10  }
0x4e4: {  	v23 =	vor.u32 v15, v23;
	v20 =	vand.u32 $0xFFFFFF80, v58;
	v21 =	vpop @p0 (erf);
	v22 =	vmul.f32 @p0 v38, v14  }
0x4e5: {  	v59 =	vand.u32 $0xFFFFFF80, v32;
	[tilespmem:v18+s12+$0x0] =	vst.idx.add.f32.msk @p0 vm0, v34;
	v20 =	vor.u32 v15, v20;
	v18 =	vmul.f32 @p0 v21, v14;
	v60 =	vpop (erf)  }
0x4e6: {  	[tilespmem:v17+s12+$0x0] =	vst.idx.add.f32.msk @p0 vm0, v22;
	v17 =	vor.u32 v15, v59;
	v21 =	vmul.f32 v60, v14;
	v61 =	vpop (erf)  }
0x4e7: {  	[tilespmem:v16+s12+$0x0] =	vst.idx.add.f32.msk @p0 vm0, v18;
	v16 =	vmul.f32 v61, v14;
	v62 =	vpop (erf)  }
0x4e8: {  	[tilespmem:v19+s12+$0x0] =	vst.idx.add.f32.msk vm1, v21;
	v18 =	vmul.f32 v62, v14;
	v63 =	vpop (erf)  }
0x4e9: {  	[tilespmem:v23+s12+$0x0] =	vst.idx.add.f32.msk vm1, v16;
	v16 =	vmul.f32 v63, v14  }
0x4ea: {  	[tilespmem:v20+s12+$0x0] =	vst.idx.add.f32.msk vm1, v18  }
0x4eb: {  	[tilespmem:v17+s12+$0x0] =	vst.idx.add.f32.msk vm1, v16  }
.LBB2_65:
0x4ec: {  	s25 =	ssub.s32 s22, s24  }
0x4ed: {  	p0 =	slt.s32 s25, $0x1  }
.Ltmp60:
0x4ee: {  	_ = 	snop;
	(pc) =	sbr.rel @p0 .LBB2_68-.Ltmp60, $1  }
0x4ef: {  	_ =	sdelay $0x3  }
0x4f0: {  	s0 =	sshll.u32 s21, $0x7;
	s1 =	sshll.u32 s22, $0x7;
	s7 =	sshll.u32 s25, $0x7  }
0x4f1: {  	s28 =	ssub.s32 $0x0, s21;
	s25 =	ssub.s32 $0x0, s0;
	s26 =	ssub.s32 s1, s7  }
.LBB2_67:
0x4f2: {  	s0 =	sshra.s32 s24, $0x1F  }
0x4f3: {  	s1 =	sxor.u32 s0, s24  }
0x4f4: {  	s1 =	ssub.s32 s1, s0  }
0x4f5: {  	(drf) =	sdiv.u32 s1, s21;
	_ =	sdelay $0x8  }
0x4f6: {  	s1 =	spop (drf)  }
0x4f7: {  	s1 =	sxor.u32 s0, s1  }
0x4f8: {  	s0 =	ssub.s32 s1, s0  }
0x4f9: {  	s1 =	smul.u32 s0, s28  }
0x4fa: {  	s7 =	sadd.s32 s24, s23  }
0x4fb: {  	s8 =	sadd.s32 s20, s0;
	s1 =	sadd.s32 s1, s7  }
0x4fc: {  	v16 =	vmov s8;
	v17 =	vmov s1  }
0x4fd: {  	v16 =	vcvt.s32.f32 v16;
	v17 =	vcvt.s32.f32 v17;
	_ =	sdelay $0x1  }
0x4fe: {  	v16 =	vbroadcast v16, $0x0;
	v17 =	vbroadcast v17, $0x0;
	_ =	sdelay $0x1  }
0x4ff: {  	v16 =	vsub.f32 v16, v8;
	v17 =	vsub.f32 v17, v9;
	_ =	sdelay $0x1  }
0x500: {  	v18 =	vmul.f32 v16, v11;
	v19 =	vmul.f32 v17, v12;
	_ =	sdelay $0x1  }
0x501: {  	v63 =	vmul.f32 v17, v13;
	v18 =	vadd.f32 v19, v18;
	_ =	sdelay $0x1  }
0x502: {  	v19 =	vadd.f32 v63, v6;
	v18 =	vadd.f32 v18, v5;
	_ =	sdelay $0x1  }
0x503: {  	v17 =	vmul.f32 v19, v17;
	v16 =	vmul.f32 v18, v16;
	_ =	sdelay $0x1  }
0x504: {  	v16 =	vadd.f32 v16, v17;
	_ =	sdelay $0x1  }
0x505: {  	v16 =	vadd.f32 v16, v4;
	_ =	sdelay $0x1  }
0x506: {  	v16 =	vmul.f32 $1.442695020e+00, v16;
	_ =	sdelay $0x1  }
0x507: {  	(erf) = vpow2.f32 v16  }
0x508: {  	s0 =	smul.u32 s0, s25;
	_ =	sdelay $0x1  }
0x509: {  	s31 =	sshll.u32 s8, $0xE;
	s0 =	sadd.s32 s0, s26  }
0x50a: {  	s0 =	sadd.s32 s31, s0  }
0x50b: {  	v16 =	vadd.s32 s0, v10  }
0x50c: {  	vm0 =	vgt.u32 v7, v3;
	s24 =	sadd.s32 $0x1, s24;
	v16 =	vand.u32 $0xFFFFFF80, v16  }
0x50d: {  	p0 =	slt.s32 s24, s22;
	v16 =	vor.u32 v15, v16  }
.Ltmp61:
0x50e: {  	_ = 	snop;
	(pc) =	sbr.rel @p0 .LBB2_67-.Ltmp61, $3  }
0x50f: {  	v17 =	vpop (erf)  }
0x510: {  	v17 =	vmul.f32 v17, v14;
	_ =	sdelay $0x1  }
0x511: {  	s26 =	sadd.s32 $0x80, s26;
	[tilespmem:v16+s12+$0x0] =	vst.idx.add.f32.msk vm0, v17  }
.Ltmp62:
0x512: {  	_ = 	snop;
	(pc) =	sbr.rel .LBB2_68-.Ltmp62, $1  }
0x513: {  	_ =	sdelay $0x3  }
.LBB2_61:
.Ltmp63:
0x514: {  	(pc) =	sbr.rel .LBB2_74-.Ltmp63, $2  }
0x515: {  	_ =	sdelay $0x2  }
0x516: {  	_ = 	snop  }
.LBB2_71:
0x517: {  	_ =	sfence.sel $0x180000  }
0x518: {  	[bflag:$0x0] =	sbarrier.arrive $0xFFFF  }
0x519: {  	_ =	strace $0x90000047  }
0x51a: {  	s0 =	stileid.u32;
	[bflag:$0x2] =	sbarrier.arrive $0xFFFF  }
0x51b: {  	p0 =	sne.s32 s0, $0x0;
	s0 =	rddreg [dreg:$0x2]  }
0x51c: {  	s0 =	sadd.s32 @!p0 $0x100000, s0  }
0x51d: {  	[sflag:s0] =	ssyncadd.tile.s32 @!p0 $0x1;
	_ =	shalt  }
.Lfunc_end2:
_tile_overlayer_lowered:
.L_overlay_start_2:
0x51e: {  	(tag) =	ssettag $0x2  }
0x51f: {  	s0 =	rddreg [dreg:$0x0];
	s2 =	stileid.u32  }
0x520: {  	s1 =	rddreg [dreg:$0x1];
	p0 =	sne.s32 s2, $0x0  }
0x521: {  	s3 =	rddreg [dreg:$0x2];
	[bflag:$0x3] =	sbarrier.arrive $0xFFFF;
	s2 =	simm.s32 @!p0 $0x1C03  }
0x522: {  	[timem:s3], [sflag:s2] =	dma.local @!p0 [hbm:s0], s1  }
0x523: {  	s0 =	simm.s32 @!p0 $0x3  }
0x524: {  	_ =	swait.ge @!p0 [sflag:s0], s1  }
0x525: {  	s1 =	ssub.s32 @!p0 $0x0, s1;
	[sflag:s0] =	ssyncset.done @!p0 $0x0  }
0x526: {  	[sflag:s0] =	ssyncadd.s32 @!p0 s1  }
0x527: {  	[bflag:$0x3] =	sbarrier.arrive $0xFFFF  }
0x528: {  	_ =	shalt  }

</sc_bundles>
